<compile_context>
chip_gen: v7x
topology: tpu7x:2x2x1
jax: 0.10.2.dev20260603
libtpu: 0.0.44.dev20260713+nightly
codegen_flags: <defaults>
</compile_context>

<pallas_src>
import functools

import jax
import jax.numpy as jnp
from jax import lax
from jax.experimental import pallas as pl
from jax.experimental.pallas import tpu as pltpu
from jax.experimental.pallas import tpu_sc as plsc

_N = 10000
_E = 320000
_D = 128
_NC = 2
_NS = 16
_NW = _NC * _NS
_EPW = _E // _NW
_CHUNK = 40
_NCHUNK = _EPW // _CHUNK
_NB = 4
_NK = 3
_NBI = 8
_NF = _NBI - _NB
_NP = 10112
_RPT = _NP // _NS


def _mp_body(x_hbm, src_hbm, dst_hbm, zero_hbm, out_hbm,
             srcs_v, dsts_v, rows_v, acc_sh, sem_i, sem_g, sem_s):
    cid = lax.axis_index("c")
    sid = lax.axis_index("s")
    wid = cid * _NS + sid
    r0 = sid * _RPT
    e0 = wid * _EPW

    def idx_copies(c):
        s = lax.rem(c, _NBI)
        return (
            pltpu.make_async_copy(src_hbm.at[pl.ds(e0 + c * _CHUNK, _CHUNK)],
                                  srcs_v.at[s], sem_i.at[s]),
            pltpu.make_async_copy(dst_hbm.at[pl.ds(e0 + c * _CHUNK, _CHUNK)],
                                  dsts_v.at[s], sem_i.at[s]),
        )

    def gather(c):
        s = lax.rem(c, _NBI)
        b = lax.rem(c, _NB)
        return pltpu.make_async_copy(x_hbm.at[srcs_v.at[s]], rows_v.at[b],
                                     sem_g.at[b])

    def scatter(c):
        s = lax.rem(c, _NBI)
        b = lax.rem(c, _NB)
        return pltpu.make_async_copy(rows_v.at[b], acc_sh.at[dsts_v.at[s]],
                                     sem_s.at[b])

    for c in range(_NF):
        a, d = idx_copies(c)
        a.start()
        d.start()
    pltpu.sync_copy(zero_hbm, rows_v.at[0])
    zcopies = [
        pltpu.make_async_copy(rows_v.at[0],
                              acc_sh.at[pl.ds(r0 + k * _CHUNK, _CHUNK)],
                              sem_s.at[0])
        for k in range(_RPT // _CHUNK)
    ] + [
        pltpu.make_async_copy(rows_v.at[0, pl.ds(0, _RPT % _CHUNK)],
                              acc_sh.at[pl.ds(r0 + _RPT - _RPT % _CHUNK,
                                              _RPT % _CHUNK)],
                              sem_s.at[0])
    ]
    for z in zcopies:
        z.start()
    for z in zcopies:
        z.wait()
    plsc.subcore_barrier()

    def step(j, carry):
        @pl.when(j >= _NB)
        def _():
            scatter(j - _NB).wait()

        @pl.when(j + _NF < _NCHUNK)
        def _():
            a, d = idx_copies(j + _NF)
            a.start()
            d.start()

        @pl.when(j < _NCHUNK)
        def _():
            a, d = idx_copies(j)
            a.wait()
            d.wait()
            gather(j).start()

        @pl.when((j >= _NK) & (j < _NCHUNK + _NK))
        def _():
            gather(j - _NK).wait()
            scatter(j - _NK).start(add=True)

        return carry

    lax.fori_loop(0, _NCHUNK + _NB, step, 0)
    plsc.subcore_barrier()
    pltpu.sync_copy(acc_sh.at[pl.ds(r0, _RPT)],
                    out_hbm.at[pl.ds(cid * _NP + r0, _RPT)])


_mp = functools.partial(
    pl.kernel,
    out_type=jax.ShapeDtypeStruct((2 * _NP, _D), jnp.float32),
    mesh=plsc.VectorSubcoreMesh(core_axis_name="c", subcore_axis_name="s"),
    scratch_types=[
        pltpu.VMEM((_NBI, _CHUNK), jnp.int32),
        pltpu.VMEM((_NBI, _CHUNK), jnp.int32),
        pltpu.VMEM((_NB, _CHUNK, _D), jnp.float32),
        pltpu.VMEM_SHARED((_NP, _D), jnp.float32),
        pltpu.SemaphoreType.DMA((_NBI,)),
        pltpu.SemaphoreType.DMA((_NB,)),
        pltpu.SemaphoreType.DMA((_NB,)),
    ],
)(_mp_body)


def _dense_body(h_ref, p_ref, w1_ref, b1_ref, g_ref, bt_ref, w2_ref, b2_ref,
                o_ref, *, relu_out):
    h = h_ref[...] + p_ref[:_N] + p_ref[_NP:_NP + _N]
    y = jnp.dot(h, w1_ref[...], preferred_element_type=jnp.float32) + b1_ref[...]
    mu = jnp.mean(y, axis=0, keepdims=True)
    d = y - mu
    var = jnp.mean(d * d, axis=0, keepdims=True)
    r = jnp.maximum(d * lax.rsqrt(var + 1e-5) * g_ref[...] + bt_ref[...], 0.0)
    o = jnp.dot(r, w2_ref[...], preferred_element_type=jnp.float32) + b2_ref[...]
    if relu_out:
        o = jnp.maximum(o, 0.0)
    o_ref[...] = o


def _dense(h, p, w1, b1, g, bt, w2, b2, relu_out):
    return pl.pallas_call(
        functools.partial(_dense_body, relu_out=relu_out),
        out_shape=jax.ShapeDtypeStruct((_N, _D), jnp.float32),
    )(h, p, w1, b1.reshape(1, _D), g.reshape(1, _D), bt.reshape(1, _D),
      w2, b2.reshape(1, _D))


def kernel(x, edge_index, l0_w1, l0_b1, l0_g, l0_beta, l0_w2, l0_b2,
           l1_w1, l1_b1, l1_g, l1_beta, l1_w2, l1_b2):
    src = edge_index[0]
    dst = edge_index[1]
    zeros = jnp.zeros((_CHUNK, _D), jnp.float32)
    p = _mp(x, src, dst, zeros)
    h0 = _dense(x, p, l0_w1, l0_b1, l0_g, l0_beta, l0_w2, l0_b2, relu_out=True)
    p = _mp(h0, src, dst, zeros)
    return _dense(h0, p, l1_w1, l1_b1, l1_g, l1_beta, l1_w2, l1_b2,
                  relu_out=False)

# --- scband reference (transcript-rebuilt; emitter-appended) ---
"""Pipeline reference for scband-gnn-64518998720917 (READ-ONLY COPY).

The authoritative reference and input builder live on the scoring server;
editing this copy changes nothing except your own understanding.
"""

import jax, jax.numpy as jnp
import numpy as np

N = 10000
E = 320000
D = 128
H = 128


def _bn(h, gamma, beta):
    # BatchNorm1d in training mode: biased batch statistics
    mu = jnp.mean(h, axis=0)
    var = jnp.var(h, axis=0)
    return (h - mu) / jnp.sqrt(var + 1e-5) * gamma + beta


def _gin_layer(x, edge_index, w1, b1, gamma, beta, w2, b2):
    src = edge_index[0]
    dst = edge_index[1]
    # GINConv: (1+eps)*x + sum_{j in N(i)} x_j, eps=0
    agg = jnp.zeros((x.shape[0], x.shape[1]), dtype=x.dtype).at[dst].add(x[src])
    h = x + agg
    h = h @ w1 + b1
    h = _bn(h, gamma, beta)
    h = jax.nn.relu(h)
    h = h @ w2 + b2
    return h


def setup_inputs(seed: int = 0) -> dict:
    key = jax.random.key(seed)
    ks = jax.random.split(key, 16)
    x = jax.random.normal(ks[0], (N, D), dtype=jnp.float32)
    edge_index = jax.random.randint(ks[1], (2, E), 0, N, dtype=jnp.int32)
    s_in = 1.0 / np.sqrt(D)
    s_h = 1.0 / np.sqrt(H)
    inp = {"x": x, "edge_index": edge_index}
    inp["l0_w1"] = jax.random.normal(ks[2], (D, H), dtype=jnp.float32) * s_in
    inp["l0_b1"] = jnp.zeros((H,), dtype=jnp.float32)
    inp["l0_g"] = jnp.ones((H,), dtype=jnp.float32)
    inp["l0_beta"] = jnp.zeros((H,), dtype=jnp.float32)
    inp["l0_w2"] = jax.random.normal(ks[3], (H, H), dtype=jnp.float32) * s_h
    inp["l0_b2"] = jnp.zeros((H,), dtype=jnp.float32)
    inp["l1_w1"] = jax.random.normal(ks[4], (H, H), dtype=jnp.float32) * s_h
    inp["l1_b1"] = jnp.zeros((H,), dtype=jnp.float32)
    inp["l1_g"] = jnp.ones((H,), dtype=jnp.float32)
    inp["l1_beta"] = jnp.zeros((H,), dtype=jnp.float32)
    inp["l1_w2"] = jax.random.normal(ks[5], (H, H), dtype=jnp.float32) * s_h
    inp["l1_b2"] = jnp.zeros((H,), dtype=jnp.float32)
    return inp


def reference(x, edge_index, l0_w1, l0_b1, l0_g, l0_beta, l0_w2, l0_b2, l1_w1, l1_b1, l1_g, l1_beta, l1_w2, l1_b2):
    # layer 0 (not last): relu after conv; dropout with p=0 is identity
    h = _gin_layer(x, edge_index, l0_w1, l0_b1, l0_g, l0_beta, l0_w2, l0_b2)
    h = jax.nn.relu(h)
    # layer 1 (last): dropout only (p=0 -> identity)
    h = _gin_layer(h, edge_index, l1_w1, l1_b1, l1_g, l1_beta, l1_w2, l1_b2)
    # JK == 'last'
    return h

if __name__ == "__main__":
    import jax
    _d = setup_inputs()
    print(jax.jit(kernel)(*tuple(_d.values())))

</pallas_src>

<mosaic_0001>
#map = affine_map<(d0, d1) -> (0, 0)>
#map1 = affine_map<(d0, d1) -> (0)>
module attributes {stable_mosaic.version = 14 : i64} {
  func.func @_mp_body(%arg0: i32, %arg1: i32, %arg2: memref<10000x128xf32, #tpu.memory_space<hbm>>, %arg3: memref<320000xi32, #tpu.memory_space<hbm>>, %arg4: memref<320000xi32, #tpu.memory_space<hbm>>, %arg5: memref<40x128xf32, #tpu.memory_space<hbm>>, %arg6: memref<20224x128xf32, #tpu.memory_space<hbm>>, %arg7: memref<8x40xi32, #tpu.memory_space<vmem>>, %arg8: memref<8x40xi32, #tpu.memory_space<vmem>>, %arg9: memref<4x40x128xf32, #tpu.memory_space<vmem>>, %arg10: memref<10112x128xf32, #tpu.memory_space<vmem_shared>>, %arg11: memref<8x!tpu.dma_semaphore, #tpu.memory_space<semaphore_mem>>, %arg12: memref<4x!tpu.dma_semaphore, #tpu.memory_space<semaphore_mem>>, %arg13: memref<4x!tpu.dma_semaphore, #tpu.memory_space<semaphore_mem>>) attributes {dimension_semantics = [#tpu.dimension_semantics<core_parallel>, #tpu.dimension_semantics<subcore_parallel>], iteration_bounds = array<i64: 2, 16>, scalar_prefetch = 0 : i64, scratch_operands = 7 : i64, tpu.core_type = #tpu.core_type<sc_vector_subcore>, window_params = [{transform_indices = #map}, {transform_indices = #map1}, {transform_indices = #map1}, {transform_indices = #map}, {transform_indices = #map}]} {
    %mul3A = arith.constant 16 : i32
    %mul3A_0 = arith.muli %arg0, %mul3A : i32
    %add3A = arith.addi %mul3A_0, %arg1 : i32
    %mul3A_1 = arith.constant 632 : i32
    %mul3A_2 = arith.muli %arg1, %mul3A_1 : i32
    %mul3A_3 = arith.constant 10000 : i32
    %mul3A_4 = arith.muli %add3A, %mul3A_3 : i32
    %rem3A = arith.constant 0 : i32
    %rem3A_5 = arith.constant 8 : i32
    %rem3A_6 = arith.remsi %rem3A, %rem3A_5 : i32
    %add3A_7 = arith.constant 0 : i32
    %add3A_8 = arith.addi %mul3A_4, %add3A_7 : i32
    %add3A_9 = arith.constant 0 : i32
    %add3A_10 = arith.addi %mul3A_4, %add3A_9 : i32
    %dma_start3A = arith.constant 0 : i32
    %dma_start3A_11 = tpu.memref_slice %arg7[%rem3A_6, %dma_start3A] : memref<8x40xi32, #tpu.memory_space<vmem>> -> memref<1x40xi32, #tpu.memory_space<vmem>>
    %dma_start3A_12 = tpu.memref_squeeze %dma_start3A_11 : memref<1x40xi32, #tpu.memory_space<vmem>> -> memref<40xi32, #tpu.memory_space<vmem>>
    %dma_start3A_13 = tpu.memref_slice %arg3[%add3A_8] : memref<320000xi32, #tpu.memory_space<hbm>> -> memref<40xi32, #tpu.memory_space<hbm>>
    %dma_start3A_14 = tpu.memref_slice %arg11[%rem3A_6] : memref<8x!tpu.dma_semaphore, #tpu.memory_space<semaphore_mem>> -> memref<1x!tpu.dma_semaphore, #tpu.memory_space<semaphore_mem>>
    %dma_start3A_15 = tpu.memref_squeeze %dma_start3A_14 : memref<1x!tpu.dma_semaphore, #tpu.memory_space<semaphore_mem>> -> memref<!tpu.dma_semaphore, #tpu.memory_space<semaphore_mem>>
    %dma_start3A_16 = arith.constant 0 : i32
    %dma_start3A_17 = tpu.memref_slice %arg7[%rem3A_6, %dma_start3A_16] : memref<8x40xi32, #tpu.memory_space<vmem>> -> memref<1x40xi32, #tpu.memory_space<vmem>>
    %dma_start3A_18 = tpu.memref_squeeze %dma_start3A_17 : memref<1x40xi32, #tpu.memory_space<vmem>> -> memref<40xi32, #tpu.memory_space<vmem>>
    %dma_start3A_19 = tpu.memref_slice %arg3[%add3A_8] : memref<320000xi32, #tpu.memory_space<hbm>> -> memref<40xi32, #tpu.memory_space<hbm>>
    tpu.enqueue_dma source(%dma_start3A_19 : memref<40xi32, #tpu.memory_space<hbm>>) target(%dma_start3A_18 : memref<40xi32, #tpu.memory_space<vmem>>) target_semaphore(%dma_start3A_15 : memref<!tpu.dma_semaphore, #tpu.memory_space<semaphore_mem>>)
    %dma_start3A_20 = arith.constant 0 : i32
    %dma_start3A_21 = tpu.memref_slice %arg8[%rem3A_6, %dma_start3A_20] : memref<8x40xi32, #tpu.memory_space<vmem>> -> memref<1x40xi32, #tpu.memory_space<vmem>>
    %dma_start3A_22 = tpu.memref_squeeze %dma_start3A_21 : memref<1x40xi32, #tpu.memory_space<vmem>> -> memref<40xi32, #tpu.memory_space<vmem>>
    %dma_start3A_23 = tpu.memref_slice %arg4[%add3A_10] : memref<320000xi32, #tpu.memory_space<hbm>> -> memref<40xi32, #tpu.memory_space<hbm>>
    %dma_start3A_24 = tpu.memref_slice %arg11[%rem3A_6] : memref<8x!tpu.dma_semaphore, #tpu.memory_space<semaphore_mem>> -> memref<1x!tpu.dma_semaphore, #tpu.memory_space<semaphore_mem>>
    %dma_start3A_25 = tpu.memref_squeeze %dma_start3A_24 : memref<1x!tpu.dma_semaphore, #tpu.memory_space<semaphore_mem>> -> memref<!tpu.dma_semaphore, #tpu.memory_space<semaphore_mem>>
    %dma_start3A_26 = arith.constant 0 : i32
    %dma_start3A_27 = tpu.memref_slice %arg8[%rem3A_6, %dma_start3A_26] : memref<8x40xi32, #tpu.memory_space<vmem>> -> memref<1x40xi32, #tpu.memory_space<vmem>>
    %dma_start3A_28 = tpu.memref_squeeze %dma_start3A_27 : memref<1x40xi32, #tpu.memory_space<vmem>> -> memref<40xi32, #tpu.memory_space<vmem>>
    %dma_start3A_29 = tpu.memref_slice %arg4[%add3A_10] : memref<320000xi32, #tpu.memory_space<hbm>> -> memref<40xi32, #tpu.memory_space<hbm>>
    tpu.enqueue_dma source(%dma_start3A_29 : memref<40xi32, #tpu.memory_space<hbm>>) target(%dma_start3A_28 : memref<40xi32, #tpu.memory_space<vmem>>) target_semaphore(%dma_start3A_25 : memref<!tpu.dma_semaphore, #tpu.memory_space<semaphore_mem>>)
    %rem3A_30 = arith.constant 1 : i32
    %rem3A_31 = arith.constant 8 : i32
    %rem3A_32 = arith.remsi %rem3A_30, %rem3A_31 : i32
    %add3A_33 = arith.constant 40 : i32
    %add3A_34 = arith.addi %mul3A_4, %add3A_33 : i32
    %add3A_35 = arith.constant 40 : i32
    %add3A_36 = arith.addi %mul3A_4, %add3A_35 : i32
    %dma_start3A_37 = arith.constant 0 : i32
    %dma_start3A_38 = tpu.memref_slice %arg7[%rem3A_32, %dma_start3A_37] : memref<8x40xi32, #tpu.memory_space<vmem>> -> memref<1x40xi32, #tpu.memory_space<vmem>>
    %dma_start3A_39 = tpu.memref_squeeze %dma_start3A_38 : memref<1x40xi32, #tpu.memory_space<vmem>> -> memref<40xi32, #tpu.memory_space<vmem>>
    %dma_start3A_40 = tpu.memref_slice %arg3[%add3A_34] : memref<320000xi32, #tpu.memory_space<hbm>> -> memref<40xi32, #tpu.memory_space<hbm>>
    %dma_start3A_41 = tpu.memref_slice %arg11[%rem3A_32] : memref<8x!tpu.dma_semaphore, #tpu.memory_space<semaphore_mem>> -> memref<1x!tpu.dma_semaphore, #tpu.memory_space<semaphore_mem>>
    %dma_start3A_42 = tpu.memref_squeeze %dma_start3A_41 : memref<1x!tpu.dma_semaphore, #tpu.memory_space<semaphore_mem>> -> memref<!tpu.dma_semaphore, #tpu.memory_space<semaphore_mem>>
    %dma_start3A_43 = arith.constant 0 : i32
    %dma_start3A_44 = tpu.memref_slice %arg7[%rem3A_32, %dma_start3A_43] : memref<8x40xi32, #tpu.memory_space<vmem>> -> memref<1x40xi32, #tpu.memory_space<vmem>>
    %dma_start3A_45 = tpu.memref_squeeze %dma_start3A_44 : memref<1x40xi32, #tpu.memory_space<vmem>> -> memref<40xi32, #tpu.memory_space<vmem>>
    %dma_start3A_46 = tpu.memref_slice %arg3[%add3A_34] : memref<320000xi32, #tpu.memory_space<hbm>> -> memref<40xi32, #tpu.memory_space<hbm>>
    tpu.enqueue_dma source(%dma_start3A_46 : memref<40xi32, #tpu.memory_space<hbm>>) target(%dma_start3A_45 : memref<40xi32, #tpu.memory_space<vmem>>) target_semaphore(%dma_start3A_42 : memref<!tpu.dma_semaphore, #tpu.memory_space<semaphore_mem>>)
    %dma_start3A_47 = arith.constant 0 : i32
    %dma_start3A_48 = tpu.memref_slice %arg8[%rem3A_32, %dma_start3A_47] : memref<8x40xi32, #tpu.memory_space<vmem>> -> memref<1x40xi32, #tpu.memory_space<vmem>>
    %dma_start3A_49 = tpu.memref_squeeze %dma_start3A_48 : memref<1x40xi32, #tpu.memory_space<vmem>> -> memref<40xi32, #tpu.memory_space<vmem>>
    %dma_start3A_50 = tpu.memref_slice %arg4[%add3A_36] : memref<320000xi32, #tpu.memory_space<hbm>> -> memref<40xi32, #tpu.memory_space<hbm>>
    %dma_start3A_51 = tpu.memref_slice %arg11[%rem3A_32] : memref<8x!tpu.dma_semaphore, #tpu.memory_space<semaphore_mem>> -> memref<1x!tpu.dma_semaphore, #tpu.memory_space<semaphore_mem>>
    %dma_start3A_52 = tpu.memref_squeeze %dma_start3A_51 : memref<1x!tpu.dma_semaphore, #tpu.memory_space<semaphore_mem>> -> memref<!tpu.dma_semaphore, #tpu.memory_space<semaphore_mem>>
    %dma_start3A_53 = arith.constant 0 : i32
    %dma_start3A_54 = tpu.memref_slice %arg8[%rem3A_32, %dma_start3A_53] : memref<8x40xi32, #tpu.memory_space<vmem>> -> memref<1x40xi32, #tpu.memory_space<vmem>>
    %dma_start3A_55 = tpu.memref_squeeze %dma_start3A_54 : memref<1x40xi32, #tpu.memory_space<vmem>> -> memref<40xi32, #tpu.memory_space<vmem>>
    %dma_start3A_56 = tpu.memref_slice %arg4[%add3A_36] : memref<320000xi32, #tpu.memory_space<hbm>> -> memref<40xi32, #tpu.memory_space<hbm>>
    tpu.enqueue_dma source(%dma_start3A_56 : memref<40xi32, #tpu.memory_space<hbm>>) target(%dma_start3A_55 : memref<40xi32, #tpu.memory_space<vmem>>) target_semaphore(%dma_start3A_52 : memref<!tpu.dma_semaphore, #tpu.memory_space<semaphore_mem>>)
    %rem3A_57 = arith.constant 2 : i32
    %rem3A_58 = arith.constant 8 : i32
    %rem3A_59 = arith.remsi %rem3A_57, %rem3A_58 : i32
    %add3A_60 = arith.constant 80 : i32
    %add3A_61 = arith.addi %mul3A_4, %add3A_60 : i32
    %add3A_62 = arith.constant 80 : i32
    %add3A_63 = arith.addi %mul3A_4, %add3A_62 : i32
    %dma_start3A_64 = arith.constant 0 : i32
    %dma_start3A_65 = tpu.memref_slice %arg7[%rem3A_59, %dma_start3A_64] : memref<8x40xi32, #tpu.memory_space<vmem>> -> memref<1x40xi32, #tpu.memory_space<vmem>>
    %dma_start3A_66 = tpu.memref_squeeze %dma_start3A_65 : memref<1x40xi32, #tpu.memory_space<vmem>> -> memref<40xi32, #tpu.memory_space<vmem>>
    %dma_start3A_67 = tpu.memref_slice %arg3[%add3A_61] : memref<320000xi32, #tpu.memory_space<hbm>> -> memref<40xi32, #tpu.memory_space<hbm>>
    %dma_start3A_68 = tpu.memref_slice %arg11[%rem3A_59] : memref<8x!tpu.dma_semaphore, #tpu.memory_space<semaphore_mem>> -> memref<1x!tpu.dma_semaphore, #tpu.memory_space<semaphore_mem>>
    %dma_start3A_69 = tpu.memref_squeeze %dma_start3A_68 : memref<1x!tpu.dma_semaphore, #tpu.memory_space<semaphore_mem>> -> memref<!tpu.dma_semaphore, #tpu.memory_space<semaphore_mem>>
    %dma_start3A_70 = arith.constant 0 : i32
    %dma_start3A_71 = tpu.memref_slice %arg7[%rem3A_59, %dma_start3A_70] : memref<8x40xi32, #tpu.memory_space<vmem>> -> memref<1x40xi32, #tpu.memory_space<vmem>>
    %dma_start3A_72 = tpu.memref_squeeze %dma_start3A_71 : memref<1x40xi32, #tpu.memory_space<vmem>> -> memref<40xi32, #tpu.memory_space<vmem>>
    %dma_start3A_73 = tpu.memref_slice %arg3[%add3A_61] : memref<320000xi32, #tpu.memory_space<hbm>> -> memref<40xi32, #tpu.memory_space<hbm>>
    tpu.enqueue_dma source(%dma_start3A_73 : memref<40xi32, #tpu.memory_space<hbm>>) target(%dma_start3A_72 : memref<40xi32, #tpu.memory_space<vmem>>) target_semaphore(%dma_start3A_69 : memref<!tpu.dma_semaphore, #tpu.memory_space<semaphore_mem>>)
    %dma_start3A_74 = arith.constant 0 : i32
    %dma_start3A_75 = tpu.memref_slice %arg8[%rem3A_59, %dma_start3A_74] : memref<8x40xi32, #tpu.memory_space<vmem>> -> memref<1x40xi32, #tpu.memory_space<vmem>>
    %dma_start3A_76 = tpu.memref_squeeze %dma_start3A_75 : memref<1x40xi32, #tpu.memory_space<vmem>> -> memref<40xi32, #tpu.memory_space<vmem>>
    %dma_start3A_77 = tpu.memref_slice %arg4[%add3A_63] : memref<320000xi32, #tpu.memory_space<hbm>> -> memref<40xi32, #tpu.memory_space<hbm>>
    %dma_start3A_78 = tpu.memref_slice %arg11[%rem3A_59] : memref<8x!tpu.dma_semaphore, #tpu.memory_space<semaphore_mem>> -> memref<1x!tpu.dma_semaphore, #tpu.memory_space<semaphore_mem>>
    %dma_start3A_79 = tpu.memref_squeeze %dma_start3A_78 : memref<1x!tpu.dma_semaphore, #tpu.memory_space<semaphore_mem>> -> memref<!tpu.dma_semaphore, #tpu.memory_space<semaphore_mem>>
    %dma_start3A_80 = arith.constant 0 : i32
    %dma_start3A_81 = tpu.memref_slice %arg8[%rem3A_59, %dma_start3A_80] : memref<8x40xi32, #tpu.memory_space<vmem>> -> memref<1x40xi32, #tpu.memory_space<vmem>>
    %dma_start3A_82 = tpu.memref_squeeze %dma_start3A_81 : memref<1x40xi32, #tpu.memory_space<vmem>> -> memref<40xi32, #tpu.memory_space<vmem>>
    %dma_start3A_83 = tpu.memref_slice %arg4[%add3A_63] : memref<320000xi32, #tpu.memory_space<hbm>> -> memref<40xi32, #tpu.memory_space<hbm>>
    tpu.enqueue_dma source(%dma_start3A_83 : memref<40xi32, #tpu.memory_space<hbm>>) target(%dma_start3A_82 : memref<40xi32, #tpu.memory_space<vmem>>) target_semaphore(%dma_start3A_79 : memref<!tpu.dma_semaphore, #tpu.memory_space<semaphore_mem>>)
    %rem3A_84 = arith.constant 3 : i32
    %rem3A_85 = arith.constant 8 : i32
    %rem3A_86 = arith.remsi %rem3A_84, %rem3A_85 : i32
    %add3A_87 = arith.constant 120 : i32
    %add3A_88 = arith.addi %mul3A_4, %add3A_87 : i32
    %add3A_89 = arith.constant 120 : i32
    %add3A_90 = arith.addi %mul3A_4, %add3A_89 : i32
    %dma_start3A_91 = arith.constant 0 : i32
    %dma_start3A_92 = tpu.memref_slice %arg7[%rem3A_86, %dma_start3A_91] : memref<8x40xi32, #tpu.memory_space<vmem>> -> memref<1x40xi32, #tpu.memory_space<vmem>>
    %dma_start3A_93 = tpu.memref_squeeze %dma_start3A_92 : memref<1x40xi32, #tpu.memory_space<vmem>> -> memref<40xi32, #tpu.memory_space<vmem>>
    %dma_start3A_94 = tpu.memref_slice %arg3[%add3A_88] : memref<320000xi32, #tpu.memory_space<hbm>> -> memref<40xi32, #tpu.memory_space<hbm>>
    %dma_start3A_95 = tpu.memref_slice %arg11[%rem3A_86] : memref<8x!tpu.dma_semaphore, #tpu.memory_space<semaphore_mem>> -> memref<1x!tpu.dma_semaphore, #tpu.memory_space<semaphore_mem>>
    %dma_start3A_96 = tpu.memref_squeeze %dma_start3A_95 : memref<1x!tpu.dma_semaphore, #tpu.memory_space<semaphore_mem>> -> memref<!tpu.dma_semaphore, #tpu.memory_space<semaphore_mem>>
    %dma_start3A_97 = arith.constant 0 : i32
    %dma_start3A_98 = tpu.memref_slice %arg7[%rem3A_86, %dma_start3A_97] : memref<8x40xi32, #tpu.memory_space<vmem>> -> memref<1x40xi32, #tpu.memory_space<vmem>>
    %dma_start3A_99 = tpu.memref_squeeze %dma_start3A_98 : memref<1x40xi32, #tpu.memory_space<vmem>> -> memref<40xi32, #tpu.memory_space<vmem>>
    %dma_start3A_100 = tpu.memref_slice %arg3[%add3A_88] : memref<320000xi32, #tpu.memory_space<hbm>> -> memref<40xi32, #tpu.memory_space<hbm>>
    tpu.enqueue_dma source(%dma_start3A_100 : memref<40xi32, #tpu.memory_space<hbm>>) target(%dma_start3A_99 : memref<40xi32, #tpu.memory_space<vmem>>) target_semaphore(%dma_start3A_96 : memref<!tpu.dma_semaphore, #tpu.memory_space<semaphore_mem>>)
    %dma_start3A_101 = arith.constant 0 : i32
    %dma_start3A_102 = tpu.memref_slice %arg8[%rem3A_86, %dma_start3A_101] : memref<8x40xi32, #tpu.memory_space<vmem>> -> memref<1x40xi32, #tpu.memory_space<vmem>>
    %dma_start3A_103 = tpu.memref_squeeze %dma_start3A_102 : memref<1x40xi32, #tpu.memory_space<vmem>> -> memref<40xi32, #tpu.memory_space<vmem>>
    %dma_start3A_104 = tpu.memref_slice %arg4[%add3A_90] : memref<320000xi32, #tpu.memory_space<hbm>> -> memref<40xi32, #tpu.memory_space<hbm>>
    %dma_start3A_105 = tpu.memref_slice %arg11[%rem3A_86] : memref<8x!tpu.dma_semaphore, #tpu.memory_space<semaphore_mem>> -> memref<1x!tpu.dma_semaphore, #tpu.memory_space<semaphore_mem>>
    %dma_start3A_106 = tpu.memref_squeeze %dma_start3A_105 : memref<1x!tpu.dma_semaphore, #tpu.memory_space<semaphore_mem>> -> memref<!tpu.dma_semaphore, #tpu.memory_space<semaphore_mem>>
    %dma_start3A_107 = arith.constant 0 : i32
    %dma_start3A_108 = tpu.memref_slice %arg8[%rem3A_86, %dma_start3A_107] : memref<8x40xi32, #tpu.memory_space<vmem>> -> memref<1x40xi32, #tpu.memory_space<vmem>>
    %dma_start3A_109 = tpu.memref_squeeze %dma_start3A_108 : memref<1x40xi32, #tpu.memory_space<vmem>> -> memref<40xi32, #tpu.memory_space<vmem>>
    %dma_start3A_110 = tpu.memref_slice %arg4[%add3A_90] : memref<320000xi32, #tpu.memory_space<hbm>> -> memref<40xi32, #tpu.memory_space<hbm>>
    tpu.enqueue_dma source(%dma_start3A_110 : memref<40xi32, #tpu.memory_space<hbm>>) target(%dma_start3A_109 : memref<40xi32, #tpu.memory_space<vmem>>) target_semaphore(%dma_start3A_106 : memref<!tpu.dma_semaphore, #tpu.memory_space<semaphore_mem>>)
    %run_scoped3A = arith.constant 0 : i32
    "tpu.region"() ({
      %run_scoped3A_664 = tpu.sem_alloc : memref<!tpu.dma_semaphore, #tpu.memory_space<semaphore_mem>>
      %dma_start3A_665 = arith.constant 0 : i32
      %dma_start3A_666 = arith.constant 0 : i32
      %dma_start3A_667 = tpu.memref_slice %arg9[%run_scoped3A, %dma_start3A_665, %dma_start3A_666] : memref<4x40x128xf32, #tpu.memory_space<vmem>> -> memref<1x40x128xf32, #tpu.memory_space<vmem>>
      %dma_start3A_668 = tpu.memref_squeeze %dma_start3A_667 : memref<1x40x128xf32, #tpu.memory_space<vmem>> -> memref<40x128xf32, #tpu.memory_space<vmem>>
      %dma_start3A_669 = arith.constant 0 : i32
      %dma_start3A_670 = arith.constant 0 : i32
      %dma_start3A_671 = tpu.memref_slice %arg9[%run_scoped3A, %dma_start3A_669, %dma_start3A_670] : memref<4x40x128xf32, #tpu.memory_space<vmem>> -> memref<1x40x128xf32, #tpu.memory_space<vmem>>
      %dma_start3A_672 = tpu.memref_squeeze %dma_start3A_671 : memref<1x40x128xf32, #tpu.memory_space<vmem>> -> memref<40x128xf32, #tpu.memory_space<vmem>>
      tpu.enqueue_dma source(%arg5 : memref<40x128xf32, #tpu.memory_space<hbm>>) target(%dma_start3A_672 : memref<40x128xf32, #tpu.memory_space<vmem>>) target_semaphore(%run_scoped3A_664 : memref<!tpu.dma_semaphore, #tpu.memory_space<semaphore_mem>>)
      %dma_wait3A_673 = arith.constant 0 : i32
      %dma_wait3A_674 = arith.constant 0 : i32
      %dma_wait3A_675 = tpu.memref_slice %arg9[%run_scoped3A, %dma_wait3A_673, %dma_wait3A_674] : memref<4x40x128xf32, #tpu.memory_space<vmem>> -> memref<1x40x128xf32, #tpu.memory_space<vmem>>
      %dma_wait3A_676 = tpu.memref_squeeze %dma_wait3A_675 : memref<1x40x128xf32, #tpu.memory_space<vmem>> -> memref<40x128xf32, #tpu.memory_space<vmem>>
      %dma_wait3A_677 = arith.constant 0 : i32
      %dma_wait3A_678 = arith.constant 0 : i32
      %dma_wait3A_679 = tpu.memref_slice %arg9[%run_scoped3A, %dma_wait3A_677, %dma_wait3A_678] : memref<4x40x128xf32, #tpu.memory_space<vmem>> -> memref<1x40x128xf32, #tpu.memory_space<vmem>>
      %dma_wait3A_680 = tpu.memref_squeeze %dma_wait3A_679 : memref<1x40x128xf32, #tpu.memory_space<vmem>> -> memref<40x128xf32, #tpu.memory_space<vmem>>
      tpu.wait_dma2 semaphore(%run_scoped3A_664 : memref<!tpu.dma_semaphore, #tpu.memory_space<semaphore_mem>>) src(%arg5 : memref<40x128xf32, #tpu.memory_space<hbm>>) dst(%dma_wait3A_680 : memref<40x128xf32, #tpu.memory_space<vmem>>)
      tpu.yield
    }) : () -> ()
    %add3A_111 = arith.constant 0 : i32
    %add3A_112 = arith.addi %mul3A_2, %add3A_111 : i32
    %add3A_113 = arith.constant 40 : i32
    %add3A_114 = arith.addi %mul3A_2, %add3A_113 : i32
    %add3A_115 = arith.constant 80 : i32
    %add3A_116 = arith.addi %mul3A_2, %add3A_115 : i32
    %add3A_117 = arith.constant 120 : i32
    %add3A_118 = arith.addi %mul3A_2, %add3A_117 : i32
    %add3A_119 = arith.constant 160 : i32
    %add3A_120 = arith.addi %mul3A_2, %add3A_119 : i32
    %add3A_121 = arith.constant 200 : i32
    %add3A_122 = arith.addi %mul3A_2, %add3A_121 : i32
    %add3A_123 = arith.constant 240 : i32
    %add3A_124 = arith.addi %mul3A_2, %add3A_123 : i32
    %add3A_125 = arith.constant 280 : i32
    %add3A_126 = arith.addi %mul3A_2, %add3A_125 : i32
    %add3A_127 = arith.constant 320 : i32
    %add3A_128 = arith.addi %mul3A_2, %add3A_127 : i32
    %add3A_129 = arith.constant 360 : i32
    %add3A_130 = arith.addi %mul3A_2, %add3A_129 : i32
    %add3A_131 = arith.constant 400 : i32
    %add3A_132 = arith.addi %mul3A_2, %add3A_131 : i32
    %add3A_133 = arith.constant 440 : i32
    %add3A_134 = arith.addi %mul3A_2, %add3A_133 : i32
    %add3A_135 = arith.constant 480 : i32
    %add3A_136 = arith.addi %mul3A_2, %add3A_135 : i32
    %add3A_137 = arith.constant 520 : i32
    %add3A_138 = arith.addi %mul3A_2, %add3A_137 : i32
    %add3A_139 = arith.constant 560 : i32
    %add3A_140 = arith.addi %mul3A_2, %add3A_139 : i32
    %add3A_141 = arith.constant 632 : i32
    %add3A_142 = arith.addi %mul3A_2, %add3A_141 : i32
    %sub3A = arith.constant 32 : i32
    %sub3A_143 = arith.subi %add3A_142, %sub3A : i32
    %dma_start3A_144 = arith.constant 0 : i32
    %dma_start3A_145 = arith.constant 0 : i32
    %dma_start3A_146 = arith.constant 0 : i32
    %dma_start3A_147 = arith.constant 0 : i32
    %dma_start3A_148 = tpu.memref_slice %arg9[%dma_start3A_144, %dma_start3A_146, %dma_start3A_147] : memref<4x40x128xf32, #tpu.memory_space<vmem>> -> memref<1x40x128xf32, #tpu.memory_space<vmem>>
    %dma_start3A_149 = tpu.memref_squeeze %dma_start3A_148 : memref<1x40x128xf32, #tpu.memory_space<vmem>> -> memref<40x128xf32, #tpu.memory_space<vmem>>
    %dma_start3A_150 = arith.constant 0 : i32
    %dma_start3A_151 = tpu.memref_slice %arg10[%add3A_112, %dma_start3A_150] : memref<10112x128xf32, #tpu.memory_space<vmem_shared>> -> memref<40x128xf32, #tpu.memory_space<vmem_shared>>
    %dma_start3A_152 = tpu.memref_slice %arg13[%dma_start3A_145] : memref<4x!tpu.dma_semaphore, #tpu.memory_space<semaphore_mem>> -> memref<1x!tpu.dma_semaphore, #tpu.memory_space<semaphore_mem>>
    %dma_start3A_153 = tpu.memref_squeeze %dma_start3A_152 : memref<1x!tpu.dma_semaphore, #tpu.memory_space<semaphore_mem>> -> memref<!tpu.dma_semaphore, #tpu.memory_space<semaphore_mem>>
    %dma_start3A_154 = arith.constant 0 : i32
    %dma_start3A_155 = tpu.memref_slice %arg10[%add3A_112, %dma_start3A_154] : memref<10112x128xf32, #tpu.memory_space<vmem_shared>> -> memref<40x128xf32, #tpu.memory_space<vmem_shared>>
    %dma_start3A_156 = arith.constant 0 : i32
    %dma_start3A_157 = arith.constant 0 : i32
    %dma_start3A_158 = tpu.memref_slice %arg9[%dma_start3A_144, %dma_start3A_156, %dma_start3A_157] : memref<4x40x128xf32, #tpu.memory_space<vmem>> -> memref<1x40x128xf32, #tpu.memory_space<vmem>>
    %dma_start3A_159 = tpu.memref_squeeze %dma_start3A_158 : memref<1x40x128xf32, #tpu.memory_space<vmem>> -> memref<40x128xf32, #tpu.memory_space<vmem>>
    tpu.enqueue_dma source(%dma_start3A_159 : memref<40x128xf32, #tpu.memory_space<vmem>>) target(%dma_start3A_155 : memref<40x128xf32, #tpu.memory_space<vmem_shared>>) target_semaphore(%dma_start3A_153 : memref<!tpu.dma_semaphore, #tpu.memory_space<semaphore_mem>>)
    %dma_start3A_160 = arith.constant 0 : i32
    %dma_start3A_161 = arith.constant 0 : i32
    %dma_start3A_162 = arith.constant 0 : i32
    %dma_start3A_163 = arith.constant 0 : i32
    %dma_start3A_164 = tpu.memref_slice %arg9[%dma_start3A_160, %dma_start3A_162, %dma_start3A_163] : memref<4x40x128xf32, #tpu.memory_space<vmem>> -> memref<1x40x128xf32, #tpu.memory_space<vmem>>
    %dma_start3A_165 = tpu.memref_squeeze %dma_start3A_164 : memref<1x40x128xf32, #tpu.memory_space<vmem>> -> memref<40x128xf32, #tpu.memory_space<vmem>>
    %dma_start3A_166 = arith.constant 0 : i32
    %dma_start3A_167 = tpu.memref_slice %arg10[%add3A_114, %dma_start3A_166] : memref<10112x128xf32, #tpu.memory_space<vmem_shared>> -> memref<40x128xf32, #tpu.memory_space<vmem_shared>>
    %dma_start3A_168 = tpu.memref_slice %arg13[%dma_start3A_161] : memref<4x!tpu.dma_semaphore, #tpu.memory_space<semaphore_mem>> -> memref<1x!tpu.dma_semaphore, #tpu.memory_space<semaphore_mem>>
    %dma_start3A_169 = tpu.memref_squeeze %dma_start3A_168 : memref<1x!tpu.dma_semaphore, #tpu.memory_space<semaphore_mem>> -> memref<!tpu.dma_semaphore, #tpu.memory_space<semaphore_mem>>
    %dma_start3A_170 = arith.constant 0 : i32
    %dma_start3A_171 = tpu.memref_slice %arg10[%add3A_114, %dma_start3A_170] : memref<10112x128xf32, #tpu.memory_space<vmem_shared>> -> memref<40x128xf32, #tpu.memory_space<vmem_shared>>
    %dma_start3A_172 = arith.constant 0 : i32
    %dma_start3A_173 = arith.constant 0 : i32
    %dma_start3A_174 = tpu.memref_slice %arg9[%dma_start3A_160, %dma_start3A_172, %dma_start3A_173] : memref<4x40x128xf32, #tpu.memory_space<vmem>> -> memref<1x40x128xf32, #tpu.memory_space<vmem>>
    %dma_start3A_175 = tpu.memref_squeeze %dma_start3A_174 : memref<1x40x128xf32, #tpu.memory_space<vmem>> -> memref<40x128xf32, #tpu.memory_space<vmem>>
    tpu.enqueue_dma source(%dma_start3A_175 : memref<40x128xf32, #tpu.memory_space<vmem>>) target(%dma_start3A_171 : memref<40x128xf32, #tpu.memory_space<vmem_shared>>) target_semaphore(%dma_start3A_169 : memref<!tpu.dma_semaphore, #tpu.memory_space<semaphore_mem>>)
    %dma_start3A_176 = arith.constant 0 : i32
    %dma_start3A_177 = arith.constant 0 : i32
    %dma_start3A_178 = arith.constant 0 : i32
    %dma_start3A_179 = arith.constant 0 : i32
    %dma_start3A_180 = tpu.memref_slice %arg9[%dma_start3A_176, %dma_start3A_178, %dma_start3A_179] : memref<4x40x128xf32, #tpu.memory_space<vmem>> -> memref<1x40x128xf32, #tpu.memory_space<vmem>>
    %dma_start3A_181 = tpu.memref_squeeze %dma_start3A_180 : memref<1x40x128xf32, #tpu.memory_space<vmem>> -> memref<40x128xf32, #tpu.memory_space<vmem>>
    %dma_start3A_182 = arith.constant 0 : i32
    %dma_start3A_183 = tpu.memref_slice %arg10[%add3A_116, %dma_start3A_182] : memref<10112x128xf32, #tpu.memory_space<vmem_shared>> -> memref<40x128xf32, #tpu.memory_space<vmem_shared>>
    %dma_start3A_184 = tpu.memref_slice %arg13[%dma_start3A_177] : memref<4x!tpu.dma_semaphore, #tpu.memory_space<semaphore_mem>> -> memref<1x!tpu.dma_semaphore, #tpu.memory_space<semaphore_mem>>
    %dma_start3A_185 = tpu.memref_squeeze %dma_start3A_184 : memref<1x!tpu.dma_semaphore, #tpu.memory_space<semaphore_mem>> -> memref<!tpu.dma_semaphore, #tpu.memory_space<semaphore_mem>>
    %dma_start3A_186 = arith.constant 0 : i32
    %dma_start3A_187 = tpu.memref_slice %arg10[%add3A_116, %dma_start3A_186] : memref<10112x128xf32, #tpu.memory_space<vmem_shared>> -> memref<40x128xf32, #tpu.memory_space<vmem_shared>>
    %dma_start3A_188 = arith.constant 0 : i32
    %dma_start3A_189 = arith.constant 0 : i32
    %dma_start3A_190 = tpu.memref_slice %arg9[%dma_start3A_176, %dma_start3A_188, %dma_start3A_189] : memref<4x40x128xf32, #tpu.memory_space<vmem>> -> memref<1x40x128xf32, #tpu.memory_space<vmem>>
    %dma_start3A_191 = tpu.memref_squeeze %dma_start3A_190 : memref<1x40x128xf32, #tpu.memory_space<vmem>> -> memref<40x128xf32, #tpu.memory_space<vmem>>
    tpu.enqueue_dma source(%dma_start3A_191 : memref<40x128xf32, #tpu.memory_space<vmem>>) target(%dma_start3A_187 : memref<40x128xf32, #tpu.memory_space<vmem_shared>>) target_semaphore(%dma_start3A_185 : memref<!tpu.dma_semaphore, #tpu.memory_space<semaphore_mem>>)
    %dma_start3A_192 = arith.constant 0 : i32
    %dma_start3A_193 = arith.constant 0 : i32
    %dma_start3A_194 = arith.constant 0 : i32
    %dma_start3A_195 = arith.constant 0 : i32
    %dma_start3A_196 = tpu.memref_slice %arg9[%dma_start3A_192, %dma_start3A_194, %dma_start3A_195] : memref<4x40x128xf32, #tpu.memory_space<vmem>> -> memref<1x40x128xf32, #tpu.memory_space<vmem>>
    %dma_start3A_197 = tpu.memref_squeeze %dma_start3A_196 : memref<1x40x128xf32, #tpu.memory_space<vmem>> -> memref<40x128xf32, #tpu.memory_space<vmem>>
    %dma_start3A_198 = arith.constant 0 : i32
    %dma_start3A_199 = tpu.memref_slice %arg10[%add3A_118, %dma_start3A_198] : memref<10112x128xf32, #tpu.memory_space<vmem_shared>> -> memref<40x128xf32, #tpu.memory_space<vmem_shared>>
    %dma_start3A_200 = tpu.memref_slice %arg13[%dma_start3A_193] : memref<4x!tpu.dma_semaphore, #tpu.memory_space<semaphore_mem>> -> memref<1x!tpu.dma_semaphore, #tpu.memory_space<semaphore_mem>>
    %dma_start3A_201 = tpu.memref_squeeze %dma_start3A_200 : memref<1x!tpu.dma_semaphore, #tpu.memory_space<semaphore_mem>> -> memref<!tpu.dma_semaphore, #tpu.memory_space<semaphore_mem>>
    %dma_start3A_202 = arith.constant 0 : i32
    %dma_start3A_203 = tpu.memref_slice %arg10[%add3A_118, %dma_start3A_202] : memref<10112x128xf32, #tpu.memory_space<vmem_shared>> -> memref<40x128xf32, #tpu.memory_space<vmem_shared>>
    %dma_start3A_204 = arith.constant 0 : i32
    %dma_start3A_205 = arith.constant 0 : i32
    %dma_start3A_206 = tpu.memref_slice %arg9[%dma_start3A_192, %dma_start3A_204, %dma_start3A_205] : memref<4x40x128xf32, #tpu.memory_space<vmem>> -> memref<1x40x128xf32, #tpu.memory_space<vmem>>
    %dma_start3A_207 = tpu.memref_squeeze %dma_start3A_206 : memref<1x40x128xf32, #tpu.memory_space<vmem>> -> memref<40x128xf32, #tpu.memory_space<vmem>>
    tpu.enqueue_dma source(%dma_start3A_207 : memref<40x128xf32, #tpu.memory_space<vmem>>) target(%dma_start3A_203 : memref<40x128xf32, #tpu.memory_space<vmem_shared>>) target_semaphore(%dma_start3A_201 : memref<!tpu.dma_semaphore, #tpu.memory_space<semaphore_mem>>)
    %dma_start3A_208 = arith.constant 0 : i32
    %dma_start3A_209 = arith.constant 0 : i32
    %dma_start3A_210 = arith.constant 0 : i32
    %dma_start3A_211 = arith.constant 0 : i32
    %dma_start3A_212 = tpu.memref_slice %arg9[%dma_start3A_208, %dma_start3A_210, %dma_start3A_211] : memref<4x40x128xf32, #tpu.memory_space<vmem>> -> memref<1x40x128xf32, #tpu.memory_space<vmem>>
    %dma_start3A_213 = tpu.memref_squeeze %dma_start3A_212 : memref<1x40x128xf32, #tpu.memory_space<vmem>> -> memref<40x128xf32, #tpu.memory_space<vmem>>
    %dma_start3A_214 = arith.constant 0 : i32
    %dma_start3A_215 = tpu.memref_slice %arg10[%add3A_120, %dma_start3A_214] : memref<10112x128xf32, #tpu.memory_space<vmem_shared>> -> memref<40x128xf32, #tpu.memory_space<vmem_shared>>
    %dma_start3A_216 = tpu.memref_slice %arg13[%dma_start3A_209] : memref<4x!tpu.dma_semaphore, #tpu.memory_space<semaphore_mem>> -> memref<1x!tpu.dma_semaphore, #tpu.memory_space<semaphore_mem>>
    %dma_start3A_217 = tpu.memref_squeeze %dma_start3A_216 : memref<1x!tpu.dma_semaphore, #tpu.memory_space<semaphore_mem>> -> memref<!tpu.dma_semaphore, #tpu.memory_space<semaphore_mem>>
    %dma_start3A_218 = arith.constant 0 : i32
    %dma_start3A_219 = tpu.memref_slice %arg10[%add3A_120, %dma_start3A_218] : memref<10112x128xf32, #tpu.memory_space<vmem_shared>> -> memref<40x128xf32, #tpu.memory_space<vmem_shared>>
    %dma_start3A_220 = arith.constant 0 : i32
    %dma_start3A_221 = arith.constant 0 : i32
    %dma_start3A_222 = tpu.memref_slice %arg9[%dma_start3A_208, %dma_start3A_220, %dma_start3A_221] : memref<4x40x128xf32, #tpu.memory_space<vmem>> -> memref<1x40x128xf32, #tpu.memory_space<vmem>>
    %dma_start3A_223 = tpu.memref_squeeze %dma_start3A_222 : memref<1x40x128xf32, #tpu.memory_space<vmem>> -> memref<40x128xf32, #tpu.memory_space<vmem>>
    tpu.enqueue_dma source(%dma_start3A_223 : memref<40x128xf32, #tpu.memory_space<vmem>>) target(%dma_start3A_219 : memref<40x128xf32, #tpu.memory_space<vmem_shared>>) target_semaphore(%dma_start3A_217 : memref<!tpu.dma_semaphore, #tpu.memory_space<semaphore_mem>>)
    %dma_start3A_224 = arith.constant 0 : i32
    %dma_start3A_225 = arith.constant 0 : i32
    %dma_start3A_226 = arith.constant 0 : i32
    %dma_start3A_227 = arith.constant 0 : i32
    %dma_start3A_228 = tpu.memref_slice %arg9[%dma_start3A_224, %dma_start3A_226, %dma_start3A_227] : memref<4x40x128xf32, #tpu.memory_space<vmem>> -> memref<1x40x128xf32, #tpu.memory_space<vmem>>
    %dma_start3A_229 = tpu.memref_squeeze %dma_start3A_228 : memref<1x40x128xf32, #tpu.memory_space<vmem>> -> memref<40x128xf32, #tpu.memory_space<vmem>>
    %dma_start3A_230 = arith.constant 0 : i32
    %dma_start3A_231 = tpu.memref_slice %arg10[%add3A_122, %dma_start3A_230] : memref<10112x128xf32, #tpu.memory_space<vmem_shared>> -> memref<40x128xf32, #tpu.memory_space<vmem_shared>>
    %dma_start3A_232 = tpu.memref_slice %arg13[%dma_start3A_225] : memref<4x!tpu.dma_semaphore, #tpu.memory_space<semaphore_mem>> -> memref<1x!tpu.dma_semaphore, #tpu.memory_space<semaphore_mem>>
    %dma_start3A_233 = tpu.memref_squeeze %dma_start3A_232 : memref<1x!tpu.dma_semaphore, #tpu.memory_space<semaphore_mem>> -> memref<!tpu.dma_semaphore, #tpu.memory_space<semaphore_mem>>
    %dma_start3A_234 = arith.constant 0 : i32
    %dma_start3A_235 = tpu.memref_slice %arg10[%add3A_122, %dma_start3A_234] : memref<10112x128xf32, #tpu.memory_space<vmem_shared>> -> memref<40x128xf32, #tpu.memory_space<vmem_shared>>
    %dma_start3A_236 = arith.constant 0 : i32
    %dma_start3A_237 = arith.constant 0 : i32
    %dma_start3A_238 = tpu.memref_slice %arg9[%dma_start3A_224, %dma_start3A_236, %dma_start3A_237] : memref<4x40x128xf32, #tpu.memory_space<vmem>> -> memref<1x40x128xf32, #tpu.memory_space<vmem>>
    %dma_start3A_239 = tpu.memref_squeeze %dma_start3A_238 : memref<1x40x128xf32, #tpu.memory_space<vmem>> -> memref<40x128xf32, #tpu.memory_space<vmem>>
    tpu.enqueue_dma source(%dma_start3A_239 : memref<40x128xf32, #tpu.memory_space<vmem>>) target(%dma_start3A_235 : memref<40x128xf32, #tpu.memory_space<vmem_shared>>) target_semaphore(%dma_start3A_233 : memref<!tpu.dma_semaphore, #tpu.memory_space<semaphore_mem>>)
    %dma_start3A_240 = arith.constant 0 : i32
    %dma_start3A_241 = arith.constant 0 : i32
    %dma_start3A_242 = arith.constant 0 : i32
    %dma_start3A_243 = arith.constant 0 : i32
    %dma_start3A_244 = tpu.memref_slice %arg9[%dma_start3A_240, %dma_start3A_242, %dma_start3A_243] : memref<4x40x128xf32, #tpu.memory_space<vmem>> -> memref<1x40x128xf32, #tpu.memory_space<vmem>>
    %dma_start3A_245 = tpu.memref_squeeze %dma_start3A_244 : memref<1x40x128xf32, #tpu.memory_space<vmem>> -> memref<40x128xf32, #tpu.memory_space<vmem>>
    %dma_start3A_246 = arith.constant 0 : i32
    %dma_start3A_247 = tpu.memref_slice %arg10[%add3A_124, %dma_start3A_246] : memref<10112x128xf32, #tpu.memory_space<vmem_shared>> -> memref<40x128xf32, #tpu.memory_space<vmem_shared>>
    %dma_start3A_248 = tpu.memref_slice %arg13[%dma_start3A_241] : memref<4x!tpu.dma_semaphore, #tpu.memory_space<semaphore_mem>> -> memref<1x!tpu.dma_semaphore, #tpu.memory_space<semaphore_mem>>
    %dma_start3A_249 = tpu.memref_squeeze %dma_start3A_248 : memref<1x!tpu.dma_semaphore, #tpu.memory_space<semaphore_mem>> -> memref<!tpu.dma_semaphore, #tpu.memory_space<semaphore_mem>>
    %dma_start3A_250 = arith.constant 0 : i32
    %dma_start3A_251 = tpu.memref_slice %arg10[%add3A_124, %dma_start3A_250] : memref<10112x128xf32, #tpu.memory_space<vmem_shared>> -> memref<40x128xf32, #tpu.memory_space<vmem_shared>>
    %dma_start3A_252 = arith.constant 0 : i32
    %dma_start3A_253 = arith.constant 0 : i32
    %dma_start3A_254 = tpu.memref_slice %arg9[%dma_start3A_240, %dma_start3A_252, %dma_start3A_253] : memref<4x40x128xf32, #tpu.memory_space<vmem>> -> memref<1x40x128xf32, #tpu.memory_space<vmem>>
    %dma_start3A_255 = tpu.memref_squeeze %dma_start3A_254 : memref<1x40x128xf32, #tpu.memory_space<vmem>> -> memref<40x128xf32, #tpu.memory_space<vmem>>
    tpu.enqueue_dma source(%dma_start3A_255 : memref<40x128xf32, #tpu.memory_space<vmem>>) target(%dma_start3A_251 : memref<40x128xf32, #tpu.memory_space<vmem_shared>>) target_semaphore(%dma_start3A_249 : memref<!tpu.dma_semaphore, #tpu.memory_space<semaphore_mem>>)
    %dma_start3A_256 = arith.constant 0 : i32
    %dma_start3A_257 = arith.constant 0 : i32
    %dma_start3A_258 = arith.constant 0 : i32
    %dma_start3A_259 = arith.constant 0 : i32
    %dma_start3A_260 = tpu.memref_slice %arg9[%dma_start3A_256, %dma_start3A_258, %dma_start3A_259] : memref<4x40x128xf32, #tpu.memory_space<vmem>> -> memref<1x40x128xf32, #tpu.memory_space<vmem>>
    %dma_start3A_261 = tpu.memref_squeeze %dma_start3A_260 : memref<1x40x128xf32, #tpu.memory_space<vmem>> -> memref<40x128xf32, #tpu.memory_space<vmem>>
    %dma_start3A_262 = arith.constant 0 : i32
    %dma_start3A_263 = tpu.memref_slice %arg10[%add3A_126, %dma_start3A_262] : memref<10112x128xf32, #tpu.memory_space<vmem_shared>> -> memref<40x128xf32, #tpu.memory_space<vmem_shared>>
    %dma_start3A_264 = tpu.memref_slice %arg13[%dma_start3A_257] : memref<4x!tpu.dma_semaphore, #tpu.memory_space<semaphore_mem>> -> memref<1x!tpu.dma_semaphore, #tpu.memory_space<semaphore_mem>>
    %dma_start3A_265 = tpu.memref_squeeze %dma_start3A_264 : memref<1x!tpu.dma_semaphore, #tpu.memory_space<semaphore_mem>> -> memref<!tpu.dma_semaphore, #tpu.memory_space<semaphore_mem>>
    %dma_start3A_266 = arith.constant 0 : i32
    %dma_start3A_267 = tpu.memref_slice %arg10[%add3A_126, %dma_start3A_266] : memref<10112x128xf32, #tpu.memory_space<vmem_shared>> -> memref<40x128xf32, #tpu.memory_space<vmem_shared>>
    %dma_start3A_268 = arith.constant 0 : i32
    %dma_start3A_269 = arith.constant 0 : i32
    %dma_start3A_270 = tpu.memref_slice %arg9[%dma_start3A_256, %dma_start3A_268, %dma_start3A_269] : memref<4x40x128xf32, #tpu.memory_space<vmem>> -> memref<1x40x128xf32, #tpu.memory_space<vmem>>
    %dma_start3A_271 = tpu.memref_squeeze %dma_start3A_270 : memref<1x40x128xf32, #tpu.memory_space<vmem>> -> memref<40x128xf32, #tpu.memory_space<vmem>>
    tpu.enqueue_dma source(%dma_start3A_271 : memref<40x128xf32, #tpu.memory_space<vmem>>) target(%dma_start3A_267 : memref<40x128xf32, #tpu.memory_space<vmem_shared>>) target_semaphore(%dma_start3A_265 : memref<!tpu.dma_semaphore, #tpu.memory_space<semaphore_mem>>)
    %dma_start3A_272 = arith.constant 0 : i32
    %dma_start3A_273 = arith.constant 0 : i32
    %dma_start3A_274 = arith.constant 0 : i32
    %dma_start3A_275 = arith.constant 0 : i32
    %dma_start3A_276 = tpu.memref_slice %arg9[%dma_start3A_272, %dma_start3A_274, %dma_start3A_275] : memref<4x40x128xf32, #tpu.memory_space<vmem>> -> memref<1x40x128xf32, #tpu.memory_space<vmem>>
    %dma_start3A_277 = tpu.memref_squeeze %dma_start3A_276 : memref<1x40x128xf32, #tpu.memory_space<vmem>> -> memref<40x128xf32, #tpu.memory_space<vmem>>
    %dma_start3A_278 = arith.constant 0 : i32
    %dma_start3A_279 = tpu.memref_slice %arg10[%add3A_128, %dma_start3A_278] : memref<10112x128xf32, #tpu.memory_space<vmem_shared>> -> memref<40x128xf32, #tpu.memory_space<vmem_shared>>
    %dma_start3A_280 = tpu.memref_slice %arg13[%dma_start3A_273] : memref<4x!tpu.dma_semaphore, #tpu.memory_space<semaphore_mem>> -> memref<1x!tpu.dma_semaphore, #tpu.memory_space<semaphore_mem>>
    %dma_start3A_281 = tpu.memref_squeeze %dma_start3A_280 : memref<1x!tpu.dma_semaphore, #tpu.memory_space<semaphore_mem>> -> memref<!tpu.dma_semaphore, #tpu.memory_space<semaphore_mem>>
    %dma_start3A_282 = arith.constant 0 : i32
    %dma_start3A_283 = tpu.memref_slice %arg10[%add3A_128, %dma_start3A_282] : memref<10112x128xf32, #tpu.memory_space<vmem_shared>> -> memref<40x128xf32, #tpu.memory_space<vmem_shared>>
    %dma_start3A_284 = arith.constant 0 : i32
    %dma_start3A_285 = arith.constant 0 : i32
    %dma_start3A_286 = tpu.memref_slice %arg9[%dma_start3A_272, %dma_start3A_284, %dma_start3A_285] : memref<4x40x128xf32, #tpu.memory_space<vmem>> -> memref<1x40x128xf32, #tpu.memory_space<vmem>>
    %dma_start3A_287 = tpu.memref_squeeze %dma_start3A_286 : memref<1x40x128xf32, #tpu.memory_space<vmem>> -> memref<40x128xf32, #tpu.memory_space<vmem>>
    tpu.enqueue_dma source(%dma_start3A_287 : memref<40x128xf32, #tpu.memory_space<vmem>>) target(%dma_start3A_283 : memref<40x128xf32, #tpu.memory_space<vmem_shared>>) target_semaphore(%dma_start3A_281 : memref<!tpu.dma_semaphore, #tpu.memory_space<semaphore_mem>>)
    %dma_start3A_288 = arith.constant 0 : i32
    %dma_start3A_289 = arith.constant 0 : i32
    %dma_start3A_290 = arith.constant 0 : i32
    %dma_start3A_291 = arith.constant 0 : i32
    %dma_start3A_292 = tpu.memref_slice %arg9[%dma_start3A_288, %dma_start3A_290, %dma_start3A_291] : memref<4x40x128xf32, #tpu.memory_space<vmem>> -> memref<1x40x128xf32, #tpu.memory_space<vmem>>
    %dma_start3A_293 = tpu.memref_squeeze %dma_start3A_292 : memref<1x40x128xf32, #tpu.memory_space<vmem>> -> memref<40x128xf32, #tpu.memory_space<vmem>>
    %dma_start3A_294 = arith.constant 0 : i32
    %dma_start3A_295 = tpu.memref_slice %arg10[%add3A_130, %dma_start3A_294] : memref<10112x128xf32, #tpu.memory_space<vmem_shared>> -> memref<40x128xf32, #tpu.memory_space<vmem_shared>>
    %dma_start3A_296 = tpu.memref_slice %arg13[%dma_start3A_289] : memref<4x!tpu.dma_semaphore, #tpu.memory_space<semaphore_mem>> -> memref<1x!tpu.dma_semaphore, #tpu.memory_space<semaphore_mem>>
    %dma_start3A_297 = tpu.memref_squeeze %dma_start3A_296 : memref<1x!tpu.dma_semaphore, #tpu.memory_space<semaphore_mem>> -> memref<!tpu.dma_semaphore, #tpu.memory_space<semaphore_mem>>
    %dma_start3A_298 = arith.constant 0 : i32
    %dma_start3A_299 = tpu.memref_slice %arg10[%add3A_130, %dma_start3A_298] : memref<10112x128xf32, #tpu.memory_space<vmem_shared>> -> memref<40x128xf32, #tpu.memory_space<vmem_shared>>
    %dma_start3A_300 = arith.constant 0 : i32
    %dma_start3A_301 = arith.constant 0 : i32
    %dma_start3A_302 = tpu.memref_slice %arg9[%dma_start3A_288, %dma_start3A_300, %dma_start3A_301] : memref<4x40x128xf32, #tpu.memory_space<vmem>> -> memref<1x40x128xf32, #tpu.memory_space<vmem>>
    %dma_start3A_303 = tpu.memref_squeeze %dma_start3A_302 : memref<1x40x128xf32, #tpu.memory_space<vmem>> -> memref<40x128xf32, #tpu.memory_space<vmem>>
    tpu.enqueue_dma source(%dma_start3A_303 : memref<40x128xf32, #tpu.memory_space<vmem>>) target(%dma_start3A_299 : memref<40x128xf32, #tpu.memory_space<vmem_shared>>) target_semaphore(%dma_start3A_297 : memref<!tpu.dma_semaphore, #tpu.memory_space<semaphore_mem>>)
    %dma_start3A_304 = arith.constant 0 : i32
    %dma_start3A_305 = arith.constant 0 : i32
    %dma_start3A_306 = arith.constant 0 : i32
    %dma_start3A_307 = arith.constant 0 : i32
    %dma_start3A_308 = tpu.memref_slice %arg9[%dma_start3A_304, %dma_start3A_306, %dma_start3A_307] : memref<4x40x128xf32, #tpu.memory_space<vmem>> -> memref<1x40x128xf32, #tpu.memory_space<vmem>>
    %dma_start3A_309 = tpu.memref_squeeze %dma_start3A_308 : memref<1x40x128xf32, #tpu.memory_space<vmem>> -> memref<40x128xf32, #tpu.memory_space<vmem>>
    %dma_start3A_310 = arith.constant 0 : i32
    %dma_start3A_311 = tpu.memref_slice %arg10[%add3A_132, %dma_start3A_310] : memref<10112x128xf32, #tpu.memory_space<vmem_shared>> -> memref<40x128xf32, #tpu.memory_space<vmem_shared>>
    %dma_start3A_312 = tpu.memref_slice %arg13[%dma_start3A_305] : memref<4x!tpu.dma_semaphore, #tpu.memory_space<semaphore_mem>> -> memref<1x!tpu.dma_semaphore, #tpu.memory_space<semaphore_mem>>
    %dma_start3A_313 = tpu.memref_squeeze %dma_start3A_312 : memref<1x!tpu.dma_semaphore, #tpu.memory_space<semaphore_mem>> -> memref<!tpu.dma_semaphore, #tpu.memory_space<semaphore_mem>>
    %dma_start3A_314 = arith.constant 0 : i32
    %dma_start3A_315 = tpu.memref_slice %arg10[%add3A_132, %dma_start3A_314] : memref<10112x128xf32, #tpu.memory_space<vmem_shared>> -> memref<40x128xf32, #tpu.memory_space<vmem_shared>>
    %dma_start3A_316 = arith.constant 0 : i32
    %dma_start3A_317 = arith.constant 0 : i32
    %dma_start3A_318 = tpu.memref_slice %arg9[%dma_start3A_304, %dma_start3A_316, %dma_start3A_317] : memref<4x40x128xf32, #tpu.memory_space<vmem>> -> memref<1x40x128xf32, #tpu.memory_space<vmem>>
    %dma_start3A_319 = tpu.memref_squeeze %dma_start3A_318 : memref<1x40x128xf32, #tpu.memory_space<vmem>> -> memref<40x128xf32, #tpu.memory_space<vmem>>
    tpu.enqueue_dma source(%dma_start3A_319 : memref<40x128xf32, #tpu.memory_space<vmem>>) target(%dma_start3A_315 : memref<40x128xf32, #tpu.memory_space<vmem_shared>>) target_semaphore(%dma_start3A_313 : memref<!tpu.dma_semaphore, #tpu.memory_space<semaphore_mem>>)
    %dma_start3A_320 = arith.constant 0 : i32
    %dma_start3A_321 = arith.constant 0 : i32
    %dma_start3A_322 = arith.constant 0 : i32
    %dma_start3A_323 = arith.constant 0 : i32
    %dma_start3A_324 = tpu.memref_slice %arg9[%dma_start3A_320, %dma_start3A_322, %dma_start3A_323] : memref<4x40x128xf32, #tpu.memory_space<vmem>> -> memref<1x40x128xf32, #tpu.memory_space<vmem>>
    %dma_start3A_325 = tpu.memref_squeeze %dma_start3A_324 : memref<1x40x128xf32, #tpu.memory_space<vmem>> -> memref<40x128xf32, #tpu.memory_space<vmem>>
    %dma_start3A_326 = arith.constant 0 : i32
    %dma_start3A_327 = tpu.memref_slice %arg10[%add3A_134, %dma_start3A_326] : memref<10112x128xf32, #tpu.memory_space<vmem_shared>> -> memref<40x128xf32, #tpu.memory_space<vmem_shared>>
    %dma_start3A_328 = tpu.memref_slice %arg13[%dma_start3A_321] : memref<4x!tpu.dma_semaphore, #tpu.memory_space<semaphore_mem>> -> memref<1x!tpu.dma_semaphore, #tpu.memory_space<semaphore_mem>>
    %dma_start3A_329 = tpu.memref_squeeze %dma_start3A_328 : memref<1x!tpu.dma_semaphore, #tpu.memory_space<semaphore_mem>> -> memref<!tpu.dma_semaphore, #tpu.memory_space<semaphore_mem>>
    %dma_start3A_330 = arith.constant 0 : i32
    %dma_start3A_331 = tpu.memref_slice %arg10[%add3A_134, %dma_start3A_330] : memref<10112x128xf32, #tpu.memory_space<vmem_shared>> -> memref<40x128xf32, #tpu.memory_space<vmem_shared>>
    %dma_start3A_332 = arith.constant 0 : i32
    %dma_start3A_333 = arith.constant 0 : i32
    %dma_start3A_334 = tpu.memref_slice %arg9[%dma_start3A_320, %dma_start3A_332, %dma_start3A_333] : memref<4x40x128xf32, #tpu.memory_space<vmem>> -> memref<1x40x128xf32, #tpu.memory_space<vmem>>
    %dma_start3A_335 = tpu.memref_squeeze %dma_start3A_334 : memref<1x40x128xf32, #tpu.memory_space<vmem>> -> memref<40x128xf32, #tpu.memory_space<vmem>>
    tpu.enqueue_dma source(%dma_start3A_335 : memref<40x128xf32, #tpu.memory_space<vmem>>) target(%dma_start3A_331 : memref<40x128xf32, #tpu.memory_space<vmem_shared>>) target_semaphore(%dma_start3A_329 : memref<!tpu.dma_semaphore, #tpu.memory_space<semaphore_mem>>)
    %dma_start3A_336 = arith.constant 0 : i32
    %dma_start3A_337 = arith.constant 0 : i32
    %dma_start3A_338 = arith.constant 0 : i32
    %dma_start3A_339 = arith.constant 0 : i32
    %dma_start3A_340 = tpu.memref_slice %arg9[%dma_start3A_336, %dma_start3A_338, %dma_start3A_339] : memref<4x40x128xf32, #tpu.memory_space<vmem>> -> memref<1x40x128xf32, #tpu.memory_space<vmem>>
    %dma_start3A_341 = tpu.memref_squeeze %dma_start3A_340 : memref<1x40x128xf32, #tpu.memory_space<vmem>> -> memref<40x128xf32, #tpu.memory_space<vmem>>
    %dma_start3A_342 = arith.constant 0 : i32
    %dma_start3A_343 = tpu.memref_slice %arg10[%add3A_136, %dma_start3A_342] : memref<10112x128xf32, #tpu.memory_space<vmem_shared>> -> memref<40x128xf32, #tpu.memory_space<vmem_shared>>
    %dma_start3A_344 = tpu.memref_slice %arg13[%dma_start3A_337] : memref<4x!tpu.dma_semaphore, #tpu.memory_space<semaphore_mem>> -> memref<1x!tpu.dma_semaphore, #tpu.memory_space<semaphore_mem>>
    %dma_start3A_345 = tpu.memref_squeeze %dma_start3A_344 : memref<1x!tpu.dma_semaphore, #tpu.memory_space<semaphore_mem>> -> memref<!tpu.dma_semaphore, #tpu.memory_space<semaphore_mem>>
    %dma_start3A_346 = arith.constant 0 : i32
    %dma_start3A_347 = tpu.memref_slice %arg10[%add3A_136, %dma_start3A_346] : memref<10112x128xf32, #tpu.memory_space<vmem_shared>> -> memref<40x128xf32, #tpu.memory_space<vmem_shared>>
    %dma_start3A_348 = arith.constant 0 : i32
    %dma_start3A_349 = arith.constant 0 : i32
    %dma_start3A_350 = tpu.memref_slice %arg9[%dma_start3A_336, %dma_start3A_348, %dma_start3A_349] : memref<4x40x128xf32, #tpu.memory_space<vmem>> -> memref<1x40x128xf32, #tpu.memory_space<vmem>>
    %dma_start3A_351 = tpu.memref_squeeze %dma_start3A_350 : memref<1x40x128xf32, #tpu.memory_space<vmem>> -> memref<40x128xf32, #tpu.memory_space<vmem>>
    tpu.enqueue_dma source(%dma_start3A_351 : memref<40x128xf32, #tpu.memory_space<vmem>>) target(%dma_start3A_347 : memref<40x128xf32, #tpu.memory_space<vmem_shared>>) target_semaphore(%dma_start3A_345 : memref<!tpu.dma_semaphore, #tpu.memory_space<semaphore_mem>>)
    %dma_start3A_352 = arith.constant 0 : i32
    %dma_start3A_353 = arith.constant 0 : i32
    %dma_start3A_354 = arith.constant 0 : i32
    %dma_start3A_355 = arith.constant 0 : i32
    %dma_start3A_356 = tpu.memref_slice %arg9[%dma_start3A_352, %dma_start3A_354, %dma_start3A_355] : memref<4x40x128xf32, #tpu.memory_space<vmem>> -> memref<1x40x128xf32, #tpu.memory_space<vmem>>
    %dma_start3A_357 = tpu.memref_squeeze %dma_start3A_356 : memref<1x40x128xf32, #tpu.memory_space<vmem>> -> memref<40x128xf32, #tpu.memory_space<vmem>>
    %dma_start3A_358 = arith.constant 0 : i32
    %dma_start3A_359 = tpu.memref_slice %arg10[%add3A_138, %dma_start3A_358] : memref<10112x128xf32, #tpu.memory_space<vmem_shared>> -> memref<40x128xf32, #tpu.memory_space<vmem_shared>>
    %dma_start3A_360 = tpu.memref_slice %arg13[%dma_start3A_353] : memref<4x!tpu.dma_semaphore, #tpu.memory_space<semaphore_mem>> -> memref<1x!tpu.dma_semaphore, #tpu.memory_space<semaphore_mem>>
    %dma_start3A_361 = tpu.memref_squeeze %dma_start3A_360 : memref<1x!tpu.dma_semaphore, #tpu.memory_space<semaphore_mem>> -> memref<!tpu.dma_semaphore, #tpu.memory_space<semaphore_mem>>
    %dma_start3A_362 = arith.constant 0 : i32
    %dma_start3A_363 = tpu.memref_slice %arg10[%add3A_138, %dma_start3A_362] : memref<10112x128xf32, #tpu.memory_space<vmem_shared>> -> memref<40x128xf32, #tpu.memory_space<vmem_shared>>
    %dma_start3A_364 = arith.constant 0 : i32
    %dma_start3A_365 = arith.constant 0 : i32
    %dma_start3A_366 = tpu.memref_slice %arg9[%dma_start3A_352, %dma_start3A_364, %dma_start3A_365] : memref<4x40x128xf32, #tpu.memory_space<vmem>> -> memref<1x40x128xf32, #tpu.memory_space<vmem>>
    %dma_start3A_367 = tpu.memref_squeeze %dma_start3A_366 : memref<1x40x128xf32, #tpu.memory_space<vmem>> -> memref<40x128xf32, #tpu.memory_space<vmem>>
    tpu.enqueue_dma source(%dma_start3A_367 : memref<40x128xf32, #tpu.memory_space<vmem>>) target(%dma_start3A_363 : memref<40x128xf32, #tpu.memory_space<vmem_shared>>) target_semaphore(%dma_start3A_361 : memref<!tpu.dma_semaphore, #tpu.memory_space<semaphore_mem>>)
    %dma_start3A_368 = arith.constant 0 : i32
    %dma_start3A_369 = arith.constant 0 : i32
    %dma_start3A_370 = arith.constant 0 : i32
    %dma_start3A_371 = arith.constant 0 : i32
    %dma_start3A_372 = tpu.memref_slice %arg9[%dma_start3A_368, %dma_start3A_370, %dma_start3A_371] : memref<4x40x128xf32, #tpu.memory_space<vmem>> -> memref<1x40x128xf32, #tpu.memory_space<vmem>>
    %dma_start3A_373 = tpu.memref_squeeze %dma_start3A_372 : memref<1x40x128xf32, #tpu.memory_space<vmem>> -> memref<40x128xf32, #tpu.memory_space<vmem>>
    %dma_start3A_374 = arith.constant 0 : i32
    %dma_start3A_375 = tpu.memref_slice %arg10[%add3A_140, %dma_start3A_374] : memref<10112x128xf32, #tpu.memory_space<vmem_shared>> -> memref<40x128xf32, #tpu.memory_space<vmem_shared>>
    %dma_start3A_376 = tpu.memref_slice %arg13[%dma_start3A_369] : memref<4x!tpu.dma_semaphore, #tpu.memory_space<semaphore_mem>> -> memref<1x!tpu.dma_semaphore, #tpu.memory_space<semaphore_mem>>
    %dma_start3A_377 = tpu.memref_squeeze %dma_start3A_376 : memref<1x!tpu.dma_semaphore, #tpu.memory_space<semaphore_mem>> -> memref<!tpu.dma_semaphore, #tpu.memory_space<semaphore_mem>>
    %dma_start3A_378 = arith.constant 0 : i32
    %dma_start3A_379 = tpu.memref_slice %arg10[%add3A_140, %dma_start3A_378] : memref<10112x128xf32, #tpu.memory_space<vmem_shared>> -> memref<40x128xf32, #tpu.memory_space<vmem_shared>>
    %dma_start3A_380 = arith.constant 0 : i32
    %dma_start3A_381 = arith.constant 0 : i32
    %dma_start3A_382 = tpu.memref_slice %arg9[%dma_start3A_368, %dma_start3A_380, %dma_start3A_381] : memref<4x40x128xf32, #tpu.memory_space<vmem>> -> memref<1x40x128xf32, #tpu.memory_space<vmem>>
    %dma_start3A_383 = tpu.memref_squeeze %dma_start3A_382 : memref<1x40x128xf32, #tpu.memory_space<vmem>> -> memref<40x128xf32, #tpu.memory_space<vmem>>
    tpu.enqueue_dma source(%dma_start3A_383 : memref<40x128xf32, #tpu.memory_space<vmem>>) target(%dma_start3A_379 : memref<40x128xf32, #tpu.memory_space<vmem_shared>>) target_semaphore(%dma_start3A_377 : memref<!tpu.dma_semaphore, #tpu.memory_space<semaphore_mem>>)
    %dma_start3A_384 = arith.constant 0 : i32
    %dma_start3A_385 = arith.constant 0 : i32
    %dma_start3A_386 = arith.constant 0 : i32
    %dma_start3A_387 = arith.constant 0 : i32
    %dma_start3A_388 = tpu.memref_slice %arg9[%dma_start3A_384, %dma_start3A_386, %dma_start3A_387] : memref<4x40x128xf32, #tpu.memory_space<vmem>> -> memref<1x32x128xf32, #tpu.memory_space<vmem>>
    %dma_start3A_389 = tpu.memref_squeeze %dma_start3A_388 : memref<1x32x128xf32, #tpu.memory_space<vmem>> -> memref<32x128xf32, #tpu.memory_space<vmem>>
    %dma_start3A_390 = arith.constant 0 : i32
    %dma_start3A_391 = tpu.memref_slice %arg10[%sub3A_143, %dma_start3A_390] : memref<10112x128xf32, #tpu.memory_space<vmem_shared>> -> memref<32x128xf32, #tpu.memory_space<vmem_shared>>
    %dma_start3A_392 = tpu.memref_slice %arg13[%dma_start3A_385] : memref<4x!tpu.dma_semaphore, #tpu.memory_space<semaphore_mem>> -> memref<1x!tpu.dma_semaphore, #tpu.memory_space<semaphore_mem>>
    %dma_start3A_393 = tpu.memref_squeeze %dma_start3A_392 : memref<1x!tpu.dma_semaphore, #tpu.memory_space<semaphore_mem>> -> memref<!tpu.dma_semaphore, #tpu.memory_space<semaphore_mem>>
    %dma_start3A_394 = arith.constant 0 : i32
    %dma_start3A_395 = tpu.memref_slice %arg10[%sub3A_143, %dma_start3A_394] : memref<10112x128xf32, #tpu.memory_space<vmem_shared>> -> memref<32x128xf32, #tpu.memory_space<vmem_shared>>
    %dma_start3A_396 = arith.constant 0 : i32
    %dma_start3A_397 = arith.constant 0 : i32
    %dma_start3A_398 = tpu.memref_slice %arg9[%dma_start3A_384, %dma_start3A_396, %dma_start3A_397] : memref<4x40x128xf32, #tpu.memory_space<vmem>> -> memref<1x32x128xf32, #tpu.memory_space<vmem>>
    %dma_start3A_399 = tpu.memref_squeeze %dma_start3A_398 : memref<1x32x128xf32, #tpu.memory_space<vmem>> -> memref<32x128xf32, #tpu.memory_space<vmem>>
    tpu.enqueue_dma source(%dma_start3A_399 : memref<32x128xf32, #tpu.memory_space<vmem>>) target(%dma_start3A_395 : memref<32x128xf32, #tpu.memory_space<vmem_shared>>) target_semaphore(%dma_start3A_393 : memref<!tpu.dma_semaphore, #tpu.memory_space<semaphore_mem>>)
    %dma_wait3A = arith.constant 0 : i32
    %dma_wait3A_400 = arith.constant 0 : i32
    %dma_wait3A_401 = arith.constant 0 : i32
    %dma_wait3A_402 = arith.constant 0 : i32
    %dma_wait3A_403 = tpu.memref_slice %arg9[%dma_wait3A, %dma_wait3A_401, %dma_wait3A_402] : memref<4x40x128xf32, #tpu.memory_space<vmem>> -> memref<1x40x128xf32, #tpu.memory_space<vmem>>
    %dma_wait3A_404 = tpu.memref_squeeze %dma_wait3A_403 : memref<1x40x128xf32, #tpu.memory_space<vmem>> -> memref<40x128xf32, #tpu.memory_space<vmem>>
    %dma_wait3A_405 = arith.constant 0 : i32
    %dma_wait3A_406 = tpu.memref_slice %arg10[%add3A_112, %dma_wait3A_405] : memref<10112x128xf32, #tpu.memory_space<vmem_shared>> -> memref<40x128xf32, #tpu.memory_space<vmem_shared>>
    %dma_wait3A_407 = tpu.memref_slice %arg13[%dma_wait3A_400] : memref<4x!tpu.dma_semaphore, #tpu.memory_space<semaphore_mem>> -> memref<1x!tpu.dma_semaphore, #tpu.memory_space<semaphore_mem>>
    %dma_wait3A_408 = tpu.memref_squeeze %dma_wait3A_407 : memref<1x!tpu.dma_semaphore, #tpu.memory_space<semaphore_mem>> -> memref<!tpu.dma_semaphore, #tpu.memory_space<semaphore_mem>>
    %dma_wait3A_409 = arith.constant 0 : i32
    %dma_wait3A_410 = tpu.memref_slice %arg10[%add3A_112, %dma_wait3A_409] : memref<10112x128xf32, #tpu.memory_space<vmem_shared>> -> memref<40x128xf32, #tpu.memory_space<vmem_shared>>
    %dma_wait3A_411 = arith.constant 0 : i32
    %dma_wait3A_412 = arith.constant 0 : i32
    %dma_wait3A_413 = tpu.memref_slice %arg9[%dma_wait3A, %dma_wait3A_411, %dma_wait3A_412] : memref<4x40x128xf32, #tpu.memory_space<vmem>> -> memref<1x40x128xf32, #tpu.memory_space<vmem>>
    %dma_wait3A_414 = tpu.memref_squeeze %dma_wait3A_413 : memref<1x40x128xf32, #tpu.memory_space<vmem>> -> memref<40x128xf32, #tpu.memory_space<vmem>>
    tpu.wait_dma2 semaphore(%dma_wait3A_408 : memref<!tpu.dma_semaphore, #tpu.memory_space<semaphore_mem>>) src(%dma_wait3A_414 : memref<40x128xf32, #tpu.memory_space<vmem>>) dst(%dma_wait3A_410 : memref<40x128xf32, #tpu.memory_space<vmem_shared>>)
    %dma_wait3A_415 = arith.constant 0 : i32
    %dma_wait3A_416 = arith.constant 0 : i32
    %dma_wait3A_417 = arith.constant 0 : i32
    %dma_wait3A_418 = arith.constant 0 : i32
    %dma_wait3A_419 = tpu.memref_slice %arg9[%dma_wait3A_415, %dma_wait3A_417, %dma_wait3A_418] : memref<4x40x128xf32, #tpu.memory_space<vmem>> -> memref<1x40x128xf32, #tpu.memory_space<vmem>>
    %dma_wait3A_420 = tpu.memref_squeeze %dma_wait3A_419 : memref<1x40x128xf32, #tpu.memory_space<vmem>> -> memref<40x128xf32, #tpu.memory_space<vmem>>
    %dma_wait3A_421 = arith.constant 0 : i32
    %dma_wait3A_422 = tpu.memref_slice %arg10[%add3A_114, %dma_wait3A_421] : memref<10112x128xf32, #tpu.memory_space<vmem_shared>> -> memref<40x128xf32, #tpu.memory_space<vmem_shared>>
    %dma_wait3A_423 = tpu.memref_slice %arg13[%dma_wait3A_416] : memref<4x!tpu.dma_semaphore, #tpu.memory_space<semaphore_mem>> -> memref<1x!tpu.dma_semaphore, #tpu.memory_space<semaphore_mem>>
    %dma_wait3A_424 = tpu.memref_squeeze %dma_wait3A_423 : memref<1x!tpu.dma_semaphore, #tpu.memory_space<semaphore_mem>> -> memref<!tpu.dma_semaphore, #tpu.memory_space<semaphore_mem>>
    %dma_wait3A_425 = arith.constant 0 : i32
    %dma_wait3A_426 = tpu.memref_slice %arg10[%add3A_114, %dma_wait3A_425] : memref<10112x128xf32, #tpu.memory_space<vmem_shared>> -> memref<40x128xf32, #tpu.memory_space<vmem_shared>>
    %dma_wait3A_427 = arith.constant 0 : i32
    %dma_wait3A_428 = arith.constant 0 : i32
    %dma_wait3A_429 = tpu.memref_slice %arg9[%dma_wait3A_415, %dma_wait3A_427, %dma_wait3A_428] : memref<4x40x128xf32, #tpu.memory_space<vmem>> -> memref<1x40x128xf32, #tpu.memory_space<vmem>>
    %dma_wait3A_430 = tpu.memref_squeeze %dma_wait3A_429 : memref<1x40x128xf32, #tpu.memory_space<vmem>> -> memref<40x128xf32, #tpu.memory_space<vmem>>
    tpu.wait_dma2 semaphore(%dma_wait3A_424 : memref<!tpu.dma_semaphore, #tpu.memory_space<semaphore_mem>>) src(%dma_wait3A_430 : memref<40x128xf32, #tpu.memory_space<vmem>>) dst(%dma_wait3A_426 : memref<40x128xf32, #tpu.memory_space<vmem_shared>>)
    %dma_wait3A_431 = arith.constant 0 : i32
    %dma_wait3A_432 = arith.constant 0 : i32
    %dma_wait3A_433 = arith.constant 0 : i32
    %dma_wait3A_434 = arith.constant 0 : i32
    %dma_wait3A_435 = tpu.memref_slice %arg9[%dma_wait3A_431, %dma_wait3A_433, %dma_wait3A_434] : memref<4x40x128xf32, #tpu.memory_space<vmem>> -> memref<1x40x128xf32, #tpu.memory_space<vmem>>
    %dma_wait3A_436 = tpu.memref_squeeze %dma_wait3A_435 : memref<1x40x128xf32, #tpu.memory_space<vmem>> -> memref<40x128xf32, #tpu.memory_space<vmem>>
    %dma_wait3A_437 = arith.constant 0 : i32
    %dma_wait3A_438 = tpu.memref_slice %arg10[%add3A_116, %dma_wait3A_437] : memref<10112x128xf32, #tpu.memory_space<vmem_shared>> -> memref<40x128xf32, #tpu.memory_space<vmem_shared>>
    %dma_wait3A_439 = tpu.memref_slice %arg13[%dma_wait3A_432] : memref<4x!tpu.dma_semaphore, #tpu.memory_space<semaphore_mem>> -> memref<1x!tpu.dma_semaphore, #tpu.memory_space<semaphore_mem>>
    %dma_wait3A_440 = tpu.memref_squeeze %dma_wait3A_439 : memref<1x!tpu.dma_semaphore, #tpu.memory_space<semaphore_mem>> -> memref<!tpu.dma_semaphore, #tpu.memory_space<semaphore_mem>>
    %dma_wait3A_441 = arith.constant 0 : i32
    %dma_wait3A_442 = tpu.memref_slice %arg10[%add3A_116, %dma_wait3A_441] : memref<10112x128xf32, #tpu.memory_space<vmem_shared>> -> memref<40x128xf32, #tpu.memory_space<vmem_shared>>
    %dma_wait3A_443 = arith.constant 0 : i32
    %dma_wait3A_444 = arith.constant 0 : i32
    %dma_wait3A_445 = tpu.memref_slice %arg9[%dma_wait3A_431, %dma_wait3A_443, %dma_wait3A_444] : memref<4x40x128xf32, #tpu.memory_space<vmem>> -> memref<1x40x128xf32, #tpu.memory_space<vmem>>
    %dma_wait3A_446 = tpu.memref_squeeze %dma_wait3A_445 : memref<1x40x128xf32, #tpu.memory_space<vmem>> -> memref<40x128xf32, #tpu.memory_space<vmem>>
    tpu.wait_dma2 semaphore(%dma_wait3A_440 : memref<!tpu.dma_semaphore, #tpu.memory_space<semaphore_mem>>) src(%dma_wait3A_446 : memref<40x128xf32, #tpu.memory_space<vmem>>) dst(%dma_wait3A_442 : memref<40x128xf32, #tpu.memory_space<vmem_shared>>)
    %dma_wait3A_447 = arith.constant 0 : i32
    %dma_wait3A_448 = arith.constant 0 : i32
    %dma_wait3A_449 = arith.constant 0 : i32
    %dma_wait3A_450 = arith.constant 0 : i32
    %dma_wait3A_451 = tpu.memref_slice %arg9[%dma_wait3A_447, %dma_wait3A_449, %dma_wait3A_450] : memref<4x40x128xf32, #tpu.memory_space<vmem>> -> memref<1x40x128xf32, #tpu.memory_space<vmem>>
    %dma_wait3A_452 = tpu.memref_squeeze %dma_wait3A_451 : memref<1x40x128xf32, #tpu.memory_space<vmem>> -> memref<40x128xf32, #tpu.memory_space<vmem>>
    %dma_wait3A_453 = arith.constant 0 : i32
    %dma_wait3A_454 = tpu.memref_slice %arg10[%add3A_118, %dma_wait3A_453] : memref<10112x128xf32, #tpu.memory_space<vmem_shared>> -> memref<40x128xf32, #tpu.memory_space<vmem_shared>>
    %dma_wait3A_455 = tpu.memref_slice %arg13[%dma_wait3A_448] : memref<4x!tpu.dma_semaphore, #tpu.memory_space<semaphore_mem>> -> memref<1x!tpu.dma_semaphore, #tpu.memory_space<semaphore_mem>>
    %dma_wait3A_456 = tpu.memref_squeeze %dma_wait3A_455 : memref<1x!tpu.dma_semaphore, #tpu.memory_space<semaphore_mem>> -> memref<!tpu.dma_semaphore, #tpu.memory_space<semaphore_mem>>
    %dma_wait3A_457 = arith.constant 0 : i32
    %dma_wait3A_458 = tpu.memref_slice %arg10[%add3A_118, %dma_wait3A_457] : memref<10112x128xf32, #tpu.memory_space<vmem_shared>> -> memref<40x128xf32, #tpu.memory_space<vmem_shared>>
    %dma_wait3A_459 = arith.constant 0 : i32
    %dma_wait3A_460 = arith.constant 0 : i32
    %dma_wait3A_461 = tpu.memref_slice %arg9[%dma_wait3A_447, %dma_wait3A_459, %dma_wait3A_460] : memref<4x40x128xf32, #tpu.memory_space<vmem>> -> memref<1x40x128xf32, #tpu.memory_space<vmem>>
    %dma_wait3A_462 = tpu.memref_squeeze %dma_wait3A_461 : memref<1x40x128xf32, #tpu.memory_space<vmem>> -> memref<40x128xf32, #tpu.memory_space<vmem>>
    tpu.wait_dma2 semaphore(%dma_wait3A_456 : memref<!tpu.dma_semaphore, #tpu.memory_space<semaphore_mem>>) src(%dma_wait3A_462 : memref<40x128xf32, #tpu.memory_space<vmem>>) dst(%dma_wait3A_458 : memref<40x128xf32, #tpu.memory_space<vmem_shared>>)
    %dma_wait3A_463 = arith.constant 0 : i32
    %dma_wait3A_464 = arith.constant 0 : i32
    %dma_wait3A_465 = arith.constant 0 : i32
    %dma_wait3A_466 = arith.constant 0 : i32
    %dma_wait3A_467 = tpu.memref_slice %arg9[%dma_wait3A_463, %dma_wait3A_465, %dma_wait3A_466] : memref<4x40x128xf32, #tpu.memory_space<vmem>> -> memref<1x40x128xf32, #tpu.memory_space<vmem>>
    %dma_wait3A_468 = tpu.memref_squeeze %dma_wait3A_467 : memref<1x40x128xf32, #tpu.memory_space<vmem>> -> memref<40x128xf32, #tpu.memory_space<vmem>>
    %dma_wait3A_469 = arith.constant 0 : i32
    %dma_wait3A_470 = tpu.memref_slice %arg10[%add3A_120, %dma_wait3A_469] : memref<10112x128xf32, #tpu.memory_space<vmem_shared>> -> memref<40x128xf32, #tpu.memory_space<vmem_shared>>
    %dma_wait3A_471 = tpu.memref_slice %arg13[%dma_wait3A_464] : memref<4x!tpu.dma_semaphore, #tpu.memory_space<semaphore_mem>> -> memref<1x!tpu.dma_semaphore, #tpu.memory_space<semaphore_mem>>
    %dma_wait3A_472 = tpu.memref_squeeze %dma_wait3A_471 : memref<1x!tpu.dma_semaphore, #tpu.memory_space<semaphore_mem>> -> memref<!tpu.dma_semaphore, #tpu.memory_space<semaphore_mem>>
    %dma_wait3A_473 = arith.constant 0 : i32
    %dma_wait3A_474 = tpu.memref_slice %arg10[%add3A_120, %dma_wait3A_473] : memref<10112x128xf32, #tpu.memory_space<vmem_shared>> -> memref<40x128xf32, #tpu.memory_space<vmem_shared>>
    %dma_wait3A_475 = arith.constant 0 : i32
    %dma_wait3A_476 = arith.constant 0 : i32
    %dma_wait3A_477 = tpu.memref_slice %arg9[%dma_wait3A_463, %dma_wait3A_475, %dma_wait3A_476] : memref<4x40x128xf32, #tpu.memory_space<vmem>> -> memref<1x40x128xf32, #tpu.memory_space<vmem>>
    %dma_wait3A_478 = tpu.memref_squeeze %dma_wait3A_477 : memref<1x40x128xf32, #tpu.memory_space<vmem>> -> memref<40x128xf32, #tpu.memory_space<vmem>>
    tpu.wait_dma2 semaphore(%dma_wait3A_472 : memref<!tpu.dma_semaphore, #tpu.memory_space<semaphore_mem>>) src(%dma_wait3A_478 : memref<40x128xf32, #tpu.memory_space<vmem>>) dst(%dma_wait3A_474 : memref<40x128xf32, #tpu.memory_space<vmem_shared>>)
    %dma_wait3A_479 = arith.constant 0 : i32
    %dma_wait3A_480 = arith.constant 0 : i32
    %dma_wait3A_481 = arith.constant 0 : i32
    %dma_wait3A_482 = arith.constant 0 : i32
    %dma_wait3A_483 = tpu.memref_slice %arg9[%dma_wait3A_479, %dma_wait3A_481, %dma_wait3A_482] : memref<4x40x128xf32, #tpu.memory_space<vmem>> -> memref<1x40x128xf32, #tpu.memory_space<vmem>>
    %dma_wait3A_484 = tpu.memref_squeeze %dma_wait3A_483 : memref<1x40x128xf32, #tpu.memory_space<vmem>> -> memref<40x128xf32, #tpu.memory_space<vmem>>
    %dma_wait3A_485 = arith.constant 0 : i32
    %dma_wait3A_486 = tpu.memref_slice %arg10[%add3A_122, %dma_wait3A_485] : memref<10112x128xf32, #tpu.memory_space<vmem_shared>> -> memref<40x128xf32, #tpu.memory_space<vmem_shared>>
    %dma_wait3A_487 = tpu.memref_slice %arg13[%dma_wait3A_480] : memref<4x!tpu.dma_semaphore, #tpu.memory_space<semaphore_mem>> -> memref<1x!tpu.dma_semaphore, #tpu.memory_space<semaphore_mem>>
    %dma_wait3A_488 = tpu.memref_squeeze %dma_wait3A_487 : memref<1x!tpu.dma_semaphore, #tpu.memory_space<semaphore_mem>> -> memref<!tpu.dma_semaphore, #tpu.memory_space<semaphore_mem>>
    %dma_wait3A_489 = arith.constant 0 : i32
    %dma_wait3A_490 = tpu.memref_slice %arg10[%add3A_122, %dma_wait3A_489] : memref<10112x128xf32, #tpu.memory_space<vmem_shared>> -> memref<40x128xf32, #tpu.memory_space<vmem_shared>>
    %dma_wait3A_491 = arith.constant 0 : i32
    %dma_wait3A_492 = arith.constant 0 : i32
    %dma_wait3A_493 = tpu.memref_slice %arg9[%dma_wait3A_479, %dma_wait3A_491, %dma_wait3A_492] : memref<4x40x128xf32, #tpu.memory_space<vmem>> -> memref<1x40x128xf32, #tpu.memory_space<vmem>>
    %dma_wait3A_494 = tpu.memref_squeeze %dma_wait3A_493 : memref<1x40x128xf32, #tpu.memory_space<vmem>> -> memref<40x128xf32, #tpu.memory_space<vmem>>
    tpu.wait_dma2 semaphore(%dma_wait3A_488 : memref<!tpu.dma_semaphore, #tpu.memory_space<semaphore_mem>>) src(%dma_wait3A_494 : memref<40x128xf32, #tpu.memory_space<vmem>>) dst(%dma_wait3A_490 : memref<40x128xf32, #tpu.memory_space<vmem_shared>>)
    %dma_wait3A_495 = arith.constant 0 : i32
    %dma_wait3A_496 = arith.constant 0 : i32
    %dma_wait3A_497 = arith.constant 0 : i32
    %dma_wait3A_498 = arith.constant 0 : i32
    %dma_wait3A_499 = tpu.memref_slice %arg9[%dma_wait3A_495, %dma_wait3A_497, %dma_wait3A_498] : memref<4x40x128xf32, #tpu.memory_space<vmem>> -> memref<1x40x128xf32, #tpu.memory_space<vmem>>
    %dma_wait3A_500 = tpu.memref_squeeze %dma_wait3A_499 : memref<1x40x128xf32, #tpu.memory_space<vmem>> -> memref<40x128xf32, #tpu.memory_space<vmem>>
    %dma_wait3A_501 = arith.constant 0 : i32
    %dma_wait3A_502 = tpu.memref_slice %arg10[%add3A_124, %dma_wait3A_501] : memref<10112x128xf32, #tpu.memory_space<vmem_shared>> -> memref<40x128xf32, #tpu.memory_space<vmem_shared>>
    %dma_wait3A_503 = tpu.memref_slice %arg13[%dma_wait3A_496] : memref<4x!tpu.dma_semaphore, #tpu.memory_space<semaphore_mem>> -> memref<1x!tpu.dma_semaphore, #tpu.memory_space<semaphore_mem>>
    %dma_wait3A_504 = tpu.memref_squeeze %dma_wait3A_503 : memref<1x!tpu.dma_semaphore, #tpu.memory_space<semaphore_mem>> -> memref<!tpu.dma_semaphore, #tpu.memory_space<semaphore_mem>>
    %dma_wait3A_505 = arith.constant 0 : i32
    %dma_wait3A_506 = tpu.memref_slice %arg10[%add3A_124, %dma_wait3A_505] : memref<10112x128xf32, #tpu.memory_space<vmem_shared>> -> memref<40x128xf32, #tpu.memory_space<vmem_shared>>
    %dma_wait3A_507 = arith.constant 0 : i32
    %dma_wait3A_508 = arith.constant 0 : i32
    %dma_wait3A_509 = tpu.memref_slice %arg9[%dma_wait3A_495, %dma_wait3A_507, %dma_wait3A_508] : memref<4x40x128xf32, #tpu.memory_space<vmem>> -> memref<1x40x128xf32, #tpu.memory_space<vmem>>
    %dma_wait3A_510 = tpu.memref_squeeze %dma_wait3A_509 : memref<1x40x128xf32, #tpu.memory_space<vmem>> -> memref<40x128xf32, #tpu.memory_space<vmem>>
    tpu.wait_dma2 semaphore(%dma_wait3A_504 : memref<!tpu.dma_semaphore, #tpu.memory_space<semaphore_mem>>) src(%dma_wait3A_510 : memref<40x128xf32, #tpu.memory_space<vmem>>) dst(%dma_wait3A_506 : memref<40x128xf32, #tpu.memory_space<vmem_shared>>)
    %dma_wait3A_511 = arith.constant 0 : i32
    %dma_wait3A_512 = arith.constant 0 : i32
    %dma_wait3A_513 = arith.constant 0 : i32
    %dma_wait3A_514 = arith.constant 0 : i32
    %dma_wait3A_515 = tpu.memref_slice %arg9[%dma_wait3A_511, %dma_wait3A_513, %dma_wait3A_514] : memref<4x40x128xf32, #tpu.memory_space<vmem>> -> memref<1x40x128xf32, #tpu.memory_space<vmem>>
    %dma_wait3A_516 = tpu.memref_squeeze %dma_wait3A_515 : memref<1x40x128xf32, #tpu.memory_space<vmem>> -> memref<40x128xf32, #tpu.memory_space<vmem>>
    %dma_wait3A_517 = arith.constant 0 : i32
    %dma_wait3A_518 = tpu.memref_slice %arg10[%add3A_126, %dma_wait3A_517] : memref<10112x128xf32, #tpu.memory_space<vmem_shared>> -> memref<40x128xf32, #tpu.memory_space<vmem_shared>>
    %dma_wait3A_519 = tpu.memref_slice %arg13[%dma_wait3A_512] : memref<4x!tpu.dma_semaphore, #tpu.memory_space<semaphore_mem>> -> memref<1x!tpu.dma_semaphore, #tpu.memory_space<semaphore_mem>>
    %dma_wait3A_520 = tpu.memref_squeeze %dma_wait3A_519 : memref<1x!tpu.dma_semaphore, #tpu.memory_space<semaphore_mem>> -> memref<!tpu.dma_semaphore, #tpu.memory_space<semaphore_mem>>
    %dma_wait3A_521 = arith.constant 0 : i32
    %dma_wait3A_522 = tpu.memref_slice %arg10[%add3A_126, %dma_wait3A_521] : memref<10112x128xf32, #tpu.memory_space<vmem_shared>> -> memref<40x128xf32, #tpu.memory_space<vmem_shared>>
    %dma_wait3A_523 = arith.constant 0 : i32
    %dma_wait3A_524 = arith.constant 0 : i32
    %dma_wait3A_525 = tpu.memref_slice %arg9[%dma_wait3A_511, %dma_wait3A_523, %dma_wait3A_524] : memref<4x40x128xf32, #tpu.memory_space<vmem>> -> memref<1x40x128xf32, #tpu.memory_space<vmem>>
    %dma_wait3A_526 = tpu.memref_squeeze %dma_wait3A_525 : memref<1x40x128xf32, #tpu.memory_space<vmem>> -> memref<40x128xf32, #tpu.memory_space<vmem>>
    tpu.wait_dma2 semaphore(%dma_wait3A_520 : memref<!tpu.dma_semaphore, #tpu.memory_space<semaphore_mem>>) src(%dma_wait3A_526 : memref<40x128xf32, #tpu.memory_space<vmem>>) dst(%dma_wait3A_522 : memref<40x128xf32, #tpu.memory_space<vmem_shared>>)
    %dma_wait3A_527 = arith.constant 0 : i32
    %dma_wait3A_528 = arith.constant 0 : i32
    %dma_wait3A_529 = arith.constant 0 : i32
    %dma_wait3A_530 = arith.constant 0 : i32
    %dma_wait3A_531 = tpu.memref_slice %arg9[%dma_wait3A_527, %dma_wait3A_529, %dma_wait3A_530] : memref<4x40x128xf32, #tpu.memory_space<vmem>> -> memref<1x40x128xf32, #tpu.memory_space<vmem>>
    %dma_wait3A_532 = tpu.memref_squeeze %dma_wait3A_531 : memref<1x40x128xf32, #tpu.memory_space<vmem>> -> memref<40x128xf32, #tpu.memory_space<vmem>>
    %dma_wait3A_533 = arith.constant 0 : i32
    %dma_wait3A_534 = tpu.memref_slice %arg10[%add3A_128, %dma_wait3A_533] : memref<10112x128xf32, #tpu.memory_space<vmem_shared>> -> memref<40x128xf32, #tpu.memory_space<vmem_shared>>
    %dma_wait3A_535 = tpu.memref_slice %arg13[%dma_wait3A_528] : memref<4x!tpu.dma_semaphore, #tpu.memory_space<semaphore_mem>> -> memref<1x!tpu.dma_semaphore, #tpu.memory_space<semaphore_mem>>
    %dma_wait3A_536 = tpu.memref_squeeze %dma_wait3A_535 : memref<1x!tpu.dma_semaphore, #tpu.memory_space<semaphore_mem>> -> memref<!tpu.dma_semaphore, #tpu.memory_space<semaphore_mem>>
    %dma_wait3A_537 = arith.constant 0 : i32
    %dma_wait3A_538 = tpu.memref_slice %arg10[%add3A_128, %dma_wait3A_537] : memref<10112x128xf32, #tpu.memory_space<vmem_shared>> -> memref<40x128xf32, #tpu.memory_space<vmem_shared>>
    %dma_wait3A_539 = arith.constant 0 : i32
    %dma_wait3A_540 = arith.constant 0 : i32
    %dma_wait3A_541 = tpu.memref_slice %arg9[%dma_wait3A_527, %dma_wait3A_539, %dma_wait3A_540] : memref<4x40x128xf32, #tpu.memory_space<vmem>> -> memref<1x40x128xf32, #tpu.memory_space<vmem>>
    %dma_wait3A_542 = tpu.memref_squeeze %dma_wait3A_541 : memref<1x40x128xf32, #tpu.memory_space<vmem>> -> memref<40x128xf32, #tpu.memory_space<vmem>>
    tpu.wait_dma2 semaphore(%dma_wait3A_536 : memref<!tpu.dma_semaphore, #tpu.memory_space<semaphore_mem>>) src(%dma_wait3A_542 : memref<40x128xf32, #tpu.memory_space<vmem>>) dst(%dma_wait3A_538 : memref<40x128xf32, #tpu.memory_space<vmem_shared>>)
    %dma_wait3A_543 = arith.constant 0 : i32
    %dma_wait3A_544 = arith.constant 0 : i32
    %dma_wait3A_545 = arith.constant 0 : i32
    %dma_wait3A_546 = arith.constant 0 : i32
    %dma_wait3A_547 = tpu.memref_slice %arg9[%dma_wait3A_543, %dma_wait3A_545, %dma_wait3A_546] : memref<4x40x128xf32, #tpu.memory_space<vmem>> -> memref<1x40x128xf32, #tpu.memory_space<vmem>>
    %dma_wait3A_548 = tpu.memref_squeeze %dma_wait3A_547 : memref<1x40x128xf32, #tpu.memory_space<vmem>> -> memref<40x128xf32, #tpu.memory_space<vmem>>
    %dma_wait3A_549 = arith.constant 0 : i32
    %dma_wait3A_550 = tpu.memref_slice %arg10[%add3A_130, %dma_wait3A_549] : memref<10112x128xf32, #tpu.memory_space<vmem_shared>> -> memref<40x128xf32, #tpu.memory_space<vmem_shared>>
    %dma_wait3A_551 = tpu.memref_slice %arg13[%dma_wait3A_544] : memref<4x!tpu.dma_semaphore, #tpu.memory_space<semaphore_mem>> -> memref<1x!tpu.dma_semaphore, #tpu.memory_space<semaphore_mem>>
    %dma_wait3A_552 = tpu.memref_squeeze %dma_wait3A_551 : memref<1x!tpu.dma_semaphore, #tpu.memory_space<semaphore_mem>> -> memref<!tpu.dma_semaphore, #tpu.memory_space<semaphore_mem>>
    %dma_wait3A_553 = arith.constant 0 : i32
    %dma_wait3A_554 = tpu.memref_slice %arg10[%add3A_130, %dma_wait3A_553] : memref<10112x128xf32, #tpu.memory_space<vmem_shared>> -> memref<40x128xf32, #tpu.memory_space<vmem_shared>>
    %dma_wait3A_555 = arith.constant 0 : i32
    %dma_wait3A_556 = arith.constant 0 : i32
    %dma_wait3A_557 = tpu.memref_slice %arg9[%dma_wait3A_543, %dma_wait3A_555, %dma_wait3A_556] : memref<4x40x128xf32, #tpu.memory_space<vmem>> -> memref<1x40x128xf32, #tpu.memory_space<vmem>>
    %dma_wait3A_558 = tpu.memref_squeeze %dma_wait3A_557 : memref<1x40x128xf32, #tpu.memory_space<vmem>> -> memref<40x128xf32, #tpu.memory_space<vmem>>
    tpu.wait_dma2 semaphore(%dma_wait3A_552 : memref<!tpu.dma_semaphore, #tpu.memory_space<semaphore_mem>>) src(%dma_wait3A_558 : memref<40x128xf32, #tpu.memory_space<vmem>>) dst(%dma_wait3A_554 : memref<40x128xf32, #tpu.memory_space<vmem_shared>>)
    %dma_wait3A_559 = arith.constant 0 : i32
    %dma_wait3A_560 = arith.constant 0 : i32
    %dma_wait3A_561 = arith.constant 0 : i32
    %dma_wait3A_562 = arith.constant 0 : i32
    %dma_wait3A_563 = tpu.memref_slice %arg9[%dma_wait3A_559, %dma_wait3A_561, %dma_wait3A_562] : memref<4x40x128xf32, #tpu.memory_space<vmem>> -> memref<1x40x128xf32, #tpu.memory_space<vmem>>
    %dma_wait3A_564 = tpu.memref_squeeze %dma_wait3A_563 : memref<1x40x128xf32, #tpu.memory_space<vmem>> -> memref<40x128xf32, #tpu.memory_space<vmem>>
    %dma_wait3A_565 = arith.constant 0 : i32
    %dma_wait3A_566 = tpu.memref_slice %arg10[%add3A_132, %dma_wait3A_565] : memref<10112x128xf32, #tpu.memory_space<vmem_shared>> -> memref<40x128xf32, #tpu.memory_space<vmem_shared>>
    %dma_wait3A_567 = tpu.memref_slice %arg13[%dma_wait3A_560] : memref<4x!tpu.dma_semaphore, #tpu.memory_space<semaphore_mem>> -> memref<1x!tpu.dma_semaphore, #tpu.memory_space<semaphore_mem>>
    %dma_wait3A_568 = tpu.memref_squeeze %dma_wait3A_567 : memref<1x!tpu.dma_semaphore, #tpu.memory_space<semaphore_mem>> -> memref<!tpu.dma_semaphore, #tpu.memory_space<semaphore_mem>>
    %dma_wait3A_569 = arith.constant 0 : i32
    %dma_wait3A_570 = tpu.memref_slice %arg10[%add3A_132, %dma_wait3A_569] : memref<10112x128xf32, #tpu.memory_space<vmem_shared>> -> memref<40x128xf32, #tpu.memory_space<vmem_shared>>
    %dma_wait3A_571 = arith.constant 0 : i32
    %dma_wait3A_572 = arith.constant 0 : i32
    %dma_wait3A_573 = tpu.memref_slice %arg9[%dma_wait3A_559, %dma_wait3A_571, %dma_wait3A_572] : memref<4x40x128xf32, #tpu.memory_space<vmem>> -> memref<1x40x128xf32, #tpu.memory_space<vmem>>
    %dma_wait3A_574 = tpu.memref_squeeze %dma_wait3A_573 : memref<1x40x128xf32, #tpu.memory_space<vmem>> -> memref<40x128xf32, #tpu.memory_space<vmem>>
    tpu.wait_dma2 semaphore(%dma_wait3A_568 : memref<!tpu.dma_semaphore, #tpu.memory_space<semaphore_mem>>) src(%dma_wait3A_574 : memref<40x128xf32, #tpu.memory_space<vmem>>) dst(%dma_wait3A_570 : memref<40x128xf32, #tpu.memory_space<vmem_shared>>)
    %dma_wait3A_575 = arith.constant 0 : i32
    %dma_wait3A_576 = arith.constant 0 : i32
    %dma_wait3A_577 = arith.constant 0 : i32
    %dma_wait3A_578 = arith.constant 0 : i32
    %dma_wait3A_579 = tpu.memref_slice %arg9[%dma_wait3A_575, %dma_wait3A_577, %dma_wait3A_578] : memref<4x40x128xf32, #tpu.memory_space<vmem>> -> memref<1x40x128xf32, #tpu.memory_space<vmem>>
    %dma_wait3A_580 = tpu.memref_squeeze %dma_wait3A_579 : memref<1x40x128xf32, #tpu.memory_space<vmem>> -> memref<40x128xf32, #tpu.memory_space<vmem>>
    %dma_wait3A_581 = arith.constant 0 : i32
    %dma_wait3A_582 = tpu.memref_slice %arg10[%add3A_134, %dma_wait3A_581] : memref<10112x128xf32, #tpu.memory_space<vmem_shared>> -> memref<40x128xf32, #tpu.memory_space<vmem_shared>>
    %dma_wait3A_583 = tpu.memref_slice %arg13[%dma_wait3A_576] : memref<4x!tpu.dma_semaphore, #tpu.memory_space<semaphore_mem>> -> memref<1x!tpu.dma_semaphore, #tpu.memory_space<semaphore_mem>>
    %dma_wait3A_584 = tpu.memref_squeeze %dma_wait3A_583 : memref<1x!tpu.dma_semaphore, #tpu.memory_space<semaphore_mem>> -> memref<!tpu.dma_semaphore, #tpu.memory_space<semaphore_mem>>
    %dma_wait3A_585 = arith.constant 0 : i32
    %dma_wait3A_586 = tpu.memref_slice %arg10[%add3A_134, %dma_wait3A_585] : memref<10112x128xf32, #tpu.memory_space<vmem_shared>> -> memref<40x128xf32, #tpu.memory_space<vmem_shared>>
    %dma_wait3A_587 = arith.constant 0 : i32
    %dma_wait3A_588 = arith.constant 0 : i32
    %dma_wait3A_589 = tpu.memref_slice %arg9[%dma_wait3A_575, %dma_wait3A_587, %dma_wait3A_588] : memref<4x40x128xf32, #tpu.memory_space<vmem>> -> memref<1x40x128xf32, #tpu.memory_space<vmem>>
    %dma_wait3A_590 = tpu.memref_squeeze %dma_wait3A_589 : memref<1x40x128xf32, #tpu.memory_space<vmem>> -> memref<40x128xf32, #tpu.memory_space<vmem>>
    tpu.wait_dma2 semaphore(%dma_wait3A_584 : memref<!tpu.dma_semaphore, #tpu.memory_space<semaphore_mem>>) src(%dma_wait3A_590 : memref<40x128xf32, #tpu.memory_space<vmem>>) dst(%dma_wait3A_586 : memref<40x128xf32, #tpu.memory_space<vmem_shared>>)
    %dma_wait3A_591 = arith.constant 0 : i32
    %dma_wait3A_592 = arith.constant 0 : i32
    %dma_wait3A_593 = arith.constant 0 : i32
    %dma_wait3A_594 = arith.constant 0 : i32
    %dma_wait3A_595 = tpu.memref_slice %arg9[%dma_wait3A_591, %dma_wait3A_593, %dma_wait3A_594] : memref<4x40x128xf32, #tpu.memory_space<vmem>> -> memref<1x40x128xf32, #tpu.memory_space<vmem>>
    %dma_wait3A_596 = tpu.memref_squeeze %dma_wait3A_595 : memref<1x40x128xf32, #tpu.memory_space<vmem>> -> memref<40x128xf32, #tpu.memory_space<vmem>>
    %dma_wait3A_597 = arith.constant 0 : i32
    %dma_wait3A_598 = tpu.memref_slice %arg10[%add3A_136, %dma_wait3A_597] : memref<10112x128xf32, #tpu.memory_space<vmem_shared>> -> memref<40x128xf32, #tpu.memory_space<vmem_shared>>
    %dma_wait3A_599 = tpu.memref_slice %arg13[%dma_wait3A_592] : memref<4x!tpu.dma_semaphore, #tpu.memory_space<semaphore_mem>> -> memref<1x!tpu.dma_semaphore, #tpu.memory_space<semaphore_mem>>
    %dma_wait3A_600 = tpu.memref_squeeze %dma_wait3A_599 : memref<1x!tpu.dma_semaphore, #tpu.memory_space<semaphore_mem>> -> memref<!tpu.dma_semaphore, #tpu.memory_space<semaphore_mem>>
    %dma_wait3A_601 = arith.constant 0 : i32
    %dma_wait3A_602 = tpu.memref_slice %arg10[%add3A_136, %dma_wait3A_601] : memref<10112x128xf32, #tpu.memory_space<vmem_shared>> -> memref<40x128xf32, #tpu.memory_space<vmem_shared>>
    %dma_wait3A_603 = arith.constant 0 : i32
    %dma_wait3A_604 = arith.constant 0 : i32
    %dma_wait3A_605 = tpu.memref_slice %arg9[%dma_wait3A_591, %dma_wait3A_603, %dma_wait3A_604] : memref<4x40x128xf32, #tpu.memory_space<vmem>> -> memref<1x40x128xf32, #tpu.memory_space<vmem>>
    %dma_wait3A_606 = tpu.memref_squeeze %dma_wait3A_605 : memref<1x40x128xf32, #tpu.memory_space<vmem>> -> memref<40x128xf32, #tpu.memory_space<vmem>>
    tpu.wait_dma2 semaphore(%dma_wait3A_600 : memref<!tpu.dma_semaphore, #tpu.memory_space<semaphore_mem>>) src(%dma_wait3A_606 : memref<40x128xf32, #tpu.memory_space<vmem>>) dst(%dma_wait3A_602 : memref<40x128xf32, #tpu.memory_space<vmem_shared>>)
    %dma_wait3A_607 = arith.constant 0 : i32
    %dma_wait3A_608 = arith.constant 0 : i32
    %dma_wait3A_609 = arith.constant 0 : i32
    %dma_wait3A_610 = arith.constant 0 : i32
    %dma_wait3A_611 = tpu.memref_slice %arg9[%dma_wait3A_607, %dma_wait3A_609, %dma_wait3A_610] : memref<4x40x128xf32, #tpu.memory_space<vmem>> -> memref<1x40x128xf32, #tpu.memory_space<vmem>>
    %dma_wait3A_612 = tpu.memref_squeeze %dma_wait3A_611 : memref<1x40x128xf32, #tpu.memory_space<vmem>> -> memref<40x128xf32, #tpu.memory_space<vmem>>
    %dma_wait3A_613 = arith.constant 0 : i32
    %dma_wait3A_614 = tpu.memref_slice %arg10[%add3A_138, %dma_wait3A_613] : memref<10112x128xf32, #tpu.memory_space<vmem_shared>> -> memref<40x128xf32, #tpu.memory_space<vmem_shared>>
    %dma_wait3A_615 = tpu.memref_slice %arg13[%dma_wait3A_608] : memref<4x!tpu.dma_semaphore, #tpu.memory_space<semaphore_mem>> -> memref<1x!tpu.dma_semaphore, #tpu.memory_space<semaphore_mem>>
    %dma_wait3A_616 = tpu.memref_squeeze %dma_wait3A_615 : memref<1x!tpu.dma_semaphore, #tpu.memory_space<semaphore_mem>> -> memref<!tpu.dma_semaphore, #tpu.memory_space<semaphore_mem>>
    %dma_wait3A_617 = arith.constant 0 : i32
    %dma_wait3A_618 = tpu.memref_slice %arg10[%add3A_138, %dma_wait3A_617] : memref<10112x128xf32, #tpu.memory_space<vmem_shared>> -> memref<40x128xf32, #tpu.memory_space<vmem_shared>>
    %dma_wait3A_619 = arith.constant 0 : i32
    %dma_wait3A_620 = arith.constant 0 : i32
    %dma_wait3A_621 = tpu.memref_slice %arg9[%dma_wait3A_607, %dma_wait3A_619, %dma_wait3A_620] : memref<4x40x128xf32, #tpu.memory_space<vmem>> -> memref<1x40x128xf32, #tpu.memory_space<vmem>>
    %dma_wait3A_622 = tpu.memref_squeeze %dma_wait3A_621 : memref<1x40x128xf32, #tpu.memory_space<vmem>> -> memref<40x128xf32, #tpu.memory_space<vmem>>
    tpu.wait_dma2 semaphore(%dma_wait3A_616 : memref<!tpu.dma_semaphore, #tpu.memory_space<semaphore_mem>>) src(%dma_wait3A_622 : memref<40x128xf32, #tpu.memory_space<vmem>>) dst(%dma_wait3A_618 : memref<40x128xf32, #tpu.memory_space<vmem_shared>>)
    %dma_wait3A_623 = arith.constant 0 : i32
    %dma_wait3A_624 = arith.constant 0 : i32
    %dma_wait3A_625 = arith.constant 0 : i32
    %dma_wait3A_626 = arith.constant 0 : i32
    %dma_wait3A_627 = tpu.memref_slice %arg9[%dma_wait3A_623, %dma_wait3A_625, %dma_wait3A_626] : memref<4x40x128xf32, #tpu.memory_space<vmem>> -> memref<1x40x128xf32, #tpu.memory_space<vmem>>
    %dma_wait3A_628 = tpu.memref_squeeze %dma_wait3A_627 : memref<1x40x128xf32, #tpu.memory_space<vmem>> -> memref<40x128xf32, #tpu.memory_space<vmem>>
    %dma_wait3A_629 = arith.constant 0 : i32
    %dma_wait3A_630 = tpu.memref_slice %arg10[%add3A_140, %dma_wait3A_629] : memref<10112x128xf32, #tpu.memory_space<vmem_shared>> -> memref<40x128xf32, #tpu.memory_space<vmem_shared>>
    %dma_wait3A_631 = tpu.memref_slice %arg13[%dma_wait3A_624] : memref<4x!tpu.dma_semaphore, #tpu.memory_space<semaphore_mem>> -> memref<1x!tpu.dma_semaphore, #tpu.memory_space<semaphore_mem>>
    %dma_wait3A_632 = tpu.memref_squeeze %dma_wait3A_631 : memref<1x!tpu.dma_semaphore, #tpu.memory_space<semaphore_mem>> -> memref<!tpu.dma_semaphore, #tpu.memory_space<semaphore_mem>>
    %dma_wait3A_633 = arith.constant 0 : i32
    %dma_wait3A_634 = tpu.memref_slice %arg10[%add3A_140, %dma_wait3A_633] : memref<10112x128xf32, #tpu.memory_space<vmem_shared>> -> memref<40x128xf32, #tpu.memory_space<vmem_shared>>
    %dma_wait3A_635 = arith.constant 0 : i32
    %dma_wait3A_636 = arith.constant 0 : i32
    %dma_wait3A_637 = tpu.memref_slice %arg9[%dma_wait3A_623, %dma_wait3A_635, %dma_wait3A_636] : memref<4x40x128xf32, #tpu.memory_space<vmem>> -> memref<1x40x128xf32, #tpu.memory_space<vmem>>
    %dma_wait3A_638 = tpu.memref_squeeze %dma_wait3A_637 : memref<1x40x128xf32, #tpu.memory_space<vmem>> -> memref<40x128xf32, #tpu.memory_space<vmem>>
    tpu.wait_dma2 semaphore(%dma_wait3A_632 : memref<!tpu.dma_semaphore, #tpu.memory_space<semaphore_mem>>) src(%dma_wait3A_638 : memref<40x128xf32, #tpu.memory_space<vmem>>) dst(%dma_wait3A_634 : memref<40x128xf32, #tpu.memory_space<vmem_shared>>)
    %dma_wait3A_639 = arith.constant 0 : i32
    %dma_wait3A_640 = arith.constant 0 : i32
    %dma_wait3A_641 = arith.constant 0 : i32
    %dma_wait3A_642 = arith.constant 0 : i32
    %dma_wait3A_643 = tpu.memref_slice %arg9[%dma_wait3A_639, %dma_wait3A_641, %dma_wait3A_642] : memref<4x40x128xf32, #tpu.memory_space<vmem>> -> memref<1x32x128xf32, #tpu.memory_space<vmem>>
    %dma_wait3A_644 = tpu.memref_squeeze %dma_wait3A_643 : memref<1x32x128xf32, #tpu.memory_space<vmem>> -> memref<32x128xf32, #tpu.memory_space<vmem>>
    %dma_wait3A_645 = arith.constant 0 : i32
    %dma_wait3A_646 = tpu.memref_slice %arg10[%sub3A_143, %dma_wait3A_645] : memref<10112x128xf32, #tpu.memory_space<vmem_shared>> -> memref<32x128xf32, #tpu.memory_space<vmem_shared>>
    %dma_wait3A_647 = tpu.memref_slice %arg13[%dma_wait3A_640] : memref<4x!tpu.dma_semaphore, #tpu.memory_space<semaphore_mem>> -> memref<1x!tpu.dma_semaphore, #tpu.memory_space<semaphore_mem>>
    %dma_wait3A_648 = tpu.memref_squeeze %dma_wait3A_647 : memref<1x!tpu.dma_semaphore, #tpu.memory_space<semaphore_mem>> -> memref<!tpu.dma_semaphore, #tpu.memory_space<semaphore_mem>>
    %dma_wait3A_649 = arith.constant 0 : i32
    %dma_wait3A_650 = tpu.memref_slice %arg10[%sub3A_143, %dma_wait3A_649] : memref<10112x128xf32, #tpu.memory_space<vmem_shared>> -> memref<32x128xf32, #tpu.memory_space<vmem_shared>>
    %dma_wait3A_651 = arith.constant 0 : i32
    %dma_wait3A_652 = arith.constant 0 : i32
    %dma_wait3A_653 = tpu.memref_slice %arg9[%dma_wait3A_639, %dma_wait3A_651, %dma_wait3A_652] : memref<4x40x128xf32, #tpu.memory_space<vmem>> -> memref<1x32x128xf32, #tpu.memory_space<vmem>>
    %dma_wait3A_654 = tpu.memref_squeeze %dma_wait3A_653 : memref<1x32x128xf32, #tpu.memory_space<vmem>> -> memref<32x128xf32, #tpu.memory_space<vmem>>
    tpu.wait_dma2 semaphore(%dma_wait3A_648 : memref<!tpu.dma_semaphore, #tpu.memory_space<semaphore_mem>>) src(%dma_wait3A_654 : memref<32x128xf32, #tpu.memory_space<vmem>>) dst(%dma_wait3A_650 : memref<32x128xf32, #tpu.memory_space<vmem_shared>>)
    %barrier3A = arith.constant 0 : index
    tpu.barrier barrier_id(%barrier3A)
    %scan3A = arith.constant 0 : i32
    %scan3A_655 = arith.constant 0 : i32
    %scan3A_656 = arith.constant 254 : i32
    %scan3A_657 = arith.addi %scan3A_655, %scan3A_656 : i32
    %scan3A_658 = arith.constant 1 : i32
    scf.for %scan3A_664 = %scan3A_655 to %scan3A_657 step %scan3A_658  : i32 {
      %ge3A = arith.constant 4 : i32
      %ge3A_665 = arith.cmpi sge, %scan3A_664, %ge3A : i32
      %convert_element_type3A = arith.extui %ge3A_665 : i1 to i32
      %cond3A = arith.constant 0 : i32
      %cond3A_666 = arith.cmpi ne, %convert_element_type3A, %cond3A : i32
      scf.if %cond3A_666 {
        %sub3A_685 = arith.constant 4 : i32
        %sub3A_686 = arith.subi %scan3A_664, %sub3A_685 : i32
        %rem3A_687 = arith.constant 8 : i32
        %rem3A_688 = arith.remsi %sub3A_686, %rem3A_687 : i32
        %rem3A_689 = arith.constant 4 : i32
        %rem3A_690 = arith.remsi %sub3A_686, %rem3A_689 : i32
        %dma_wait3A_691 = arith.constant 0 : i32
        %dma_wait3A_692 = arith.constant 0 : i32
        %dma_wait3A_693 = tpu.memref_slice %arg9[%rem3A_690, %dma_wait3A_691, %dma_wait3A_692] : memref<4x40x128xf32, #tpu.memory_space<vmem>> -> memref<1x40x128xf32, #tpu.memory_space<vmem>>
        %dma_wait3A_694 = tpu.memref_squeeze %dma_wait3A_693 : memref<1x40x128xf32, #tpu.memory_space<vmem>> -> memref<40x128xf32, #tpu.memory_space<vmem>>
        %dma_wait3A_695 = arith.constant 0 : i32
        %dma_wait3A_696 = tpu.memref_slice %arg8[%rem3A_688, %dma_wait3A_695] : memref<8x40xi32, #tpu.memory_space<vmem>> -> memref<1x40xi32, #tpu.memory_space<vmem>>
        %dma_wait3A_697 = tpu.memref_squeeze %dma_wait3A_696 : memref<1x40xi32, #tpu.memory_space<vmem>> -> memref<40xi32, #tpu.memory_space<vmem>>
        %dma_wait3A_698 = arith.constant 0 : i32
        %dma_wait3A_699 = arith.constant 0 : i32
        %dma_wait3A_700 = tpu.memref_slice %arg10[%dma_wait3A_698, %dma_wait3A_699] : memref<10112x128xf32, #tpu.memory_space<vmem_shared>> -> memref<10112x128xf32, #tpu.memory_space<vmem_shared>>
        %dma_wait3A_701 = tpu.memref_slice %arg13[%rem3A_690] : memref<4x!tpu.dma_semaphore, #tpu.memory_space<semaphore_mem>> -> memref<1x!tpu.dma_semaphore, #tpu.memory_space<semaphore_mem>>
        %dma_wait3A_702 = tpu.memref_squeeze %dma_wait3A_701 : memref<1x!tpu.dma_semaphore, #tpu.memory_space<semaphore_mem>> -> memref<!tpu.dma_semaphore, #tpu.memory_space<semaphore_mem>>
        tpu.wait_indirect_dma semaphore(%dma_wait3A_702 : memref<!tpu.dma_semaphore, #tpu.memory_space<semaphore_mem>>) src(%dma_wait3A_694 : memref<40x128xf32, #tpu.memory_space<vmem>>) dst(%dma_wait3A_700 : memref<10112x128xf32, #tpu.memory_space<vmem_shared>>)
      } else {
      }
      %add3A_667 = arith.constant 4 : i32
      %add3A_668 = arith.addi %scan3A_664, %add3A_667 : i32
      %lt3A = arith.constant 250 : i32
      %lt3A_669 = arith.cmpi slt, %add3A_668, %lt3A : i32
      %convert_element_type3A_670 = arith.extui %lt3A_669 : i1 to i32
      %cond3A_671 = arith.constant 0 : i32
      %cond3A_672 = arith.cmpi ne, %convert_element_type3A_670, %cond3A_671 : i32
      scf.if %cond3A_672 {
        %add3A_685 = arith.constant 4 : i32
        %add3A_686 = arith.addi %scan3A_664, %add3A_685 : i32
        %rem3A_687 = arith.constant 8 : i32
        %rem3A_688 = arith.remsi %add3A_686, %rem3A_687 : i32
        %mul3A_689 = arith.constant 40 : i32
        %mul3A_690 = arith.muli %add3A_686, %mul3A_689 : i32
        %add3A_691 = arith.addi %mul3A_4, %mul3A_690 : i32
        %mul3A_692 = arith.constant 40 : i32
        %mul3A_693 = arith.muli %add3A_686, %mul3A_692 : i32
        %add3A_694 = arith.addi %mul3A_4, %mul3A_693 : i32
        %dma_start3A_695 = arith.constant 0 : i32
        %dma_start3A_696 = tpu.memref_slice %arg7[%rem3A_688, %dma_start3A_695] : memref<8x40xi32, #tpu.memory_space<vmem>> -> memref<1x40xi32, #tpu.memory_space<vmem>>
        %dma_start3A_697 = tpu.memref_squeeze %dma_start3A_696 : memref<1x40xi32, #tpu.memory_space<vmem>> -> memref<40xi32, #tpu.memory_space<vmem>>
        %dma_start3A_698 = tpu.memref_slice %arg3[%add3A_691] : memref<320000xi32, #tpu.memory_space<hbm>> -> memref<40xi32, #tpu.memory_space<hbm>>
        %dma_start3A_699 = tpu.memref_slice %arg11[%rem3A_688] : memref<8x!tpu.dma_semaphore, #tpu.memory_space<semaphore_mem>> -> memref<1x!tpu.dma_semaphore, #tpu.memory_space<semaphore_mem>>
        %dma_start3A_700 = tpu.memref_squeeze %dma_start3A_699 : memref<1x!tpu.dma_semaphore, #tpu.memory_space<semaphore_mem>> -> memref<!tpu.dma_semaphore, #tpu.memory_space<semaphore_mem>>
        %dma_start3A_701 = arith.constant 0 : i32
        %dma_start3A_702 = tpu.memref_slice %arg7[%rem3A_688, %dma_start3A_701] : memref<8x40xi32, #tpu.memory_space<vmem>> -> memref<1x40xi32, #tpu.memory_space<vmem>>
        %dma_start3A_703 = tpu.memref_squeeze %dma_start3A_702 : memref<1x40xi32, #tpu.memory_space<vmem>> -> memref<40xi32, #tpu.memory_space<vmem>>
        %dma_start3A_704 = tpu.memref_slice %arg3[%add3A_691] : memref<320000xi32, #tpu.memory_space<hbm>> -> memref<40xi32, #tpu.memory_space<hbm>>
        tpu.enqueue_dma source(%dma_start3A_704 : memref<40xi32, #tpu.memory_space<hbm>>) target(%dma_start3A_703 : memref<40xi32, #tpu.memory_space<vmem>>) target_semaphore(%dma_start3A_700 : memref<!tpu.dma_semaphore, #tpu.memory_space<semaphore_mem>>)
        %dma_start3A_705 = arith.constant 0 : i32
        %dma_start3A_706 = tpu.memref_slice %arg8[%rem3A_688, %dma_start3A_705] : memref<8x40xi32, #tpu.memory_space<vmem>> -> memref<1x40xi32, #tpu.memory_space<vmem>>
        %dma_start3A_707 = tpu.memref_squeeze %dma_start3A_706 : memref<1x40xi32, #tpu.memory_space<vmem>> -> memref<40xi32, #tpu.memory_space<vmem>>
        %dma_start3A_708 = tpu.memref_slice %arg4[%add3A_694] : memref<320000xi32, #tpu.memory_space<hbm>> -> memref<40xi32, #tpu.memory_space<hbm>>
        %dma_start3A_709 = tpu.memref_slice %arg11[%rem3A_688] : memref<8x!tpu.dma_semaphore, #tpu.memory_space<semaphore_mem>> -> memref<1x!tpu.dma_semaphore, #tpu.memory_space<semaphore_mem>>
        %dma_start3A_710 = tpu.memref_squeeze %dma_start3A_709 : memref<1x!tpu.dma_semaphore, #tpu.memory_space<semaphore_mem>> -> memref<!tpu.dma_semaphore, #tpu.memory_space<semaphore_mem>>
        %dma_start3A_711 = arith.constant 0 : i32
        %dma_start3A_712 = tpu.memref_slice %arg8[%rem3A_688, %dma_start3A_711] : memref<8x40xi32, #tpu.memory_space<vmem>> -> memref<1x40xi32, #tpu.memory_space<vmem>>
        %dma_start3A_713 = tpu.memref_squeeze %dma_start3A_712 : memref<1x40xi32, #tpu.memory_space<vmem>> -> memref<40xi32, #tpu.memory_space<vmem>>
        %dma_start3A_714 = tpu.memref_slice %arg4[%add3A_694] : memref<320000xi32, #tpu.memory_space<hbm>> -> memref<40xi32, #tpu.memory_space<hbm>>
        tpu.enqueue_dma source(%dma_start3A_714 : memref<40xi32, #tpu.memory_space<hbm>>) target(%dma_start3A_713 : memref<40xi32, #tpu.memory_space<vmem>>) target_semaphore(%dma_start3A_710 : memref<!tpu.dma_semaphore, #tpu.memory_space<semaphore_mem>>)
      } else {
      }
      %lt3A_673 = arith.constant 250 : i32
      %lt3A_674 = arith.cmpi slt, %scan3A_664, %lt3A_673 : i32
      %convert_element_type3A_675 = arith.extui %lt3A_674 : i1 to i32
      %cond3A_676 = arith.constant 0 : i32
      %cond3A_677 = arith.cmpi ne, %convert_element_type3A_675, %cond3A_676 : i32
      scf.if %cond3A_677 {
        %rem3A_685 = arith.constant 8 : i32
        %rem3A_686 = arith.remsi %scan3A_664, %rem3A_685 : i32
        %mul3A_687 = arith.constant 40 : i32
        %mul3A_688 = arith.muli %scan3A_664, %mul3A_687 : i32
        %add3A_689 = arith.addi %mul3A_4, %mul3A_688 : i32
        %mul3A_690 = arith.constant 40 : i32
        %mul3A_691 = arith.muli %scan3A_664, %mul3A_690 : i32
        %add3A_692 = arith.addi %mul3A_4, %mul3A_691 : i32
        %dma_wait3A_693 = arith.constant 0 : i32
        %dma_wait3A_694 = tpu.memref_slice %arg7[%rem3A_686, %dma_wait3A_693] : memref<8x40xi32, #tpu.memory_space<vmem>> -> memref<1x40xi32, #tpu.memory_space<vmem>>
        %dma_wait3A_695 = tpu.memref_squeeze %dma_wait3A_694 : memref<1x40xi32, #tpu.memory_space<vmem>> -> memref<40xi32, #tpu.memory_space<vmem>>
        %dma_wait3A_696 = tpu.memref_slice %arg3[%add3A_689] : memref<320000xi32, #tpu.memory_space<hbm>> -> memref<40xi32, #tpu.memory_space<hbm>>
        %dma_wait3A_697 = tpu.memref_slice %arg11[%rem3A_686] : memref<8x!tpu.dma_semaphore, #tpu.memory_space<semaphore_mem>> -> memref<1x!tpu.dma_semaphore, #tpu.memory_space<semaphore_mem>>
        %dma_wait3A_698 = tpu.memref_squeeze %dma_wait3A_697 : memref<1x!tpu.dma_semaphore, #tpu.memory_space<semaphore_mem>> -> memref<!tpu.dma_semaphore, #tpu.memory_space<semaphore_mem>>
        %dma_wait3A_699 = arith.constant 0 : i32
        %dma_wait3A_700 = tpu.memref_slice %arg7[%rem3A_686, %dma_wait3A_699] : memref<8x40xi32, #tpu.memory_space<vmem>> -> memref<1x40xi32, #tpu.memory_space<vmem>>
        %dma_wait3A_701 = tpu.memref_squeeze %dma_wait3A_700 : memref<1x40xi32, #tpu.memory_space<vmem>> -> memref<40xi32, #tpu.memory_space<vmem>>
        %dma_wait3A_702 = tpu.memref_slice %arg3[%add3A_689] : memref<320000xi32, #tpu.memory_space<hbm>> -> memref<40xi32, #tpu.memory_space<hbm>>
        tpu.wait_dma2 semaphore(%dma_wait3A_698 : memref<!tpu.dma_semaphore, #tpu.memory_space<semaphore_mem>>) src(%dma_wait3A_702 : memref<40xi32, #tpu.memory_space<hbm>>) dst(%dma_wait3A_701 : memref<40xi32, #tpu.memory_space<vmem>>)
        %dma_wait3A_703 = arith.constant 0 : i32
        %dma_wait3A_704 = tpu.memref_slice %arg8[%rem3A_686, %dma_wait3A_703] : memref<8x40xi32, #tpu.memory_space<vmem>> -> memref<1x40xi32, #tpu.memory_space<vmem>>
        %dma_wait3A_705 = tpu.memref_squeeze %dma_wait3A_704 : memref<1x40xi32, #tpu.memory_space<vmem>> -> memref<40xi32, #tpu.memory_space<vmem>>
        %dma_wait3A_706 = tpu.memref_slice %arg4[%add3A_692] : memref<320000xi32, #tpu.memory_space<hbm>> -> memref<40xi32, #tpu.memory_space<hbm>>
        %dma_wait3A_707 = tpu.memref_slice %arg11[%rem3A_686] : memref<8x!tpu.dma_semaphore, #tpu.memory_space<semaphore_mem>> -> memref<1x!tpu.dma_semaphore, #tpu.memory_space<semaphore_mem>>
        %dma_wait3A_708 = tpu.memref_squeeze %dma_wait3A_707 : memref<1x!tpu.dma_semaphore, #tpu.memory_space<semaphore_mem>> -> memref<!tpu.dma_semaphore, #tpu.memory_space<semaphore_mem>>
        %dma_wait3A_709 = arith.constant 0 : i32
        %dma_wait3A_710 = tpu.memref_slice %arg8[%rem3A_686, %dma_wait3A_709] : memref<8x40xi32, #tpu.memory_space<vmem>> -> memref<1x40xi32, #tpu.memory_space<vmem>>
        %dma_wait3A_711 = tpu.memref_squeeze %dma_wait3A_710 : memref<1x40xi32, #tpu.memory_space<vmem>> -> memref<40xi32, #tpu.memory_space<vmem>>
        %dma_wait3A_712 = tpu.memref_slice %arg4[%add3A_692] : memref<320000xi32, #tpu.memory_space<hbm>> -> memref<40xi32, #tpu.memory_space<hbm>>
        tpu.wait_dma2 semaphore(%dma_wait3A_708 : memref<!tpu.dma_semaphore, #tpu.memory_space<semaphore_mem>>) src(%dma_wait3A_712 : memref<40xi32, #tpu.memory_space<hbm>>) dst(%dma_wait3A_711 : memref<40xi32, #tpu.memory_space<vmem>>)
        %rem3A_713 = arith.constant 8 : i32
        %rem3A_714 = arith.remsi %scan3A_664, %rem3A_713 : i32
        %rem3A_715 = arith.constant 4 : i32
        %rem3A_716 = arith.remsi %scan3A_664, %rem3A_715 : i32
        %dma_start3A_717 = arith.constant 0 : i32
        %dma_start3A_718 = arith.constant 0 : i32
        %dma_start3A_719 = tpu.memref_slice %arg9[%rem3A_716, %dma_start3A_717, %dma_start3A_718] : memref<4x40x128xf32, #tpu.memory_space<vmem>> -> memref<1x40x128xf32, #tpu.memory_space<vmem>>
        %dma_start3A_720 = tpu.memref_squeeze %dma_start3A_719 : memref<1x40x128xf32, #tpu.memory_space<vmem>> -> memref<40x128xf32, #tpu.memory_space<vmem>>
        %dma_start3A_721 = arith.constant 0 : i32
        %dma_start3A_722 = tpu.memref_slice %arg7[%rem3A_714, %dma_start3A_721] : memref<8x40xi32, #tpu.memory_space<vmem>> -> memref<1x40xi32, #tpu.memory_space<vmem>>
        %dma_start3A_723 = tpu.memref_squeeze %dma_start3A_722 : memref<1x40xi32, #tpu.memory_space<vmem>> -> memref<40xi32, #tpu.memory_space<vmem>>
        %dma_start3A_724 = arith.constant 0 : i32
        %dma_start3A_725 = arith.constant 0 : i32
        %dma_start3A_726 = tpu.memref_slice %arg2[%dma_start3A_724, %dma_start3A_725] : memref<10000x128xf32, #tpu.memory_space<hbm>> -> memref<10000x128xf32, #tpu.memory_space<hbm>>
        %dma_start3A_727 = tpu.memref_slice %arg12[%rem3A_716] : memref<4x!tpu.dma_semaphore, #tpu.memory_space<semaphore_mem>> -> memref<1x!tpu.dma_semaphore, #tpu.memory_space<semaphore_mem>>
        %dma_start3A_728 = tpu.memref_squeeze %dma_start3A_727 : memref<1x!tpu.dma_semaphore, #tpu.memory_space<semaphore_mem>> -> memref<!tpu.dma_semaphore, #tpu.memory_space<semaphore_mem>>
        tpu.enqueue_indirect_dma source(%dma_start3A_726 : memref<10000x128xf32, #tpu.memory_space<hbm>>) target(%dma_start3A_720 : memref<40x128xf32, #tpu.memory_space<vmem>>) offsets(%dma_start3A_723 : memref<40xi32, #tpu.memory_space<vmem>>) semaphore(%dma_start3A_728 : memref<!tpu.dma_semaphore, #tpu.memory_space<semaphore_mem>>)
      } else {
      }
      %ge3A_678 = arith.constant 3 : i32
      %ge3A_679 = arith.cmpi sge, %scan3A_664, %ge3A_678 : i32
      %lt3A_680 = arith.constant 253 : i32
      %lt3A_681 = arith.cmpi slt, %scan3A_664, %lt3A_680 : i32
      %and3A = arith.andi %ge3A_679, %lt3A_681 : i1
      %convert_element_type3A_682 = arith.extui %and3A : i1 to i32
      %cond3A_683 = arith.constant 0 : i32
      %cond3A_684 = arith.cmpi ne, %convert_element_type3A_682, %cond3A_683 : i32
      scf.if %cond3A_684 {
        %sub3A_685 = arith.constant 3 : i32
        %sub3A_686 = arith.subi %scan3A_664, %sub3A_685 : i32
        %rem3A_687 = arith.constant 8 : i32
        %rem3A_688 = arith.remsi %sub3A_686, %rem3A_687 : i32
        %rem3A_689 = arith.constant 4 : i32
        %rem3A_690 = arith.remsi %sub3A_686, %rem3A_689 : i32
        %dma_wait3A_691 = arith.constant 0 : i32
        %dma_wait3A_692 = arith.constant 0 : i32
        %dma_wait3A_693 = tpu.memref_slice %arg9[%rem3A_690, %dma_wait3A_691, %dma_wait3A_692] : memref<4x40x128xf32, #tpu.memory_space<vmem>> -> memref<1x40x128xf32, #tpu.memory_space<vmem>>
        %dma_wait3A_694 = tpu.memref_squeeze %dma_wait3A_693 : memref<1x40x128xf32, #tpu.memory_space<vmem>> -> memref<40x128xf32, #tpu.memory_space<vmem>>
        %dma_wait3A_695 = arith.constant 0 : i32
        %dma_wait3A_696 = tpu.memref_slice %arg7[%rem3A_688, %dma_wait3A_695] : memref<8x40xi32, #tpu.memory_space<vmem>> -> memref<1x40xi32, #tpu.memory_space<vmem>>
        %dma_wait3A_697 = tpu.memref_squeeze %dma_wait3A_696 : memref<1x40xi32, #tpu.memory_space<vmem>> -> memref<40xi32, #tpu.memory_space<vmem>>
        %dma_wait3A_698 = arith.constant 0 : i32
        %dma_wait3A_699 = arith.constant 0 : i32
        %dma_wait3A_700 = tpu.memref_slice %arg2[%dma_wait3A_698, %dma_wait3A_699] : memref<10000x128xf32, #tpu.memory_space<hbm>> -> memref<10000x128xf32, #tpu.memory_space<hbm>>
        %dma_wait3A_701 = tpu.memref_slice %arg12[%rem3A_690] : memref<4x!tpu.dma_semaphore, #tpu.memory_space<semaphore_mem>> -> memref<1x!tpu.dma_semaphore, #tpu.memory_space<semaphore_mem>>
        %dma_wait3A_702 = tpu.memref_squeeze %dma_wait3A_701 : memref<1x!tpu.dma_semaphore, #tpu.memory_space<semaphore_mem>> -> memref<!tpu.dma_semaphore, #tpu.memory_space<semaphore_mem>>
        tpu.wait_indirect_dma semaphore(%dma_wait3A_702 : memref<!tpu.dma_semaphore, #tpu.memory_space<semaphore_mem>>) src(%dma_wait3A_700 : memref<10000x128xf32, #tpu.memory_space<hbm>>) dst(%dma_wait3A_694 : memref<40x128xf32, #tpu.memory_space<vmem>>)
        %sub3A_703 = arith.constant 3 : i32
        %sub3A_704 = arith.subi %scan3A_664, %sub3A_703 : i32
        %rem3A_705 = arith.constant 8 : i32
        %rem3A_706 = arith.remsi %sub3A_704, %rem3A_705 : i32
        %rem3A_707 = arith.constant 4 : i32
        %rem3A_708 = arith.remsi %sub3A_704, %rem3A_707 : i32
        %dma_start3A_709 = arith.constant 0 : i32
        %dma_start3A_710 = arith.constant 0 : i32
        %dma_start3A_711 = tpu.memref_slice %arg9[%rem3A_708, %dma_start3A_709, %dma_start3A_710] : memref<4x40x128xf32, #tpu.memory_space<vmem>> -> memref<1x40x128xf32, #tpu.memory_space<vmem>>
        %dma_start3A_712 = tpu.memref_squeeze %dma_start3A_711 : memref<1x40x128xf32, #tpu.memory_space<vmem>> -> memref<40x128xf32, #tpu.memory_space<vmem>>
        %dma_start3A_713 = arith.constant 0 : i32
        %dma_start3A_714 = tpu.memref_slice %arg8[%rem3A_706, %dma_start3A_713] : memref<8x40xi32, #tpu.memory_space<vmem>> -> memref<1x40xi32, #tpu.memory_space<vmem>>
        %dma_start3A_715 = tpu.memref_squeeze %dma_start3A_714 : memref<1x40xi32, #tpu.memory_space<vmem>> -> memref<40xi32, #tpu.memory_space<vmem>>
        %dma_start3A_716 = arith.constant 0 : i32
        %dma_start3A_717 = arith.constant 0 : i32
        %dma_start3A_718 = tpu.memref_slice %arg10[%dma_start3A_716, %dma_start3A_717] : memref<10112x128xf32, #tpu.memory_space<vmem_shared>> -> memref<10112x128xf32, #tpu.memory_space<vmem_shared>>
        %dma_start3A_719 = tpu.memref_slice %arg13[%rem3A_708] : memref<4x!tpu.dma_semaphore, #tpu.memory_space<semaphore_mem>> -> memref<1x!tpu.dma_semaphore, #tpu.memory_space<semaphore_mem>>
        %dma_start3A_720 = tpu.memref_squeeze %dma_start3A_719 : memref<1x!tpu.dma_semaphore, #tpu.memory_space<semaphore_mem>> -> memref<!tpu.dma_semaphore, #tpu.memory_space<semaphore_mem>>
        tpu.enqueue_indirect_dma source(%dma_start3A_712 : memref<40x128xf32, #tpu.memory_space<vmem>>) target(%dma_start3A_718 : memref<10112x128xf32, #tpu.memory_space<vmem_shared>>) offsets(%dma_start3A_715 : memref<40xi32, #tpu.memory_space<vmem>>) semaphore(%dma_start3A_720 : memref<!tpu.dma_semaphore, #tpu.memory_space<semaphore_mem>>) {add = true}
      } else {
      }
    }
    %scan3A_659 = arith.constant 254 : i32
    %barrier3A_660 = arith.constant 0 : index
    tpu.barrier barrier_id(%barrier3A_660)
    %mul3A_661 = arith.constant 10112 : i32
    %mul3A_662 = arith.muli %arg0, %mul3A_661 : i32
    %add3A_663 = arith.addi %mul3A_662, %mul3A_2 : i32
    "tpu.region"() ({
      %run_scoped3A_664 = tpu.sem_alloc : memref<!tpu.dma_semaphore, #tpu.memory_space<semaphore_mem>>
      %dma_start3A_665 = arith.constant 0 : i32
      %dma_start3A_666 = tpu.memref_slice %arg6[%add3A_663, %dma_start3A_665] : memref<20224x128xf32, #tpu.memory_space<hbm>> -> memref<632x128xf32, #tpu.memory_space<hbm>>
      %dma_start3A_667 = arith.constant 0 : i32
      %dma_start3A_668 = tpu.memref_slice %arg10[%mul3A_2, %dma_start3A_667] : memref<10112x128xf32, #tpu.memory_space<vmem_shared>> -> memref<632x128xf32, #tpu.memory_space<vmem_shared>>
      tpu.enqueue_dma source(%dma_start3A_668 : memref<632x128xf32, #tpu.memory_space<vmem_shared>>) target(%dma_start3A_666 : memref<632x128xf32, #tpu.memory_space<hbm>>) target_semaphore(%run_scoped3A_664 : memref<!tpu.dma_semaphore, #tpu.memory_space<semaphore_mem>>)
      %dma_wait3A_669 = arith.constant 0 : i32
      %dma_wait3A_670 = tpu.memref_slice %arg6[%add3A_663, %dma_wait3A_669] : memref<20224x128xf32, #tpu.memory_space<hbm>> -> memref<632x128xf32, #tpu.memory_space<hbm>>
      %dma_wait3A_671 = arith.constant 0 : i32
      %dma_wait3A_672 = tpu.memref_slice %arg10[%mul3A_2, %dma_wait3A_671] : memref<10112x128xf32, #tpu.memory_space<vmem_shared>> -> memref<632x128xf32, #tpu.memory_space<vmem_shared>>
      tpu.wait_dma2 semaphore(%run_scoped3A_664 : memref<!tpu.dma_semaphore, #tpu.memory_space<semaphore_mem>>) src(%dma_wait3A_672 : memref<632x128xf32, #tpu.memory_space<vmem_shared>>) dst(%dma_wait3A_670 : memref<632x128xf32, #tpu.memory_space<hbm>>)
      tpu.yield
    }) : () -> ()
    return
  }
}

#map = affine_map<(d0, d1) -> (0, 0)>
#map1 = affine_map<(d0, d1) -> (0)>
module attributes {stable_mosaic.version = 14 : i64} {
  func.func @_mp_body(%arg0: i32, %arg1: i32, %arg2: memref<10000x128xf32, #tpu.memory_space<hbm>>, %arg3: memref<320000xi32, #tpu.memory_space<hbm>>, %arg4: memref<320000xi32, #tpu.memory_space<hbm>>, %arg5: memref<40x128xf32, #tpu.memory_space<hbm>>, %arg6: memref<20224x128xf32, #tpu.memory_space<hbm>>, %arg7: memref<8x40xi32, #tpu.memory_space<vmem>>, %arg8: memref<8x40xi32, #tpu.memory_space<vmem>>, %arg9: memref<4x40x128xf32, #tpu.memory_space<vmem>>, %arg10: memref<10112x128xf32, #tpu.memory_space<vmem_shared>>, %arg11: memref<8x!tpu.dma_semaphore, #tpu.memory_space<semaphore_mem>>, %arg12: memref<4x!tpu.dma_semaphore, #tpu.memory_space<semaphore_mem>>, %arg13: memref<4x!tpu.dma_semaphore, #tpu.memory_space<semaphore_mem>>) attributes {dimension_semantics = [#tpu.dimension_semantics<core_parallel>, #tpu.dimension_semantics<subcore_parallel>], iteration_bounds = array<i64: 2, 16>, scalar_prefetch = 0 : i64, scratch_operands = 7 : i64, tpu.core_type = #tpu.core_type<sc_vector_subcore>, window_params = [{transform_indices = #map}, {transform_indices = #map1}, {transform_indices = #map1}, {transform_indices = #map}, {transform_indices = #map}]} {
    %mul3A = arith.constant 16 : i32
    %mul3A_0 = arith.muli %arg0, %mul3A : i32
    %add3A = arith.addi %mul3A_0, %arg1 : i32
    %mul3A_1 = arith.constant 632 : i32
    %mul3A_2 = arith.muli %arg1, %mul3A_1 : i32
    %mul3A_3 = arith.constant 10000 : i32
    %mul3A_4 = arith.muli %add3A, %mul3A_3 : i32
    %rem3A = arith.constant 0 : i32
    %rem3A_5 = arith.constant 8 : i32
    %rem3A_6 = arith.remsi %rem3A, %rem3A_5 : i32
    %add3A_7 = arith.constant 0 : i32
    %add3A_8 = arith.addi %mul3A_4, %add3A_7 : i32
    %add3A_9 = arith.constant 0 : i32
    %add3A_10 = arith.addi %mul3A_4, %add3A_9 : i32
    %dma_start3A = arith.constant 0 : i32
    %dma_start3A_11 = tpu.memref_slice %arg7[%rem3A_6, %dma_start3A] : memref<8x40xi32, #tpu.memory_space<vmem>> -> memref<1x40xi32, #tpu.memory_space<vmem>>
    %dma_start3A_12 = tpu.memref_squeeze %dma_start3A_11 : memref<1x40xi32, #tpu.memory_space<vmem>> -> memref<40xi32, #tpu.memory_space<vmem>>
    %dma_start3A_13 = tpu.memref_slice %arg3[%add3A_8] : memref<320000xi32, #tpu.memory_space<hbm>> -> memref<40xi32, #tpu.memory_space<hbm>>
    %dma_start3A_14 = tpu.memref_slice %arg11[%rem3A_6] : memref<8x!tpu.dma_semaphore, #tpu.memory_space<semaphore_mem>> -> memref<1x!tpu.dma_semaphore, #tpu.memory_space<semaphore_mem>>
    %dma_start3A_15 = tpu.memref_squeeze %dma_start3A_14 : memref<1x!tpu.dma_semaphore, #tpu.memory_space<semaphore_mem>> -> memref<!tpu.dma_semaphore, #tpu.memory_space<semaphore_mem>>
    %dma_start3A_16 = arith.constant 0 : i32
    %dma_start3A_17 = tpu.memref_slice %arg7[%rem3A_6, %dma_start3A_16] : memref<8x40xi32, #tpu.memory_space<vmem>> -> memref<1x40xi32, #tpu.memory_space<vmem>>
    %dma_start3A_18 = tpu.memref_squeeze %dma_start3A_17 : memref<1x40xi32, #tpu.memory_space<vmem>> -> memref<40xi32, #tpu.memory_space<vmem>>
    %dma_start3A_19 = tpu.memref_slice %arg3[%add3A_8] : memref<320000xi32, #tpu.memory_space<hbm>> -> memref<40xi32, #tpu.memory_space<hbm>>
    tpu.enqueue_dma source(%dma_start3A_19 : memref<40xi32, #tpu.memory_space<hbm>>) target(%dma_start3A_18 : memref<40xi32, #tpu.memory_space<vmem>>) target_semaphore(%dma_start3A_15 : memref<!tpu.dma_semaphore, #tpu.memory_space<semaphore_mem>>)
    %dma_start3A_20 = arith.constant 0 : i32
    %dma_start3A_21 = tpu.memref_slice %arg8[%rem3A_6, %dma_start3A_20] : memref<8x40xi32, #tpu.memory_space<vmem>> -> memref<1x40xi32, #tpu.memory_space<vmem>>
    %dma_start3A_22 = tpu.memref_squeeze %dma_start3A_21 : memref<1x40xi32, #tpu.memory_space<vmem>> -> memref<40xi32, #tpu.memory_space<vmem>>
    %dma_start3A_23 = tpu.memref_slice %arg4[%add3A_10] : memref<320000xi32, #tpu.memory_space<hbm>> -> memref<40xi32, #tpu.memory_space<hbm>>
    %dma_start3A_24 = tpu.memref_slice %arg11[%rem3A_6] : memref<8x!tpu.dma_semaphore, #tpu.memory_space<semaphore_mem>> -> memref<1x!tpu.dma_semaphore, #tpu.memory_space<semaphore_mem>>
    %dma_start3A_25 = tpu.memref_squeeze %dma_start3A_24 : memref<1x!tpu.dma_semaphore, #tpu.memory_space<semaphore_mem>> -> memref<!tpu.dma_semaphore, #tpu.memory_space<semaphore_mem>>
    %dma_start3A_26 = arith.constant 0 : i32
    %dma_start3A_27 = tpu.memref_slice %arg8[%rem3A_6, %dma_start3A_26] : memref<8x40xi32, #tpu.memory_space<vmem>> -> memref<1x40xi32, #tpu.memory_space<vmem>>
    %dma_start3A_28 = tpu.memref_squeeze %dma_start3A_27 : memref<1x40xi32, #tpu.memory_space<vmem>> -> memref<40xi32, #tpu.memory_space<vmem>>
    %dma_start3A_29 = tpu.memref_slice %arg4[%add3A_10] : memref<320000xi32, #tpu.memory_space<hbm>> -> memref<40xi32, #tpu.memory_space<hbm>>
    tpu.enqueue_dma source(%dma_start3A_29 : memref<40xi32, #tpu.memory_space<hbm>>) target(%dma_start3A_28 : memref<40xi32, #tpu.memory_space<vmem>>) target_semaphore(%dma_start3A_25 : memref<!tpu.dma_semaphore, #tpu.memory_space<semaphore_mem>>)
    %rem3A_30 = arith.constant 1 : i32
    %rem3A_31 = arith.constant 8 : i32
    %rem3A_32 = arith.remsi %rem3A_30, %rem3A_31 : i32
    %add3A_33 = arith.constant 40 : i32
    %add3A_34 = arith.addi %mul3A_4, %add3A_33 : i32
    %add3A_35 = arith.constant 40 : i32
    %add3A_36 = arith.addi %mul3A_4, %add3A_35 : i32
    %dma_start3A_37 = arith.constant 0 : i32
    %dma_start3A_38 = tpu.memref_slice %arg7[%rem3A_32, %dma_start3A_37] : memref<8x40xi32, #tpu.memory_space<vmem>> -> memref<1x40xi32, #tpu.memory_space<vmem>>
    %dma_start3A_39 = tpu.memref_squeeze %dma_start3A_38 : memref<1x40xi32, #tpu.memory_space<vmem>> -> memref<40xi32, #tpu.memory_space<vmem>>
    %dma_start3A_40 = tpu.memref_slice %arg3[%add3A_34] : memref<320000xi32, #tpu.memory_space<hbm>> -> memref<40xi32, #tpu.memory_space<hbm>>
    %dma_start3A_41 = tpu.memref_slice %arg11[%rem3A_32] : memref<8x!tpu.dma_semaphore, #tpu.memory_space<semaphore_mem>> -> memref<1x!tpu.dma_semaphore, #tpu.memory_space<semaphore_mem>>
    %dma_start3A_42 = tpu.memref_squeeze %dma_start3A_41 : memref<1x!tpu.dma_semaphore, #tpu.memory_space<semaphore_mem>> -> memref<!tpu.dma_semaphore, #tpu.memory_space<semaphore_mem>>
    %dma_start3A_43 = arith.constant 0 : i32
    %dma_start3A_44 = tpu.memref_slice %arg7[%rem3A_32, %dma_start3A_43] : memref<8x40xi32, #tpu.memory_space<vmem>> -> memref<1x40xi32, #tpu.memory_space<vmem>>
    %dma_start3A_45 = tpu.memref_squeeze %dma_start3A_44 : memref<1x40xi32, #tpu.memory_space<vmem>> -> memref<40xi32, #tpu.memory_space<vmem>>
    %dma_start3A_46 = tpu.memref_slice %arg3[%add3A_34] : memref<320000xi32, #tpu.memory_space<hbm>> -> memref<40xi32, #tpu.memory_space<hbm>>
    tpu.enqueue_dma source(%dma_start3A_46 : memref<40xi32, #tpu.memory_space<hbm>>) target(%dma_start3A_45 : memref<40xi32, #tpu.memory_space<vmem>>) target_semaphore(%dma_start3A_42 : memref<!tpu.dma_semaphore, #tpu.memory_space<semaphore_mem>>)
    %dma_start3A_47 = arith.constant 0 : i32
    %dma_start3A_48 = tpu.memref_slice %arg8[%rem3A_32, %dma_start3A_47] : memref<8x40xi32, #tpu.memory_space<vmem>> -> memref<1x40xi32, #tpu.memory_space<vmem>>
    %dma_start3A_49 = tpu.memref_squeeze %dma_start3A_48 : memref<1x40xi32, #tpu.memory_space<vmem>> -> memref<40xi32, #tpu.memory_space<vmem>>
    %dma_start3A_50 = tpu.memref_slice %arg4[%add3A_36] : memref<320000xi32, #tpu.memory_space<hbm>> -> memref<40xi32, #tpu.memory_space<hbm>>
    %dma_start3A_51 = tpu.memref_slice %arg11[%rem3A_32] : memref<8x!tpu.dma_semaphore, #tpu.memory_space<semaphore_mem>> -> memref<1x!tpu.dma_semaphore, #tpu.memory_space<semaphore_mem>>
    %dma_start3A_52 = tpu.memref_squeeze %dma_start3A_51 : memref<1x!tpu.dma_semaphore, #tpu.memory_space<semaphore_mem>> -> memref<!tpu.dma_semaphore, #tpu.memory_space<semaphore_mem>>
    %dma_start3A_53 = arith.constant 0 : i32
    %dma_start3A_54 = tpu.memref_slice %arg8[%rem3A_32, %dma_start3A_53] : memref<8x40xi32, #tpu.memory_space<vmem>> -> memref<1x40xi32, #tpu.memory_space<vmem>>
    %dma_start3A_55 = tpu.memref_squeeze %dma_start3A_54 : memref<1x40xi32, #tpu.memory_space<vmem>> -> memref<40xi32, #tpu.memory_space<vmem>>
    %dma_start3A_56 = tpu.memref_slice %arg4[%add3A_36] : memref<320000xi32, #tpu.memory_space<hbm>> -> memref<40xi32, #tpu.memory_space<hbm>>
    tpu.enqueue_dma source(%dma_start3A_56 : memref<40xi32, #tpu.memory_space<hbm>>) target(%dma_start3A_55 : memref<40xi32, #tpu.memory_space<vmem>>) target_semaphore(%dma_start3A_52 : memref<!tpu.dma_semaphore, #tpu.memory_space<semaphore_mem>>)
    %rem3A_57 = arith.constant 2 : i32
    %rem3A_58 = arith.constant 8 : i32
    %rem3A_59 = arith.remsi %rem3A_57, %rem3A_58 : i32
    %add3A_60 = arith.constant 80 : i32
    %add3A_61 = arith.addi %mul3A_4, %add3A_60 : i32
    %add3A_62 = arith.constant 80 : i32
    %add3A_63 = arith.addi %mul3A_4, %add3A_62 : i32
    %dma_start3A_64 = arith.constant 0 : i32
    %dma_start3A_65 = tpu.memref_slice %arg7[%rem3A_59, %dma_start3A_64] : memref<8x40xi32, #tpu.memory_space<vmem>> -> memref<1x40xi32, #tpu.memory_space<vmem>>
    %dma_start3A_66 = tpu.memref_squeeze %dma_start3A_65 : memref<1x40xi32, #tpu.memory_space<vmem>> -> memref<40xi32, #tpu.memory_space<vmem>>
    %dma_start3A_67 = tpu.memref_slice %arg3[%add3A_61] : memref<320000xi32, #tpu.memory_space<hbm>> -> memref<40xi32, #tpu.memory_space<hbm>>
    %dma_start3A_68 = tpu.memref_slice %arg11[%rem3A_59] : memref<8x!tpu.dma_semaphore, #tpu.memory_space<semaphore_mem>> -> memref<1x!tpu.dma_semaphore, #tpu.memory_space<semaphore_mem>>
    %dma_start3A_69 = tpu.memref_squeeze %dma_start3A_68 : memref<1x!tpu.dma_semaphore, #tpu.memory_space<semaphore_mem>> -> memref<!tpu.dma_semaphore, #tpu.memory_space<semaphore_mem>>
    %dma_start3A_70 = arith.constant 0 : i32
    %dma_start3A_71 = tpu.memref_slice %arg7[%rem3A_59, %dma_start3A_70] : memref<8x40xi32, #tpu.memory_space<vmem>> -> memref<1x40xi32, #tpu.memory_space<vmem>>
    %dma_start3A_72 = tpu.memref_squeeze %dma_start3A_71 : memref<1x40xi32, #tpu.memory_space<vmem>> -> memref<40xi32, #tpu.memory_space<vmem>>
    %dma_start3A_73 = tpu.memref_slice %arg3[%add3A_61] : memref<320000xi32, #tpu.memory_space<hbm>> -> memref<40xi32, #tpu.memory_space<hbm>>
    tpu.enqueue_dma source(%dma_start3A_73 : memref<40xi32, #tpu.memory_space<hbm>>) target(%dma_start3A_72 : memref<40xi32, #tpu.memory_space<vmem>>) target_semaphore(%dma_start3A_69 : memref<!tpu.dma_semaphore, #tpu.memory_space<semaphore_mem>>)
    %dma_start3A_74 = arith.constant 0 : i32
    %dma_start3A_75 = tpu.memref_slice %arg8[%rem3A_59, %dma_start3A_74] : memref<8x40xi32, #tpu.memory_space<vmem>> -> memref<1x40xi32, #tpu.memory_space<vmem>>
    %dma_start3A_76 = tpu.memref_squeeze %dma_start3A_75 : memref<1x40xi32, #tpu.memory_space<vmem>> -> memref<40xi32, #tpu.memory_space<vmem>>
    %dma_start3A_77 = tpu.memref_slice %arg4[%add3A_63] : memref<320000xi32, #tpu.memory_space<hbm>> -> memref<40xi32, #tpu.memory_space<hbm>>
    %dma_start3A_78 = tpu.memref_slice %arg11[%rem3A_59] : memref<8x!tpu.dma_semaphore, #tpu.memory_space<semaphore_mem>> -> memref<1x!tpu.dma_semaphore, #tpu.memory_space<semaphore_mem>>
    %dma_start3A_79 = tpu.memref_squeeze %dma_start3A_78 : memref<1x!tpu.dma_semaphore, #tpu.memory_space<semaphore_mem>> -> memref<!tpu.dma_semaphore, #tpu.memory_space<semaphore_mem>>
    %dma_start3A_80 = arith.constant 0 : i32
    %dma_start3A_81 = tpu.memref_slice %arg8[%rem3A_59, %dma_start3A_80] : memref<8x40xi32, #tpu.memory_space<vmem>> -> memref<1x40xi32, #tpu.memory_space<vmem>>
    %dma_start3A_82 = tpu.memref_squeeze %dma_start3A_81 : memref<1x40xi32, #tpu.memory_space<vmem>> -> memref<40xi32, #tpu.memory_space<vmem>>
    %dma_start3A_83 = tpu.memref_slice %arg4[%add3A_63] : memref<320000xi32, #tpu.memory_space<hbm>> -> memref<40xi32, #tpu.memory_space<hbm>>
    tpu.enqueue_dma source(%dma_start3A_83 : memref<40xi32, #tpu.memory_space<hbm>>) target(%dma_start3A_82 : memref<40xi32, #tpu.memory_space<vmem>>) target_semaphore(%dma_start3A_79 : memref<!tpu.dma_semaphore, #tpu.memory_space<semaphore_mem>>)
    %rem3A_84 = arith.constant 3 : i32
    %rem3A_85 = arith.constant 8 : i32
    %rem3A_86 = arith.remsi %rem3A_84, %rem3A_85 : i32
    %add3A_87 = arith.constant 120 : i32
    %add3A_88 = arith.addi %mul3A_4, %add3A_87 : i32
    %add3A_89 = arith.constant 120 : i32
    %add3A_90 = arith.addi %mul3A_4, %add3A_89 : i32
    %dma_start3A_91 = arith.constant 0 : i32
    %dma_start3A_92 = tpu.memref_slice %arg7[%rem3A_86, %dma_start3A_91] : memref<8x40xi32, #tpu.memory_space<vmem>> -> memref<1x40xi32, #tpu.memory_space<vmem>>
    %dma_start3A_93 = tpu.memref_squeeze %dma_start3A_92 : memref<1x40xi32, #tpu.memory_space<vmem>> -> memref<40xi32, #tpu.memory_space<vmem>>
    %dma_start3A_94 = tpu.memref_slice %arg3[%add3A_88] : memref<320000xi32, #tpu.memory_space<hbm>> -> memref<40xi32, #tpu.memory_space<hbm>>
    %dma_start3A_95 = tpu.memref_slice %arg11[%rem3A_86] : memref<8x!tpu.dma_semaphore, #tpu.memory_space<semaphore_mem>> -> memref<1x!tpu.dma_semaphore, #tpu.memory_space<semaphore_mem>>
    %dma_start3A_96 = tpu.memref_squeeze %dma_start3A_95 : memref<1x!tpu.dma_semaphore, #tpu.memory_space<semaphore_mem>> -> memref<!tpu.dma_semaphore, #tpu.memory_space<semaphore_mem>>
    %dma_start3A_97 = arith.constant 0 : i32
    %dma_start3A_98 = tpu.memref_slice %arg7[%rem3A_86, %dma_start3A_97] : memref<8x40xi32, #tpu.memory_space<vmem>> -> memref<1x40xi32, #tpu.memory_space<vmem>>
    %dma_start3A_99 = tpu.memref_squeeze %dma_start3A_98 : memref<1x40xi32, #tpu.memory_space<vmem>> -> memref<40xi32, #tpu.memory_space<vmem>>
    %dma_start3A_100 = tpu.memref_slice %arg3[%add3A_88] : memref<320000xi32, #tpu.memory_space<hbm>> -> memref<40xi32, #tpu.memory_space<hbm>>
    tpu.enqueue_dma source(%dma_start3A_100 : memref<40xi32, #tpu.memory_space<hbm>>) target(%dma_start3A_99 : memref<40xi32, #tpu.memory_space<vmem>>) target_semaphore(%dma_start3A_96 : memref<!tpu.dma_semaphore, #tpu.memory_space<semaphore_mem>>)
    %dma_start3A_101 = arith.constant 0 : i32
    %dma_start3A_102 = tpu.memref_slice %arg8[%rem3A_86, %dma_start3A_101] : memref<8x40xi32, #tpu.memory_space<vmem>> -> memref<1x40xi32, #tpu.memory_space<vmem>>
    %dma_start3A_103 = tpu.memref_squeeze %dma_start3A_102 : memref<1x40xi32, #tpu.memory_space<vmem>> -> memref<40xi32, #tpu.memory_space<vmem>>
    %dma_start3A_104 = tpu.memref_slice %arg4[%add3A_90] : memref<320000xi32, #tpu.memory_space<hbm>> -> memref<40xi32, #tpu.memory_space<hbm>>
    %dma_start3A_105 = tpu.memref_slice %arg11[%rem3A_86] : memref<8x!tpu.dma_semaphore, #tpu.memory_space<semaphore_mem>> -> memref<1x!tpu.dma_semaphore, #tpu.memory_space<semaphore_mem>>
    %dma_start3A_106 = tpu.memref_squeeze %dma_start3A_105 : memref<1x!tpu.dma_semaphore, #tpu.memory_space<semaphore_mem>> -> memref<!tpu.dma_semaphore, #tpu.memory_space<semaphore_mem>>
    %dma_start3A_107 = arith.constant 0 : i32
    %dma_start3A_108 = tpu.memref_slice %arg8[%rem3A_86, %dma_start3A_107] : memref<8x40xi32, #tpu.memory_space<vmem>> -> memref<1x40xi32, #tpu.memory_space<vmem>>
    %dma_start3A_109 = tpu.memref_squeeze %dma_start3A_108 : memref<1x40xi32, #tpu.memory_space<vmem>> -> memref<40xi32, #tpu.memory_space<vmem>>
    %dma_start3A_110 = tpu.memref_slice %arg4[%add3A_90] : memref<320000xi32, #tpu.memory_space<hbm>> -> memref<40xi32, #tpu.memory_space<hbm>>
    tpu.enqueue_dma source(%dma_start3A_110 : memref<40xi32, #tpu.memory_space<hbm>>) target(%dma_start3A_109 : memref<40xi32, #tpu.memory_space<vmem>>) target_semaphore(%dma_start3A_106 : memref<!tpu.dma_semaphore, #tpu.memory_space<semaphore_mem>>)
    %run_scoped3A = arith.constant 0 : i32
    "tpu.region"() ({
      %run_scoped3A_664 = tpu.sem_alloc : memref<!tpu.dma_semaphore, #tpu.memory_space<semaphore_mem>>
      %dma_start3A_665 = arith.constant 0 : i32
      %dma_start3A_666 = arith.constant 0 : i32
      %dma_start3A_667 = tpu.memref_slice %arg9[%run_scoped3A, %dma_start3A_665, %dma_start3A_666] : memref<4x40x128xf32, #tpu.memory_space<vmem>> -> memref<1x40x128xf32, #tpu.memory_space<vmem>>
      %dma_start3A_668 = tpu.memref_squeeze %dma_start3A_667 : memref<1x40x128xf32, #tpu.memory_space<vmem>> -> memref<40x128xf32, #tpu.memory_space<vmem>>
      %dma_start3A_669 = arith.constant 0 : i32
      %dma_start3A_670 = arith.constant 0 : i32
      %dma_start3A_671 = tpu.memref_slice %arg9[%run_scoped3A, %dma_start3A_669, %dma_start3A_670] : memref<4x40x128xf32, #tpu.memory_space<vmem>> -> memref<1x40x128xf32, #tpu.memory_space<vmem>>
      %dma_start3A_672 = tpu.memref_squeeze %dma_start3A_671 : memref<1x40x128xf32, #tpu.memory_space<vmem>> -> memref<40x128xf32, #tpu.memory_space<vmem>>
      tpu.enqueue_dma source(%arg5 : memref<40x128xf32, #tpu.memory_space<hbm>>) target(%dma_start3A_672 : memref<40x128xf32, #tpu.memory_space<vmem>>) target_semaphore(%run_scoped3A_664 : memref<!tpu.dma_semaphore, #tpu.memory_space<semaphore_mem>>)
      %dma_wait3A_673 = arith.constant 0 : i32
      %dma_wait3A_674 = arith.constant 0 : i32
      %dma_wait3A_675 = tpu.memref_slice %arg9[%run_scoped3A, %dma_wait3A_673, %dma_wait3A_674] : memref<4x40x128xf32, #tpu.memory_space<vmem>> -> memref<1x40x128xf32, #tpu.memory_space<vmem>>
      %dma_wait3A_676 = tpu.memref_squeeze %dma_wait3A_675 : memref<1x40x128xf32, #tpu.memory_space<vmem>> -> memref<40x128xf32, #tpu.memory_space<vmem>>
      %dma_wait3A_677 = arith.constant 0 : i32
      %dma_wait3A_678 = arith.constant 0 : i32
      %dma_wait3A_679 = tpu.memref_slice %arg9[%run_scoped3A, %dma_wait3A_677, %dma_wait3A_678] : memref<4x40x128xf32, #tpu.memory_space<vmem>> -> memref<1x40x128xf32, #tpu.memory_space<vmem>>
      %dma_wait3A_680 = tpu.memref_squeeze %dma_wait3A_679 : memref<1x40x128xf32, #tpu.memory_space<vmem>> -> memref<40x128xf32, #tpu.memory_space<vmem>>
      tpu.wait_dma2 semaphore(%run_scoped3A_664 : memref<!tpu.dma_semaphore, #tpu.memory_space<semaphore_mem>>) src(%arg5 : memref<40x128xf32, #tpu.memory_space<hbm>>) dst(%dma_wait3A_680 : memref<40x128xf32, #tpu.memory_space<vmem>>)
      tpu.yield
    }) : () -> ()
    %add3A_111 = arith.constant 0 : i32
    %add3A_112 = arith.addi %mul3A_2, %add3A_111 : i32
    %add3A_113 = arith.constant 40 : i32
    %add3A_114 = arith.addi %mul3A_2, %add3A_113 : i32
    %add3A_115 = arith.constant 80 : i32
    %add3A_116 = arith.addi %mul3A_2, %add3A_115 : i32
    %add3A_117 = arith.constant 120 : i32
    %add3A_118 = arith.addi %mul3A_2, %add3A_117 : i32
    %add3A_119 = arith.constant 160 : i32
    %add3A_120 = arith.addi %mul3A_2, %add3A_119 : i32
    %add3A_121 = arith.constant 200 : i32
    %add3A_122 = arith.addi %mul3A_2, %add3A_121 : i32
    %add3A_123 = arith.constant 240 : i32
    %add3A_124 = arith.addi %mul3A_2, %add3A_123 : i32
    %add3A_125 = arith.constant 280 : i32
    %add3A_126 = arith.addi %mul3A_2, %add3A_125 : i32
    %add3A_127 = arith.constant 320 : i32
    %add3A_128 = arith.addi %mul3A_2, %add3A_127 : i32
    %add3A_129 = arith.constant 360 : i32
    %add3A_130 = arith.addi %mul3A_2, %add3A_129 : i32
    %add3A_131 = arith.constant 400 : i32
    %add3A_132 = arith.addi %mul3A_2, %add3A_131 : i32
    %add3A_133 = arith.constant 440 : i32
    %add3A_134 = arith.addi %mul3A_2, %add3A_133 : i32
    %add3A_135 = arith.constant 480 : i32
    %add3A_136 = arith.addi %mul3A_2, %add3A_135 : i32
    %add3A_137 = arith.constant 520 : i32
    %add3A_138 = arith.addi %mul3A_2, %add3A_137 : i32
    %add3A_139 = arith.constant 560 : i32
    %add3A_140 = arith.addi %mul3A_2, %add3A_139 : i32
    %add3A_141 = arith.constant 632 : i32
    %add3A_142 = arith.addi %mul3A_2, %add3A_141 : i32
    %sub3A = arith.constant 32 : i32
    %sub3A_143 = arith.subi %add3A_142, %sub3A : i32
    %dma_start3A_144 = arith.constant 0 : i32
    %dma_start3A_145 = arith.constant 0 : i32
    %dma_start3A_146 = arith.constant 0 : i32
    %dma_start3A_147 = arith.constant 0 : i32
    %dma_start3A_148 = tpu.memref_slice %arg9[%dma_start3A_144, %dma_start3A_146, %dma_start3A_147] : memref<4x40x128xf32, #tpu.memory_space<vmem>> -> memref<1x40x128xf32, #tpu.memory_space<vmem>>
    %dma_start3A_149 = tpu.memref_squeeze %dma_start3A_148 : memref<1x40x128xf32, #tpu.memory_space<vmem>> -> memref<40x128xf32, #tpu.memory_space<vmem>>
    %dma_start3A_150 = arith.constant 0 : i32
    %dma_start3A_151 = tpu.memref_slice %arg10[%add3A_112, %dma_start3A_150] : memref<10112x128xf32, #tpu.memory_space<vmem_shared>> -> memref<40x128xf32, #tpu.memory_space<vmem_shared>>
    %dma_start3A_152 = tpu.memref_slice %arg13[%dma_start3A_145] : memref<4x!tpu.dma_semaphore, #tpu.memory_space<semaphore_mem>> -> memref<1x!tpu.dma_semaphore, #tpu.memory_space<semaphore_mem>>
    %dma_start3A_153 = tpu.memref_squeeze %dma_start3A_152 : memref<1x!tpu.dma_semaphore, #tpu.memory_space<semaphore_mem>> -> memref<!tpu.dma_semaphore, #tpu.memory_space<semaphore_mem>>
    %dma_start3A_154 = arith.constant 0 : i32
    %dma_start3A_155 = tpu.memref_slice %arg10[%add3A_112, %dma_start3A_154] : memref<10112x128xf32, #tpu.memory_space<vmem_shared>> -> memref<40x128xf32, #tpu.memory_space<vmem_shared>>
    %dma_start3A_156 = arith.constant 0 : i32
    %dma_start3A_157 = arith.constant 0 : i32
    %dma_start3A_158 = tpu.memref_slice %arg9[%dma_start3A_144, %dma_start3A_156, %dma_start3A_157] : memref<4x40x128xf32, #tpu.memory_space<vmem>> -> memref<1x40x128xf32, #tpu.memory_space<vmem>>
    %dma_start3A_159 = tpu.memref_squeeze %dma_start3A_158 : memref<1x40x128xf32, #tpu.memory_space<vmem>> -> memref<40x128xf32, #tpu.memory_space<vmem>>
    tpu.enqueue_dma source(%dma_start3A_159 : memref<40x128xf32, #tpu.memory_space<vmem>>) target(%dma_start3A_155 : memref<40x128xf32, #tpu.memory_space<vmem_shared>>) target_semaphore(%dma_start3A_153 : memref<!tpu.dma_semaphore, #tpu.memory_space<semaphore_mem>>)
    %dma_start3A_160 = arith.constant 0 : i32
    %dma_start3A_161 = arith.constant 0 : i32
    %dma_start3A_162 = arith.constant 0 : i32
    %dma_start3A_163 = arith.constant 0 : i32
    %dma_start3A_164 = tpu.memref_slice %arg9[%dma_start3A_160, %dma_start3A_162, %dma_start3A_163] : memref<4x40x128xf32, #tpu.memory_space<vmem>> -> memref<1x40x128xf32, #tpu.memory_space<vmem>>
    %dma_start3A_165 = tpu.memref_squeeze %dma_start3A_164 : memref<1x40x128xf32, #tpu.memory_space<vmem>> -> memref<40x128xf32, #tpu.memory_space<vmem>>
    %dma_start3A_166 = arith.constant 0 : i32
    %dma_start3A_167 = tpu.memref_slice %arg10[%add3A_114, %dma_start3A_166] : memref<10112x128xf32, #tpu.memory_space<vmem_shared>> -> memref<40x128xf32, #tpu.memory_space<vmem_shared>>
    %dma_start3A_168 = tpu.memref_slice %arg13[%dma_start3A_161] : memref<4x!tpu.dma_semaphore, #tpu.memory_space<semaphore_mem>> -> memref<1x!tpu.dma_semaphore, #tpu.memory_space<semaphore_mem>>
    %dma_start3A_169 = tpu.memref_squeeze %dma_start3A_168 : memref<1x!tpu.dma_semaphore, #tpu.memory_space<semaphore_mem>> -> memref<!tpu.dma_semaphore, #tpu.memory_space<semaphore_mem>>
    %dma_start3A_170 = arith.constant 0 : i32
    %dma_start3A_171 = tpu.memref_slice %arg10[%add3A_114, %dma_start3A_170] : memref<10112x128xf32, #tpu.memory_space<vmem_shared>> -> memref<40x128xf32, #tpu.memory_space<vmem_shared>>
    %dma_start3A_172 = arith.constant 0 : i32
    %dma_start3A_173 = arith.constant 0 : i32
    %dma_start3A_174 = tpu.memref_slice %arg9[%dma_start3A_160, %dma_start3A_172, %dma_start3A_173] : memref<4x40x128xf32, #tpu.memory_space<vmem>> -> memref<1x40x128xf32, #tpu.memory_space<vmem>>
    %dma_start3A_175 = tpu.memref_squeeze %dma_start3A_174 : memref<1x40x128xf32, #tpu.memory_space<vmem>> -> memref<40x128xf32, #tpu.memory_space<vmem>>
    tpu.enqueue_dma source(%dma_start3A_175 : memref<40x128xf32, #tpu.memory_space<vmem>>) target(%dma_start3A_171 : memref<40x128xf32, #tpu.memory_space<vmem_shared>>) target_semaphore(%dma_start3A_169 : memref<!tpu.dma_semaphore, #tpu.memory_space<semaphore_mem>>)
    %dma_start3A_176 = arith.constant 0 : i32
    %dma_start3A_177 = arith.constant 0 : i32
    %dma_start3A_178 = arith.constant 0 : i32
    %dma_start3A_179 = arith.constant 0 : i32
    %dma_start3A_180 = tpu.memref_slice %arg9[%dma_start3A_176, %dma_start3A_178, %dma_start3A_179] : memref<4x40x128xf32, #tpu.memory_space<vmem>> -> memref<1x40x128xf32, #tpu.memory_space<vmem>>
    %dma_start3A_181 = tpu.memref_squeeze %dma_start3A_180 : memref<1x40x128xf32, #tpu.memory_space<vmem>> -> memref<40x128xf32, #tpu.memory_space<vmem>>
    %dma_start3A_182 = arith.constant 0 : i32
    %dma_start3A_183 = tpu.memref_slice %arg10[%add3A_116, %dma_start3A_182] : memref<10112x128xf32, #tpu.memory_space<vmem_shared>> -> memref<40x128xf32, #tpu.memory_space<vmem_shared>>
    %dma_start3A_184 = tpu.memref_slice %arg13[%dma_start3A_177] : memref<4x!tpu.dma_semaphore, #tpu.memory_space<semaphore_mem>> -> memref<1x!tpu.dma_semaphore, #tpu.memory_space<semaphore_mem>>
    %dma_start3A_185 = tpu.memref_squeeze %dma_start3A_184 : memref<1x!tpu.dma_semaphore, #tpu.memory_space<semaphore_mem>> -> memref<!tpu.dma_semaphore, #tpu.memory_space<semaphore_mem>>
    %dma_start3A_186 = arith.constant 0 : i32
    %dma_start3A_187 = tpu.memref_slice %arg10[%add3A_116, %dma_start3A_186] : memref<10112x128xf32, #tpu.memory_space<vmem_shared>> -> memref<40x128xf32, #tpu.memory_space<vmem_shared>>
    %dma_start3A_188 = arith.constant 0 : i32
    %dma_start3A_189 = arith.constant 0 : i32
    %dma_start3A_190 = tpu.memref_slice %arg9[%dma_start3A_176, %dma_start3A_188, %dma_start3A_189] : memref<4x40x128xf32, #tpu.memory_space<vmem>> -> memref<1x40x128xf32, #tpu.memory_space<vmem>>
    %dma_start3A_191 = tpu.memref_squeeze %dma_start3A_190 : memref<1x40x128xf32, #tpu.memory_space<vmem>> -> memref<40x128xf32, #tpu.memory_space<vmem>>
    tpu.enqueue_dma source(%dma_start3A_191 : memref<40x128xf32, #tpu.memory_space<vmem>>) target(%dma_start3A_187 : memref<40x128xf32, #tpu.memory_space<vmem_shared>>) target_semaphore(%dma_start3A_185 : memref<!tpu.dma_semaphore, #tpu.memory_space<semaphore_mem>>)
    %dma_start3A_192 = arith.constant 0 : i32
    %dma_start3A_193 = arith.constant 0 : i32
    %dma_start3A_194 = arith.constant 0 : i32
    %dma_start3A_195 = arith.constant 0 : i32
    %dma_start3A_196 = tpu.memref_slice %arg9[%dma_start3A_192, %dma_start3A_194, %dma_start3A_195] : memref<4x40x128xf32, #tpu.memory_space<vmem>> -> memref<1x40x128xf32, #tpu.memory_space<vmem>>
    %dma_start3A_197 = tpu.memref_squeeze %dma_start3A_196 : memref<1x40x128xf32, #tpu.memory_space<vmem>> -> memref<40x128xf32, #tpu.memory_space<vmem>>
    %dma_start3A_198 = arith.constant 0 : i32
    %dma_start3A_199 = tpu.memref_slice %arg10[%add3A_118, %dma_start3A_198] : memref<10112x128xf32, #tpu.memory_space<vmem_shared>> -> memref<40x128xf32, #tpu.memory_space<vmem_shared>>
    %dma_start3A_200 = tpu.memref_slice %arg13[%dma_start3A_193] : memref<4x!tpu.dma_semaphore, #tpu.memory_space<semaphore_mem>> -> memref<1x!tpu.dma_semaphore, #tpu.memory_space<semaphore_mem>>
    %dma_start3A_201 = tpu.memref_squeeze %dma_start3A_200 : memref<1x!tpu.dma_semaphore, #tpu.memory_space<semaphore_mem>> -> memref<!tpu.dma_semaphore, #tpu.memory_space<semaphore_mem>>
    %dma_start3A_202 = arith.constant 0 : i32
    %dma_start3A_203 = tpu.memref_slice %arg10[%add3A_118, %dma_start3A_202] : memref<10112x128xf32, #tpu.memory_space<vmem_shared>> -> memref<40x128xf32, #tpu.memory_space<vmem_shared>>
    %dma_start3A_204 = arith.constant 0 : i32
    %dma_start3A_205 = arith.constant 0 : i32
    %dma_start3A_206 = tpu.memref_slice %arg9[%dma_start3A_192, %dma_start3A_204, %dma_start3A_205] : memref<4x40x128xf32, #tpu.memory_space<vmem>> -> memref<1x40x128xf32, #tpu.memory_space<vmem>>
    %dma_start3A_207 = tpu.memref_squeeze %dma_start3A_206 : memref<1x40x128xf32, #tpu.memory_space<vmem>> -> memref<40x128xf32, #tpu.memory_space<vmem>>
    tpu.enqueue_dma source(%dma_start3A_207 : memref<40x128xf32, #tpu.memory_space<vmem>>) target(%dma_start3A_203 : memref<40x128xf32, #tpu.memory_space<vmem_shared>>) target_semaphore(%dma_start3A_201 : memref<!tpu.dma_semaphore, #tpu.memory_space<semaphore_mem>>)
    %dma_start3A_208 = arith.constant 0 : i32
    %dma_start3A_209 = arith.constant 0 : i32
    %dma_start3A_210 = arith.constant 0 : i32
    %dma_start3A_211 = arith.constant 0 : i32
    %dma_start3A_212 = tpu.memref_slice %arg9[%dma_start3A_208, %dma_start3A_210, %dma_start3A_211] : memref<4x40x128xf32, #tpu.memory_space<vmem>> -> memref<1x40x128xf32, #tpu.memory_space<vmem>>
    %dma_start3A_213 = tpu.memref_squeeze %dma_start3A_212 : memref<1x40x128xf32, #tpu.memory_space<vmem>> -> memref<40x128xf32, #tpu.memory_space<vmem>>
    %dma_start3A_214 = arith.constant 0 : i32
    %dma_start3A_215 = tpu.memref_slice %arg10[%add3A_120, %dma_start3A_214] : memref<10112x128xf32, #tpu.memory_space<vmem_shared>> -> memref<40x128xf32, #tpu.memory_space<vmem_shared>>
    %dma_start3A_216 = tpu.memref_slice %arg13[%dma_start3A_209] : memref<4x!tpu.dma_semaphore, #tpu.memory_space<semaphore_mem>> -> memref<1x!tpu.dma_semaphore, #tpu.memory_space<semaphore_mem>>
    %dma_start3A_217 = tpu.memref_squeeze %dma_start3A_216 : memref<1x!tpu.dma_semaphore, #tpu.memory_space<semaphore_mem>> -> memref<!tpu.dma_semaphore, #tpu.memory_space<semaphore_mem>>
    %dma_start3A_218 = arith.constant 0 : i32
    %dma_start3A_219 = tpu.memref_slice %arg10[%add3A_120, %dma_start3A_218] : memref<10112x128xf32, #tpu.memory_space<vmem_shared>> -> memref<40x128xf32, #tpu.memory_space<vmem_shared>>
    %dma_start3A_220 = arith.constant 0 : i32
    %dma_start3A_221 = arith.constant 0 : i32
    %dma_start3A_222 = tpu.memref_slice %arg9[%dma_start3A_208, %dma_start3A_220, %dma_start3A_221] : memref<4x40x128xf32, #tpu.memory_space<vmem>> -> memref<1x40x128xf32, #tpu.memory_space<vmem>>
    %dma_start3A_223 = tpu.memref_squeeze %dma_start3A_222 : memref<1x40x128xf32, #tpu.memory_space<vmem>> -> memref<40x128xf32, #tpu.memory_space<vmem>>
    tpu.enqueue_dma source(%dma_start3A_223 : memref<40x128xf32, #tpu.memory_space<vmem>>) target(%dma_start3A_219 : memref<40x128xf32, #tpu.memory_space<vmem_shared>>) target_semaphore(%dma_start3A_217 : memref<!tpu.dma_semaphore, #tpu.memory_space<semaphore_mem>>)
    %dma_start3A_224 = arith.constant 0 : i32
    %dma_start3A_225 = arith.constant 0 : i32
    %dma_start3A_226 = arith.constant 0 : i32
    %dma_start3A_227 = arith.constant 0 : i32
    %dma_start3A_228 = tpu.memref_slice %arg9[%dma_start3A_224, %dma_start3A_226, %dma_start3A_227] : memref<4x40x128xf32, #tpu.memory_space<vmem>> -> memref<1x40x128xf32, #tpu.memory_space<vmem>>
    %dma_start3A_229 = tpu.memref_squeeze %dma_start3A_228 : memref<1x40x128xf32, #tpu.memory_space<vmem>> -> memref<40x128xf32, #tpu.memory_space<vmem>>
    %dma_start3A_230 = arith.constant 0 : i32
    %dma_start3A_231 = tpu.memref_slice %arg10[%add3A_122, %dma_start3A_230] : memref<10112x128xf32, #tpu.memory_space<vmem_shared>> -> memref<40x128xf32, #tpu.memory_space<vmem_shared>>
    %dma_start3A_232 = tpu.memref_slice %arg13[%dma_start3A_225] : memref<4x!tpu.dma_semaphore, #tpu.memory_space<semaphore_mem>> -> memref<1x!tpu.dma_semaphore, #tpu.memory_space<semaphore_mem>>
    %dma_start3A_233 = tpu.memref_squeeze %dma_start3A_232 : memref<1x!tpu.dma_semaphore, #tpu.memory_space<semaphore_mem>> -> memref<!tpu.dma_semaphore, #tpu.memory_space<semaphore_mem>>
    %dma_start3A_234 = arith.constant 0 : i32
    %dma_start3A_235 = tpu.memref_slice %arg10[%add3A_122, %dma_start3A_234] : memref<10112x128xf32, #tpu.memory_space<vmem_shared>> -> memref<40x128xf32, #tpu.memory_space<vmem_shared>>
    %dma_start3A_236 = arith.constant 0 : i32
    %dma_start3A_237 = arith.constant 0 : i32
    %dma_start3A_238 = tpu.memref_slice %arg9[%dma_start3A_224, %dma_start3A_236, %dma_start3A_237] : memref<4x40x128xf32, #tpu.memory_space<vmem>> -> memref<1x40x128xf32, #tpu.memory_space<vmem>>
    %dma_start3A_239 = tpu.memref_squeeze %dma_start3A_238 : memref<1x40x128xf32, #tpu.memory_space<vmem>> -> memref<40x128xf32, #tpu.memory_space<vmem>>
    tpu.enqueue_dma source(%dma_start3A_239 : memref<40x128xf32, #tpu.memory_space<vmem>>) target(%dma_start3A_235 : memref<40x128xf32, #tpu.memory_space<vmem_shared>>) target_semaphore(%dma_start3A_233 : memref<!tpu.dma_semaphore, #tpu.memory_space<semaphore_mem>>)
    %dma_start3A_240 = arith.constant 0 : i32
    %dma_start3A_241 = arith.constant 0 : i32
    %dma_start3A_242 = arith.constant 0 : i32
    %dma_start3A_243 = arith.constant 0 : i32
    %dma_start3A_244 = tpu.memref_slice %arg9[%dma_start3A_240, %dma_start3A_242, %dma_start3A_243] : memref<4x40x128xf32, #tpu.memory_space<vmem>> -> memref<1x40x128xf32, #tpu.memory_space<vmem>>
    %dma_start3A_245 = tpu.memref_squeeze %dma_start3A_244 : memref<1x40x128xf32, #tpu.memory_space<vmem>> -> memref<40x128xf32, #tpu.memory_space<vmem>>
    %dma_start3A_246 = arith.constant 0 : i32
    %dma_start3A_247 = tpu.memref_slice %arg10[%add3A_124, %dma_start3A_246] : memref<10112x128xf32, #tpu.memory_space<vmem_shared>> -> memref<40x128xf32, #tpu.memory_space<vmem_shared>>
    %dma_start3A_248 = tpu.memref_slice %arg13[%dma_start3A_241] : memref<4x!tpu.dma_semaphore, #tpu.memory_space<semaphore_mem>> -> memref<1x!tpu.dma_semaphore, #tpu.memory_space<semaphore_mem>>
    %dma_start3A_249 = tpu.memref_squeeze %dma_start3A_248 : memref<1x!tpu.dma_semaphore, #tpu.memory_space<semaphore_mem>> -> memref<!tpu.dma_semaphore, #tpu.memory_space<semaphore_mem>>
    %dma_start3A_250 = arith.constant 0 : i32
    %dma_start3A_251 = tpu.memref_slice %arg10[%add3A_124, %dma_start3A_250] : memref<10112x128xf32, #tpu.memory_space<vmem_shared>> -> memref<40x128xf32, #tpu.memory_space<vmem_shared>>
    %dma_start3A_252 = arith.constant 0 : i32
    %dma_start3A_253 = arith.constant 0 : i32
    %dma_start3A_254 = tpu.memref_slice %arg9[%dma_start3A_240, %dma_start3A_252, %dma_start3A_253] : memref<4x40x128xf32, #tpu.memory_space<vmem>> -> memref<1x40x128xf32, #tpu.memory_space<vmem>>
    %dma_start3A_255 = tpu.memref_squeeze %dma_start3A_254 : memref<1x40x128xf32, #tpu.memory_space<vmem>> -> memref<40x128xf32, #tpu.memory_space<vmem>>
    tpu.enqueue_dma source(%dma_start3A_255 : memref<40x128xf32, #tpu.memory_space<vmem>>) target(%dma_start3A_251 : memref<40x128xf32, #tpu.memory_space<vmem_shared>>) target_semaphore(%dma_start3A_249 : memref<!tpu.dma_semaphore, #tpu.memory_space<semaphore_mem>>)
    %dma_start3A_256 = arith.constant 0 : i32
    %dma_start3A_257 = arith.constant 0 : i32
    %dma_start3A_258 = arith.constant 0 : i32
    %dma_start3A_259 = arith.constant 0 : i32
    %dma_start3A_260 = tpu.memref_slice %arg9[%dma_start3A_256, %dma_start3A_258, %dma_start3A_259] : memref<4x40x128xf32, #tpu.memory_space<vmem>> -> memref<1x40x128xf32, #tpu.memory_space<vmem>>
    %dma_start3A_261 = tpu.memref_squeeze %dma_start3A_260 : memref<1x40x128xf32, #tpu.memory_space<vmem>> -> memref<40x128xf32, #tpu.memory_space<vmem>>
    %dma_start3A_262 = arith.constant 0 : i32
    %dma_start3A_263 = tpu.memref_slice %arg10[%add3A_126, %dma_start3A_262] : memref<10112x128xf32, #tpu.memory_space<vmem_shared>> -> memref<40x128xf32, #tpu.memory_space<vmem_shared>>
    %dma_start3A_264 = tpu.memref_slice %arg13[%dma_start3A_257] : memref<4x!tpu.dma_semaphore, #tpu.memory_space<semaphore_mem>> -> memref<1x!tpu.dma_semaphore, #tpu.memory_space<semaphore_mem>>
    %dma_start3A_265 = tpu.memref_squeeze %dma_start3A_264 : memref<1x!tpu.dma_semaphore, #tpu.memory_space<semaphore_mem>> -> memref<!tpu.dma_semaphore, #tpu.memory_space<semaphore_mem>>
    %dma_start3A_266 = arith.constant 0 : i32
    %dma_start3A_267 = tpu.memref_slice %arg10[%add3A_126, %dma_start3A_266] : memref<10112x128xf32, #tpu.memory_space<vmem_shared>> -> memref<40x128xf32, #tpu.memory_space<vmem_shared>>
    %dma_start3A_268 = arith.constant 0 : i32
    %dma_start3A_269 = arith.constant 0 : i32
    %dma_start3A_270 = tpu.memref_slice %arg9[%dma_start3A_256, %dma_start3A_268, %dma_start3A_269] : memref<4x40x128xf32, #tpu.memory_space<vmem>> -> memref<1x40x128xf32, #tpu.memory_space<vmem>>
    %dma_start3A_271 = tpu.memref_squeeze %dma_start3A_270 : memref<1x40x128xf32, #tpu.memory_space<vmem>> -> memref<40x128xf32, #tpu.memory_space<vmem>>
    tpu.enqueue_dma source(%dma_start3A_271 : memref<40x128xf32, #tpu.memory_space<vmem>>) target(%dma_start3A_267 : memref<40x128xf32, #tpu.memory_space<vmem_shared>>) target_semaphore(%dma_start3A_265 : memref<!tpu.dma_semaphore, #tpu.memory_space<semaphore_mem>>)
    %dma_start3A_272 = arith.constant 0 : i32
    %dma_start3A_273 = arith.constant 0 : i32
    %dma_start3A_274 = arith.constant 0 : i32
    %dma_start3A_275 = arith.constant 0 : i32
    %dma_start3A_276 = tpu.memref_slice %arg9[%dma_start3A_272, %dma_start3A_274, %dma_start3A_275] : memref<4x40x128xf32, #tpu.memory_space<vmem>> -> memref<1x40x128xf32, #tpu.memory_space<vmem>>
    %dma_start3A_277 = tpu.memref_squeeze %dma_start3A_276 : memref<1x40x128xf32, #tpu.memory_space<vmem>> -> memref<40x128xf32, #tpu.memory_space<vmem>>
    %dma_start3A_278 = arith.constant 0 : i32
    %dma_start3A_279 = tpu.memref_slice %arg10[%add3A_128, %dma_start3A_278] : memref<10112x128xf32, #tpu.memory_space<vmem_shared>> -> memref<40x128xf32, #tpu.memory_space<vmem_shared>>
    %dma_start3A_280 = tpu.memref_slice %arg13[%dma_start3A_273] : memref<4x!tpu.dma_semaphore, #tpu.memory_space<semaphore_mem>> -> memref<1x!tpu.dma_semaphore, #tpu.memory_space<semaphore_mem>>
    %dma_start3A_281 = tpu.memref_squeeze %dma_start3A_280 : memref<1x!tpu.dma_semaphore, #tpu.memory_space<semaphore_mem>> -> memref<!tpu.dma_semaphore, #tpu.memory_space<semaphore_mem>>
    %dma_start3A_282 = arith.constant 0 : i32
    %dma_start3A_283 = tpu.memref_slice %arg10[%add3A_128, %dma_start3A_282] : memref<10112x128xf32, #tpu.memory_space<vmem_shared>> -> memref<40x128xf32, #tpu.memory_space<vmem_shared>>
    %dma_start3A_284 = arith.constant 0 : i32
    %dma_start3A_285 = arith.constant 0 : i32
    %dma_start3A_286 = tpu.memref_slice %arg9[%dma_start3A_272, %dma_start3A_284, %dma_start3A_285] : memref<4x40x128xf32, #tpu.memory_space<vmem>> -> memref<1x40x128xf32, #tpu.memory_space<vmem>>
    %dma_start3A_287 = tpu.memref_squeeze %dma_start3A_286 : memref<1x40x128xf32, #tpu.memory_space<vmem>> -> memref<40x128xf32, #tpu.memory_space<vmem>>
    tpu.enqueue_dma source(%dma_start3A_287 : memref<40x128xf32, #tpu.memory_space<vmem>>) target(%dma_start3A_283 : memref<40x128xf32, #tpu.memory_space<vmem_shared>>) target_semaphore(%dma_start3A_281 : memref<!tpu.dma_semaphore, #tpu.memory_space<semaphore_mem>>)
    %dma_start3A_288 = arith.constant 0 : i32
    %dma_start3A_289 = arith.constant 0 : i32
    %dma_start3A_290 = arith.constant 0 : i32
    %dma_start3A_291 = arith.constant 0 : i32
    %dma_start3A_292 = tpu.memref_slice %arg9[%dma_start3A_288, %dma_start3A_290, %dma_start3A_291] : memref<4x40x128xf32, #tpu.memory_space<vmem>> -> memref<1x40x128xf32, #tpu.memory_space<vmem>>
    %dma_start3A_293 = tpu.memref_squeeze %dma_start3A_292 : memref<1x40x128xf32, #tpu.memory_space<vmem>> -> memref<40x128xf32, #tpu.memory_space<vmem>>
    %dma_start3A_294 = arith.constant 0 : i32
    %dma_start3A_295 = tpu.memref_slice %arg10[%add3A_130, %dma_start3A_294] : memref<10112x128xf32, #tpu.memory_space<vmem_shared>> -> memref<40x128xf32, #tpu.memory_space<vmem_shared>>
    %dma_start3A_296 = tpu.memref_slice %arg13[%dma_start3A_289] : memref<4x!tpu.dma_semaphore, #tpu.memory_space<semaphore_mem>> -> memref<1x!tpu.dma_semaphore, #tpu.memory_space<semaphore_mem>>
    %dma_start3A_297 = tpu.memref_squeeze %dma_start3A_296 : memref<1x!tpu.dma_semaphore, #tpu.memory_space<semaphore_mem>> -> memref<!tpu.dma_semaphore, #tpu.memory_space<semaphore_mem>>
    %dma_start3A_298 = arith.constant 0 : i32
    %dma_start3A_299 = tpu.memref_slice %arg10[%add3A_130, %dma_start3A_298] : memref<10112x128xf32, #tpu.memory_space<vmem_shared>> -> memref<40x128xf32, #tpu.memory_space<vmem_shared>>
    %dma_start3A_300 = arith.constant 0 : i32
    %dma_start3A_301 = arith.constant 0 : i32
    %dma_start3A_302 = tpu.memref_slice %arg9[%dma_start3A_288, %dma_start3A_300, %dma_start3A_301] : memref<4x40x128xf32, #tpu.memory_space<vmem>> -> memref<1x40x128xf32, #tpu.memory_space<vmem>>
    %dma_start3A_303 = tpu.memref_squeeze %dma_start3A_302 : memref<1x40x128xf32, #tpu.memory_space<vmem>> -> memref<40x128xf32, #tpu.memory_space<vmem>>
    tpu.enqueue_dma source(%dma_start3A_303 : memref<40x128xf32, #tpu.memory_space<vmem>>) target(%dma_start3A_299 : memref<40x128xf32, #tpu.memory_space<vmem_shared>>) target_semaphore(%dma_start3A_297 : memref<!tpu.dma_semaphore, #tpu.memory_space<semaphore_mem>>)
    %dma_start3A_304 = arith.constant 0 : i32
    %dma_start3A_305 = arith.constant 0 : i32
    %dma_start3A_306 = arith.constant 0 : i32
    %dma_start3A_307 = arith.constant 0 : i32
    %dma_start3A_308 = tpu.memref_slice %arg9[%dma_start3A_304, %dma_start3A_306, %dma_start3A_307] : memref<4x40x128xf32, #tpu.memory_space<vmem>> -> memref<1x40x128xf32, #tpu.memory_space<vmem>>
    %dma_start3A_309 = tpu.memref_squeeze %dma_start3A_308 : memref<1x40x128xf32, #tpu.memory_space<vmem>> -> memref<40x128xf32, #tpu.memory_space<vmem>>
    %dma_start3A_310 = arith.constant 0 : i32
    %dma_start3A_311 = tpu.memref_slice %arg10[%add3A_132, %dma_start3A_310] : memref<10112x128xf32, #tpu.memory_space<vmem_shared>> -> memref<40x128xf32, #tpu.memory_space<vmem_shared>>
    %dma_start3A_312 = tpu.memref_slice %arg13[%dma_start3A_305] : memref<4x!tpu.dma_semaphore, #tpu.memory_space<semaphore_mem>> -> memref<1x!tpu.dma_semaphore, #tpu.memory_space<semaphore_mem>>
    %dma_start3A_313 = tpu.memref_squeeze %dma_start3A_312 : memref<1x!tpu.dma_semaphore, #tpu.memory_space<semaphore_mem>> -> memref<!tpu.dma_semaphore, #tpu.memory_space<semaphore_mem>>
    %dma_start3A_314 = arith.constant 0 : i32
    %dma_start3A_315 = tpu.memref_slice %arg10[%add3A_132, %dma_start3A_314] : memref<10112x128xf32, #tpu.memory_space<vmem_shared>> -> memref<40x128xf32, #tpu.memory_space<vmem_shared>>
    %dma_start3A_316 = arith.constant 0 : i32
    %dma_start3A_317 = arith.constant 0 : i32
    %dma_start3A_318 = tpu.memref_slice %arg9[%dma_start3A_304, %dma_start3A_316, %dma_start3A_317] : memref<4x40x128xf32, #tpu.memory_space<vmem>> -> memref<1x40x128xf32, #tpu.memory_space<vmem>>
    %dma_start3A_319 = tpu.memref_squeeze %dma_start3A_318 : memref<1x40x128xf32, #tpu.memory_space<vmem>> -> memref<40x128xf32, #tpu.memory_space<vmem>>
    tpu.enqueue_dma source(%dma_start3A_319 : memref<40x128xf32, #tpu.memory_space<vmem>>) target(%dma_start3A_315 : memref<40x128xf32, #tpu.memory_space<vmem_shared>>) target_semaphore(%dma_start3A_313 : memref<!tpu.dma_semaphore, #tpu.memory_space<semaphore_mem>>)
    %dma_start3A_320 = arith.constant 0 : i32
    %dma_start3A_321 = arith.constant 0 : i32
    %dma_start3A_322 = arith.constant 0 : i32
    %dma_start3A_323 = arith.constant 0 : i32
    %dma_start3A_324 = tpu.memref_slice %arg9[%dma_start3A_320, %dma_start3A_322, %dma_start3A_323] : memref<4x40x128xf32, #tpu.memory_space<vmem>> -> memref<1x40x128xf32, #tpu.memory_space<vmem>>
    %dma_start3A_325 = tpu.memref_squeeze %dma_start3A_324 : memref<1x40x128xf32, #tpu.memory_space<vmem>> -> memref<40x128xf32, #tpu.memory_space<vmem>>
    %dma_start3A_326 = arith.constant 0 : i32
    %dma_start3A_327 = tpu.memref_slice %arg10[%add3A_134, %dma_start3A_326] : memref<10112x128xf32, #tpu.memory_space<vmem_shared>> -> memref<40x128xf32, #tpu.memory_space<vmem_shared>>
    %dma_start3A_328 = tpu.memref_slice %arg13[%dma_start3A_321] : memref<4x!tpu.dma_semaphore, #tpu.memory_space<semaphore_mem>> -> memref<1x!tpu.dma_semaphore, #tpu.memory_space<semaphore_mem>>
    %dma_start3A_329 = tpu.memref_squeeze %dma_start3A_328 : memref<1x!tpu.dma_semaphore, #tpu.memory_space<semaphore_mem>> -> memref<!tpu.dma_semaphore, #tpu.memory_space<semaphore_mem>>
    %dma_start3A_330 = arith.constant 0 : i32
    %dma_start3A_331 = tpu.memref_slice %arg10[%add3A_134, %dma_start3A_330] : memref<10112x128xf32, #tpu.memory_space<vmem_shared>> -> memref<40x128xf32, #tpu.memory_space<vmem_shared>>
    %dma_start3A_332 = arith.constant 0 : i32
    %dma_start3A_333 = arith.constant 0 : i32
    %dma_start3A_334 = tpu.memref_slice %arg9[%dma_start3A_320, %dma_start3A_332, %dma_start3A_333] : memref<4x40x128xf32, #tpu.memory_space<vmem>> -> memref<1x40x128xf32, #tpu.memory_space<vmem>>
    %dma_start3A_335 = tpu.memref_squeeze %dma_start3A_334 : memref<1x40x128xf32, #tpu.memory_space<vmem>> -> memref<40x128xf32, #tpu.memory_space<vmem>>
    tpu.enqueue_dma source(%dma_start3A_335 : memref<40x128xf32, #tpu.memory_space<vmem>>) target(%dma_start3A_331 : memref<40x128xf32, #tpu.memory_space<vmem_shared>>) target_semaphore(%dma_start3A_329 : memref<!tpu.dma_semaphore, #tpu.memory_space<semaphore_mem>>)
    %dma_start3A_336 = arith.constant 0 : i32
    %dma_start3A_337 = arith.constant 0 : i32
    %dma_start3A_338 = arith.constant 0 : i32
    %dma_start3A_339 = arith.constant 0 : i32
    %dma_start3A_340 = tpu.memref_slice %arg9[%dma_start3A_336, %dma_start3A_338, %dma_start3A_339] : memref<4x40x128xf32, #tpu.memory_space<vmem>> -> memref<1x40x128xf32, #tpu.memory_space<vmem>>
    %dma_start3A_341 = tpu.memref_squeeze %dma_start3A_340 : memref<1x40x128xf32, #tpu.memory_space<vmem>> -> memref<40x128xf32, #tpu.memory_space<vmem>>
    %dma_start3A_342 = arith.constant 0 : i32
    %dma_start3A_343 = tpu.memref_slice %arg10[%add3A_136, %dma_start3A_342] : memref<10112x128xf32, #tpu.memory_space<vmem_shared>> -> memref<40x128xf32, #tpu.memory_space<vmem_shared>>
    %dma_start3A_344 = tpu.memref_slice %arg13[%dma_start3A_337] : memref<4x!tpu.dma_semaphore, #tpu.memory_space<semaphore_mem>> -> memref<1x!tpu.dma_semaphore, #tpu.memory_space<semaphore_mem>>
    %dma_start3A_345 = tpu.memref_squeeze %dma_start3A_344 : memref<1x!tpu.dma_semaphore, #tpu.memory_space<semaphore_mem>> -> memref<!tpu.dma_semaphore, #tpu.memory_space<semaphore_mem>>
    %dma_start3A_346 = arith.constant 0 : i32
    %dma_start3A_347 = tpu.memref_slice %arg10[%add3A_136, %dma_start3A_346] : memref<10112x128xf32, #tpu.memory_space<vmem_shared>> -> memref<40x128xf32, #tpu.memory_space<vmem_shared>>
    %dma_start3A_348 = arith.constant 0 : i32
    %dma_start3A_349 = arith.constant 0 : i32
    %dma_start3A_350 = tpu.memref_slice %arg9[%dma_start3A_336, %dma_start3A_348, %dma_start3A_349] : memref<4x40x128xf32, #tpu.memory_space<vmem>> -> memref<1x40x128xf32, #tpu.memory_space<vmem>>
    %dma_start3A_351 = tpu.memref_squeeze %dma_start3A_350 : memref<1x40x128xf32, #tpu.memory_space<vmem>> -> memref<40x128xf32, #tpu.memory_space<vmem>>
    tpu.enqueue_dma source(%dma_start3A_351 : memref<40x128xf32, #tpu.memory_space<vmem>>) target(%dma_start3A_347 : memref<40x128xf32, #tpu.memory_space<vmem_shared>>) target_semaphore(%dma_start3A_345 : memref<!tpu.dma_semaphore, #tpu.memory_space<semaphore_mem>>)
    %dma_start3A_352 = arith.constant 0 : i32
    %dma_start3A_353 = arith.constant 0 : i32
    %dma_start3A_354 = arith.constant 0 : i32
    %dma_start3A_355 = arith.constant 0 : i32
    %dma_start3A_356 = tpu.memref_slice %arg9[%dma_start3A_352, %dma_start3A_354, %dma_start3A_355] : memref<4x40x128xf32, #tpu.memory_space<vmem>> -> memref<1x40x128xf32, #tpu.memory_space<vmem>>
    %dma_start3A_357 = tpu.memref_squeeze %dma_start3A_356 : memref<1x40x128xf32, #tpu.memory_space<vmem>> -> memref<40x128xf32, #tpu.memory_space<vmem>>
    %dma_start3A_358 = arith.constant 0 : i32
    %dma_start3A_359 = tpu.memref_slice %arg10[%add3A_138, %dma_start3A_358] : memref<10112x128xf32, #tpu.memory_space<vmem_shared>> -> memref<40x128xf32, #tpu.memory_space<vmem_shared>>
    %dma_start3A_360 = tpu.memref_slice %arg13[%dma_start3A_353] : memref<4x!tpu.dma_semaphore, #tpu.memory_space<semaphore_mem>> -> memref<1x!tpu.dma_semaphore, #tpu.memory_space<semaphore_mem>>
    %dma_start3A_361 = tpu.memref_squeeze %dma_start3A_360 : memref<1x!tpu.dma_semaphore, #tpu.memory_space<semaphore_mem>> -> memref<!tpu.dma_semaphore, #tpu.memory_space<semaphore_mem>>
    %dma_start3A_362 = arith.constant 0 : i32
    %dma_start3A_363 = tpu.memref_slice %arg10[%add3A_138, %dma_start3A_362] : memref<10112x128xf32, #tpu.memory_space<vmem_shared>> -> memref<40x128xf32, #tpu.memory_space<vmem_shared>>
    %dma_start3A_364 = arith.constant 0 : i32
    %dma_start3A_365 = arith.constant 0 : i32
    %dma_start3A_366 = tpu.memref_slice %arg9[%dma_start3A_352, %dma_start3A_364, %dma_start3A_365] : memref<4x40x128xf32, #tpu.memory_space<vmem>> -> memref<1x40x128xf32, #tpu.memory_space<vmem>>
    %dma_start3A_367 = tpu.memref_squeeze %dma_start3A_366 : memref<1x40x128xf32, #tpu.memory_space<vmem>> -> memref<40x128xf32, #tpu.memory_space<vmem>>
    tpu.enqueue_dma source(%dma_start3A_367 : memref<40x128xf32, #tpu.memory_space<vmem>>) target(%dma_start3A_363 : memref<40x128xf32, #tpu.memory_space<vmem_shared>>) target_semaphore(%dma_start3A_361 : memref<!tpu.dma_semaphore, #tpu.memory_space<semaphore_mem>>)
    %dma_start3A_368 = arith.constant 0 : i32
    %dma_start3A_369 = arith.constant 0 : i32
    %dma_start3A_370 = arith.constant 0 : i32
    %dma_start3A_371 = arith.constant 0 : i32
    %dma_start3A_372 = tpu.memref_slice %arg9[%dma_start3A_368, %dma_start3A_370, %dma_start3A_371] : memref<4x40x128xf32, #tpu.memory_space<vmem>> -> memref<1x40x128xf32, #tpu.memory_space<vmem>>
    %dma_start3A_373 = tpu.memref_squeeze %dma_start3A_372 : memref<1x40x128xf32, #tpu.memory_space<vmem>> -> memref<40x128xf32, #tpu.memory_space<vmem>>
    %dma_start3A_374 = arith.constant 0 : i32
    %dma_start3A_375 = tpu.memref_slice %arg10[%add3A_140, %dma_start3A_374] : memref<10112x128xf32, #tpu.memory_space<vmem_shared>> -> memref<40x128xf32, #tpu.memory_space<vmem_shared>>
    %dma_start3A_376 = tpu.memref_slice %arg13[%dma_start3A_369] : memref<4x!tpu.dma_semaphore, #tpu.memory_space<semaphore_mem>> -> memref<1x!tpu.dma_semaphore, #tpu.memory_space<semaphore_mem>>
    %dma_start3A_377 = tpu.memref_squeeze %dma_start3A_376 : memref<1x!tpu.dma_semaphore, #tpu.memory_space<semaphore_mem>> -> memref<!tpu.dma_semaphore, #tpu.memory_space<semaphore_mem>>
    %dma_start3A_378 = arith.constant 0 : i32
    %dma_start3A_379 = tpu.memref_slice %arg10[%add3A_140, %dma_start3A_378] : memref<10112x128xf32, #tpu.memory_space<vmem_shared>> -> memref<40x128xf32, #tpu.memory_space<vmem_shared>>
    %dma_start3A_380 = arith.constant 0 : i32
    %dma_start3A_381 = arith.constant 0 : i32
    %dma_start3A_382 = tpu.memref_slice %arg9[%dma_start3A_368, %dma_start3A_380, %dma_start3A_381] : memref<4x40x128xf32, #tpu.memory_space<vmem>> -> memref<1x40x128xf32, #tpu.memory_space<vmem>>
    %dma_start3A_383 = tpu.memref_squeeze %dma_start3A_382 : memref<1x40x128xf32, #tpu.memory_space<vmem>> -> memref<40x128xf32, #tpu.memory_space<vmem>>
    tpu.enqueue_dma source(%dma_start3A_383 : memref<40x128xf32, #tpu.memory_space<vmem>>) target(%dma_start3A_379 : memref<40x128xf32, #tpu.memory_space<vmem_shared>>) target_semaphore(%dma_start3A_377 : memref<!tpu.dma_semaphore, #tpu.memory_space<semaphore_mem>>)
    %dma_start3A_384 = arith.constant 0 : i32
    %dma_start3A_385 = arith.constant 0 : i32
    %dma_start3A_386 = arith.constant 0 : i32
    %dma_start3A_387 = arith.constant 0 : i32
    %dma_start3A_388 = tpu.memref_slice %arg9[%dma_start3A_384, %dma_start3A_386, %dma_start3A_387] : memref<4x40x128xf32, #tpu.memory_space<vmem>> -> memref<1x32x128xf32, #tpu.memory_space<vmem>>
    %dma_start3A_389 = tpu.memref_squeeze %dma_start3A_388 : memref<1x32x128xf32, #tpu.memory_space<vmem>> -> memref<32x128xf32, #tpu.memory_space<vmem>>
    %dma_start3A_390 = arith.constant 0 : i32
    %dma_start3A_391 = tpu.memref_slice %arg10[%sub3A_143, %dma_start3A_390] : memref<10112x128xf32, #tpu.memory_space<vmem_shared>> -> memref<32x128xf32, #tpu.memory_space<vmem_shared>>
    %dma_start3A_392 = tpu.memref_slice %arg13[%dma_start3A_385] : memref<4x!tpu.dma_semaphore, #tpu.memory_space<semaphore_mem>> -> memref<1x!tpu.dma_semaphore, #tpu.memory_space<semaphore_mem>>
    %dma_start3A_393 = tpu.memref_squeeze %dma_start3A_392 : memref<1x!tpu.dma_semaphore, #tpu.memory_space<semaphore_mem>> -> memref<!tpu.dma_semaphore, #tpu.memory_space<semaphore_mem>>
    %dma_start3A_394 = arith.constant 0 : i32
    %dma_start3A_395 = tpu.memref_slice %arg10[%sub3A_143, %dma_start3A_394] : memref<10112x128xf32, #tpu.memory_space<vmem_shared>> -> memref<32x128xf32, #tpu.memory_space<vmem_shared>>
    %dma_start3A_396 = arith.constant 0 : i32
    %dma_start3A_397 = arith.constant 0 : i32
    %dma_start3A_398 = tpu.memref_slice %arg9[%dma_start3A_384, %dma_start3A_396, %dma_start3A_397] : memref<4x40x128xf32, #tpu.memory_space<vmem>> -> memref<1x32x128xf32, #tpu.memory_space<vmem>>
    %dma_start3A_399 = tpu.memref_squeeze %dma_start3A_398 : memref<1x32x128xf32, #tpu.memory_space<vmem>> -> memref<32x128xf32, #tpu.memory_space<vmem>>
    tpu.enqueue_dma source(%dma_start3A_399 : memref<32x128xf32, #tpu.memory_space<vmem>>) target(%dma_start3A_395 : memref<32x128xf32, #tpu.memory_space<vmem_shared>>) target_semaphore(%dma_start3A_393 : memref<!tpu.dma_semaphore, #tpu.memory_space<semaphore_mem>>)
    %dma_wait3A = arith.constant 0 : i32
    %dma_wait3A_400 = arith.constant 0 : i32
    %dma_wait3A_401 = arith.constant 0 : i32
    %dma_wait3A_402 = arith.constant 0 : i32
    %dma_wait3A_403 = tpu.memref_slice %arg9[%dma_wait3A, %dma_wait3A_401, %dma_wait3A_402] : memref<4x40x128xf32, #tpu.memory_space<vmem>> -> memref<1x40x128xf32, #tpu.memory_space<vmem>>
    %dma_wait3A_404 = tpu.memref_squeeze %dma_wait3A_403 : memref<1x40x128xf32, #tpu.memory_space<vmem>> -> memref<40x128xf32, #tpu.memory_space<vmem>>
    %dma_wait3A_405 = arith.constant 0 : i32
    %dma_wait3A_406 = tpu.memref_slice %arg10[%add3A_112, %dma_wait3A_405] : memref<10112x128xf32, #tpu.memory_space<vmem_shared>> -> memref<40x128xf32, #tpu.memory_space<vmem_shared>>
    %dma_wait3A_407 = tpu.memref_slice %arg13[%dma_wait3A_400] : memref<4x!tpu.dma_semaphore, #tpu.memory_space<semaphore_mem>> -> memref<1x!tpu.dma_semaphore, #tpu.memory_space<semaphore_mem>>
    %dma_wait3A_408 = tpu.memref_squeeze %dma_wait3A_407 : memref<1x!tpu.dma_semaphore, #tpu.memory_space<semaphore_mem>> -> memref<!tpu.dma_semaphore, #tpu.memory_space<semaphore_mem>>
    %dma_wait3A_409 = arith.constant 0 : i32
    %dma_wait3A_410 = tpu.memref_slice %arg10[%add3A_112, %dma_wait3A_409] : memref<10112x128xf32, #tpu.memory_space<vmem_shared>> -> memref<40x128xf32, #tpu.memory_space<vmem_shared>>
    %dma_wait3A_411 = arith.constant 0 : i32
    %dma_wait3A_412 = arith.constant 0 : i32
    %dma_wait3A_413 = tpu.memref_slice %arg9[%dma_wait3A, %dma_wait3A_411, %dma_wait3A_412] : memref<4x40x128xf32, #tpu.memory_space<vmem>> -> memref<1x40x128xf32, #tpu.memory_space<vmem>>
    %dma_wait3A_414 = tpu.memref_squeeze %dma_wait3A_413 : memref<1x40x128xf32, #tpu.memory_space<vmem>> -> memref<40x128xf32, #tpu.memory_space<vmem>>
    tpu.wait_dma2 semaphore(%dma_wait3A_408 : memref<!tpu.dma_semaphore, #tpu.memory_space<semaphore_mem>>) src(%dma_wait3A_414 : memref<40x128xf32, #tpu.memory_space<vmem>>) dst(%dma_wait3A_410 : memref<40x128xf32, #tpu.memory_space<vmem_shared>>)
    %dma_wait3A_415 = arith.constant 0 : i32
    %dma_wait3A_416 = arith.constant 0 : i32
    %dma_wait3A_417 = arith.constant 0 : i32
    %dma_wait3A_418 = arith.constant 0 : i32
    %dma_wait3A_419 = tpu.memref_slice %arg9[%dma_wait3A_415, %dma_wait3A_417, %dma_wait3A_418] : memref<4x40x128xf32, #tpu.memory_space<vmem>> -> memref<1x40x128xf32, #tpu.memory_space<vmem>>
    %dma_wait3A_420 = tpu.memref_squeeze %dma_wait3A_419 : memref<1x40x128xf32, #tpu.memory_space<vmem>> -> memref<40x128xf32, #tpu.memory_space<vmem>>
    %dma_wait3A_421 = arith.constant 0 : i32
    %dma_wait3A_422 = tpu.memref_slice %arg10[%add3A_114, %dma_wait3A_421] : memref<10112x128xf32, #tpu.memory_space<vmem_shared>> -> memref<40x128xf32, #tpu.memory_space<vmem_shared>>
    %dma_wait3A_423 = tpu.memref_slice %arg13[%dma_wait3A_416] : memref<4x!tpu.dma_semaphore, #tpu.memory_space<semaphore_mem>> -> memref<1x!tpu.dma_semaphore, #tpu.memory_space<semaphore_mem>>
    %dma_wait3A_424 = tpu.memref_squeeze %dma_wait3A_423 : memref<1x!tpu.dma_semaphore, #tpu.memory_space<semaphore_mem>> -> memref<!tpu.dma_semaphore, #tpu.memory_space<semaphore_mem>>
    %dma_wait3A_425 = arith.constant 0 : i32
    %dma_wait3A_426 = tpu.memref_slice %arg10[%add3A_114, %dma_wait3A_425] : memref<10112x128xf32, #tpu.memory_space<vmem_shared>> -> memref<40x128xf32, #tpu.memory_space<vmem_shared>>
    %dma_wait3A_427 = arith.constant 0 : i32
    %dma_wait3A_428 = arith.constant 0 : i32
    %dma_wait3A_429 = tpu.memref_slice %arg9[%dma_wait3A_415, %dma_wait3A_427, %dma_wait3A_428] : memref<4x40x128xf32, #tpu.memory_space<vmem>> -> memref<1x40x128xf32, #tpu.memory_space<vmem>>
    %dma_wait3A_430 = tpu.memref_squeeze %dma_wait3A_429 : memref<1x40x128xf32, #tpu.memory_space<vmem>> -> memref<40x128xf32, #tpu.memory_space<vmem>>
    tpu.wait_dma2 semaphore(%dma_wait3A_424 : memref<!tpu.dma_semaphore, #tpu.memory_space<semaphore_mem>>) src(%dma_wait3A_430 : memref<40x128xf32, #tpu.memory_space<vmem>>) dst(%dma_wait3A_426 : memref<40x128xf32, #tpu.memory_space<vmem_shared>>)
    %dma_wait3A_431 = arith.constant 0 : i32
    %dma_wait3A_432 = arith.constant 0 : i32
    %dma_wait3A_433 = arith.constant 0 : i32
    %dma_wait3A_434 = arith.constant 0 : i32
    %dma_wait3A_435 = tpu.memref_slice %arg9[%dma_wait3A_431, %dma_wait3A_433, %dma_wait3A_434] : memref<4x40x128xf32, #tpu.memory_space<vmem>> -> memref<1x40x128xf32, #tpu.memory_space<vmem>>
    %dma_wait3A_436 = tpu.memref_squeeze %dma_wait3A_435 : memref<1x40x128xf32, #tpu.memory_space<vmem>> -> memref<40x128xf32, #tpu.memory_space<vmem>>
    %dma_wait3A_437 = arith.constant 0 : i32
    %dma_wait3A_438 = tpu.memref_slice %arg10[%add3A_116, %dma_wait3A_437] : memref<10112x128xf32, #tpu.memory_space<vmem_shared>> -> memref<40x128xf32, #tpu.memory_space<vmem_shared>>
    %dma_wait3A_439 = tpu.memref_slice %arg13[%dma_wait3A_432] : memref<4x!tpu.dma_semaphore, #tpu.memory_space<semaphore_mem>> -> memref<1x!tpu.dma_semaphore, #tpu.memory_space<semaphore_mem>>
    %dma_wait3A_440 = tpu.memref_squeeze %dma_wait3A_439 : memref<1x!tpu.dma_semaphore, #tpu.memory_space<semaphore_mem>> -> memref<!tpu.dma_semaphore, #tpu.memory_space<semaphore_mem>>
    %dma_wait3A_441 = arith.constant 0 : i32
    %dma_wait3A_442 = tpu.memref_slice %arg10[%add3A_116, %dma_wait3A_441] : memref<10112x128xf32, #tpu.memory_space<vmem_shared>> -> memref<40x128xf32, #tpu.memory_space<vmem_shared>>
    %dma_wait3A_443 = arith.constant 0 : i32
    %dma_wait3A_444 = arith.constant 0 : i32
    %dma_wait3A_445 = tpu.memref_slice %arg9[%dma_wait3A_431, %dma_wait3A_443, %dma_wait3A_444] : memref<4x40x128xf32, #tpu.memory_space<vmem>> -> memref<1x40x128xf32, #tpu.memory_space<vmem>>
    %dma_wait3A_446 = tpu.memref_squeeze %dma_wait3A_445 : memref<1x40x128xf32, #tpu.memory_space<vmem>> -> memref<40x128xf32, #tpu.memory_space<vmem>>
    tpu.wait_dma2 semaphore(%dma_wait3A_440 : memref<!tpu.dma_semaphore, #tpu.memory_space<semaphore_mem>>) src(%dma_wait3A_446 : memref<40x128xf32, #tpu.memory_space<vmem>>) dst(%dma_wait3A_442 : memref<40x128xf32, #tpu.memory_space<vmem_shared>>)
    %dma_wait3A_447 = arith.constant 0 : i32
    %dma_wait3A_448 = arith.constant 0 : i32
    %dma_wait3A_449 = arith.constant 0 : i32
    %dma_wait3A_450 = arith.constant 0 : i32
    %dma_wait3A_451 = tpu.memref_slice %arg9[%dma_wait3A_447, %dma_wait3A_449, %dma_wait3A_450] : memref<4x40x128xf32, #tpu.memory_space<vmem>> -> memref<1x40x128xf32, #tpu.memory_space<vmem>>
    %dma_wait3A_452 = tpu.memref_squeeze %dma_wait3A_451 : memref<1x40x128xf32, #tpu.memory_space<vmem>> -> memref<40x128xf32, #tpu.memory_space<vmem>>
    %dma_wait3A_453 = arith.constant 0 : i32
    %dma_wait3A_454 = tpu.memref_slice %arg10[%add3A_118, %dma_wait3A_453] : memref<10112x128xf32, #tpu.memory_space<vmem_shared>> -> memref<40x128xf32, #tpu.memory_space<vmem_shared>>
    %dma_wait3A_455 = tpu.memref_slice %arg13[%dma_wait3A_448] : memref<4x!tpu.dma_semaphore, #tpu.memory_space<semaphore_mem>> -> memref<1x!tpu.dma_semaphore, #tpu.memory_space<semaphore_mem>>
    %dma_wait3A_456 = tpu.memref_squeeze %dma_wait3A_455 : memref<1x!tpu.dma_semaphore, #tpu.memory_space<semaphore_mem>> -> memref<!tpu.dma_semaphore, #tpu.memory_space<semaphore_mem>>
    %dma_wait3A_457 = arith.constant 0 : i32
    %dma_wait3A_458 = tpu.memref_slice %arg10[%add3A_118, %dma_wait3A_457] : memref<10112x128xf32, #tpu.memory_space<vmem_shared>> -> memref<40x128xf32, #tpu.memory_space<vmem_shared>>
    %dma_wait3A_459 = arith.constant 0 : i32
    %dma_wait3A_460 = arith.constant 0 : i32
    %dma_wait3A_461 = tpu.memref_slice %arg9[%dma_wait3A_447, %dma_wait3A_459, %dma_wait3A_460] : memref<4x40x128xf32, #tpu.memory_space<vmem>> -> memref<1x40x128xf32, #tpu.memory_space<vmem>>
    %dma_wait3A_462 = tpu.memref_squeeze %dma_wait3A_461 : memref<1x40x128xf32, #tpu.memory_space<vmem>> -> memref<40x128xf32, #tpu.memory_space<vmem>>
    tpu.wait_dma2 semaphore(%dma_wait3A_456 : memref<!tpu.dma_semaphore, #tpu.memory_space<semaphore_mem>>) src(%dma_wait3A_462 : memref<40x128xf32, #tpu.memory_space<vmem>>) dst(%dma_wait3A_458 : memref<40x128xf32, #tpu.memory_space<vmem_shared>>)
    %dma_wait3A_463 = arith.constant 0 : i32
    %dma_wait3A_464 = arith.constant 0 : i32
    %dma_wait3A_465 = arith.constant 0 : i32
    %dma_wait3A_466 = arith.constant 0 : i32
    %dma_wait3A_467 = tpu.memref_slice %arg9[%dma_wait3A_463, %dma_wait3A_465, %dma_wait3A_466] : memref<4x40x128xf32, #tpu.memory_space<vmem>> -> memref<1x40x128xf32, #tpu.memory_space<vmem>>
    %dma_wait3A_468 = tpu.memref_squeeze %dma_wait3A_467 : memref<1x40x128xf32, #tpu.memory_space<vmem>> -> memref<40x128xf32, #tpu.memory_space<vmem>>
    %dma_wait3A_469 = arith.constant 0 : i32
    %dma_wait3A_470 = tpu.memref_slice %arg10[%add3A_120, %dma_wait3A_469] : memref<10112x128xf32, #tpu.memory_space<vmem_shared>> -> memref<40x128xf32, #tpu.memory_space<vmem_shared>>
    %dma_wait3A_471 = tpu.memref_slice %arg13[%dma_wait3A_464] : memref<4x!tpu.dma_semaphore, #tpu.memory_space<semaphore_mem>> -> memref<1x!tpu.dma_semaphore, #tpu.memory_space<semaphore_mem>>
    %dma_wait3A_472 = tpu.memref_squeeze %dma_wait3A_471 : memref<1x!tpu.dma_semaphore, #tpu.memory_space<semaphore_mem>> -> memref<!tpu.dma_semaphore, #tpu.memory_space<semaphore_mem>>
    %dma_wait3A_473 = arith.constant 0 : i32
    %dma_wait3A_474 = tpu.memref_slice %arg10[%add3A_120, %dma_wait3A_473] : memref<10112x128xf32, #tpu.memory_space<vmem_shared>> -> memref<40x128xf32, #tpu.memory_space<vmem_shared>>
    %dma_wait3A_475 = arith.constant 0 : i32
    %dma_wait3A_476 = arith.constant 0 : i32
    %dma_wait3A_477 = tpu.memref_slice %arg9[%dma_wait3A_463, %dma_wait3A_475, %dma_wait3A_476] : memref<4x40x128xf32, #tpu.memory_space<vmem>> -> memref<1x40x128xf32, #tpu.memory_space<vmem>>
    %dma_wait3A_478 = tpu.memref_squeeze %dma_wait3A_477 : memref<1x40x128xf32, #tpu.memory_space<vmem>> -> memref<40x128xf32, #tpu.memory_space<vmem>>
    tpu.wait_dma2 semaphore(%dma_wait3A_472 : memref<!tpu.dma_semaphore, #tpu.memory_space<semaphore_mem>>) src(%dma_wait3A_478 : memref<40x128xf32, #tpu.memory_space<vmem>>) dst(%dma_wait3A_474 : memref<40x128xf32, #tpu.memory_space<vmem_shared>>)
    %dma_wait3A_479 = arith.constant 0 : i32
    %dma_wait3A_480 = arith.constant 0 : i32
    %dma_wait3A_481 = arith.constant 0 : i32
    %dma_wait3A_482 = arith.constant 0 : i32
    %dma_wait3A_483 = tpu.memref_slice %arg9[%dma_wait3A_479, %dma_wait3A_481, %dma_wait3A_482] : memref<4x40x128xf32, #tpu.memory_space<vmem>> -> memref<1x40x128xf32, #tpu.memory_space<vmem>>
    %dma_wait3A_484 = tpu.memref_squeeze %dma_wait3A_483 : memref<1x40x128xf32, #tpu.memory_space<vmem>> -> memref<40x128xf32, #tpu.memory_space<vmem>>
    %dma_wait3A_485 = arith.constant 0 : i32
    %dma_wait3A_486 = tpu.memref_slice %arg10[%add3A_122, %dma_wait3A_485] : memref<10112x128xf32, #tpu.memory_space<vmem_shared>> -> memref<40x128xf32, #tpu.memory_space<vmem_shared>>
    %dma_wait3A_487 = tpu.memref_slice %arg13[%dma_wait3A_480] : memref<4x!tpu.dma_semaphore, #tpu.memory_space<semaphore_mem>> -> memref<1x!tpu.dma_semaphore, #tpu.memory_space<semaphore_mem>>
    %dma_wait3A_488 = tpu.memref_squeeze %dma_wait3A_487 : memref<1x!tpu.dma_semaphore, #tpu.memory_space<semaphore_mem>> -> memref<!tpu.dma_semaphore, #tpu.memory_space<semaphore_mem>>
    %dma_wait3A_489 = arith.constant 0 : i32
    %dma_wait3A_490 = tpu.memref_slice %arg10[%add3A_122, %dma_wait3A_489] : memref<10112x128xf32, #tpu.memory_space<vmem_shared>> -> memref<40x128xf32, #tpu.memory_space<vmem_shared>>
    %dma_wait3A_491 = arith.constant 0 : i32
    %dma_wait3A_492 = arith.constant 0 : i32
    %dma_wait3A_493 = tpu.memref_slice %arg9[%dma_wait3A_479, %dma_wait3A_491, %dma_wait3A_492] : memref<4x40x128xf32, #tpu.memory_space<vmem>> -> memref<1x40x128xf32, #tpu.memory_space<vmem>>
    %dma_wait3A_494 = tpu.memref_squeeze %dma_wait3A_493 : memref<1x40x128xf32, #tpu.memory_space<vmem>> -> memref<40x128xf32, #tpu.memory_space<vmem>>
    tpu.wait_dma2 semaphore(%dma_wait3A_488 : memref<!tpu.dma_semaphore, #tpu.memory_space<semaphore_mem>>) src(%dma_wait3A_494 : memref<40x128xf32, #tpu.memory_space<vmem>>) dst(%dma_wait3A_490 : memref<40x128xf32, #tpu.memory_space<vmem_shared>>)
    %dma_wait3A_495 = arith.constant 0 : i32
    %dma_wait3A_496 = arith.constant 0 : i32
    %dma_wait3A_497 = arith.constant 0 : i32
    %dma_wait3A_498 = arith.constant 0 : i32
    %dma_wait3A_499 = tpu.memref_slice %arg9[%dma_wait3A_495, %dma_wait3A_497, %dma_wait3A_498] : memref<4x40x128xf32, #tpu.memory_space<vmem>> -> memref<1x40x128xf32, #tpu.memory_space<vmem>>
    %dma_wait3A_500 = tpu.memref_squeeze %dma_wait3A_499 : memref<1x40x128xf32, #tpu.memory_space<vmem>> -> memref<40x128xf32, #tpu.memory_space<vmem>>
    %dma_wait3A_501 = arith.constant 0 : i32
    %dma_wait3A_502 = tpu.memref_slice %arg10[%add3A_124, %dma_wait3A_501] : memref<10112x128xf32, #tpu.memory_space<vmem_shared>> -> memref<40x128xf32, #tpu.memory_space<vmem_shared>>
    %dma_wait3A_503 = tpu.memref_slice %arg13[%dma_wait3A_496] : memref<4x!tpu.dma_semaphore, #tpu.memory_space<semaphore_mem>> -> memref<1x!tpu.dma_semaphore, #tpu.memory_space<semaphore_mem>>
    %dma_wait3A_504 = tpu.memref_squeeze %dma_wait3A_503 : memref<1x!tpu.dma_semaphore, #tpu.memory_space<semaphore_mem>> -> memref<!tpu.dma_semaphore, #tpu.memory_space<semaphore_mem>>
    %dma_wait3A_505 = arith.constant 0 : i32
    %dma_wait3A_506 = tpu.memref_slice %arg10[%add3A_124, %dma_wait3A_505] : memref<10112x128xf32, #tpu.memory_space<vmem_shared>> -> memref<40x128xf32, #tpu.memory_space<vmem_shared>>
    %dma_wait3A_507 = arith.constant 0 : i32
    %dma_wait3A_508 = arith.constant 0 : i32
    %dma_wait3A_509 = tpu.memref_slice %arg9[%dma_wait3A_495, %dma_wait3A_507, %dma_wait3A_508] : memref<4x40x128xf32, #tpu.memory_space<vmem>> -> memref<1x40x128xf32, #tpu.memory_space<vmem>>
    %dma_wait3A_510 = tpu.memref_squeeze %dma_wait3A_509 : memref<1x40x128xf32, #tpu.memory_space<vmem>> -> memref<40x128xf32, #tpu.memory_space<vmem>>
    tpu.wait_dma2 semaphore(%dma_wait3A_504 : memref<!tpu.dma_semaphore, #tpu.memory_space<semaphore_mem>>) src(%dma_wait3A_510 : memref<40x128xf32, #tpu.memory_space<vmem>>) dst(%dma_wait3A_506 : memref<40x128xf32, #tpu.memory_space<vmem_shared>>)
    %dma_wait3A_511 = arith.constant 0 : i32
    %dma_wait3A_512 = arith.constant 0 : i32
    %dma_wait3A_513 = arith.constant 0 : i32
    %dma_wait3A_514 = arith.constant 0 : i32
    %dma_wait3A_515 = tpu.memref_slice %arg9[%dma_wait3A_511, %dma_wait3A_513, %dma_wait3A_514] : memref<4x40x128xf32, #tpu.memory_space<vmem>> -> memref<1x40x128xf32, #tpu.memory_space<vmem>>
    %dma_wait3A_516 = tpu.memref_squeeze %dma_wait3A_515 : memref<1x40x128xf32, #tpu.memory_space<vmem>> -> memref<40x128xf32, #tpu.memory_space<vmem>>
    %dma_wait3A_517 = arith.constant 0 : i32
    %dma_wait3A_518 = tpu.memref_slice %arg10[%add3A_126, %dma_wait3A_517] : memref<10112x128xf32, #tpu.memory_space<vmem_shared>> -> memref<40x128xf32, #tpu.memory_space<vmem_shared>>
    %dma_wait3A_519 = tpu.memref_slice %arg13[%dma_wait3A_512] : memref<4x!tpu.dma_semaphore, #tpu.memory_space<semaphore_mem>> -> memref<1x!tpu.dma_semaphore, #tpu.memory_space<semaphore_mem>>
    %dma_wait3A_520 = tpu.memref_squeeze %dma_wait3A_519 : memref<1x!tpu.dma_semaphore, #tpu.memory_space<semaphore_mem>> -> memref<!tpu.dma_semaphore, #tpu.memory_space<semaphore_mem>>
    %dma_wait3A_521 = arith.constant 0 : i32
    %dma_wait3A_522 = tpu.memref_slice %arg10[%add3A_126, %dma_wait3A_521] : memref<10112x128xf32, #tpu.memory_space<vmem_shared>> -> memref<40x128xf32, #tpu.memory_space<vmem_shared>>
    %dma_wait3A_523 = arith.constant 0 : i32
    %dma_wait3A_524 = arith.constant 0 : i32
    %dma_wait3A_525 = tpu.memref_slice %arg9[%dma_wait3A_511, %dma_wait3A_523, %dma_wait3A_524] : memref<4x40x128xf32, #tpu.memory_space<vmem>> -> memref<1x40x128xf32, #tpu.memory_space<vmem>>
    %dma_wait3A_526 = tpu.memref_squeeze %dma_wait3A_525 : memref<1x40x128xf32, #tpu.memory_space<vmem>> -> memref<40x128xf32, #tpu.memory_space<vmem>>
    tpu.wait_dma2 semaphore(%dma_wait3A_520 : memref<!tpu.dma_semaphore, #tpu.memory_space<semaphore_mem>>) src(%dma_wait3A_526 : memref<40x128xf32, #tpu.memory_space<vmem>>) dst(%dma_wait3A_522 : memref<40x128xf32, #tpu.memory_space<vmem_shared>>)
    %dma_wait3A_527 = arith.constant 0 : i32
    %dma_wait3A_528 = arith.constant 0 : i32
    %dma_wait3A_529 = arith.constant 0 : i32
    %dma_wait3A_530 = arith.constant 0 : i32
    %dma_wait3A_531 = tpu.memref_slice %arg9[%dma_wait3A_527, %dma_wait3A_529, %dma_wait3A_530] : memref<4x40x128xf32, #tpu.memory_space<vmem>> -> memref<1x40x128xf32, #tpu.memory_space<vmem>>
    %dma_wait3A_532 = tpu.memref_squeeze %dma_wait3A_531 : memref<1x40x128xf32, #tpu.memory_space<vmem>> -> memref<40x128xf32, #tpu.memory_space<vmem>>
    %dma_wait3A_533 = arith.constant 0 : i32
    %dma_wait3A_534 = tpu.memref_slice %arg10[%add3A_128, %dma_wait3A_533] : memref<10112x128xf32, #tpu.memory_space<vmem_shared>> -> memref<40x128xf32, #tpu.memory_space<vmem_shared>>
    %dma_wait3A_535 = tpu.memref_slice %arg13[%dma_wait3A_528] : memref<4x!tpu.dma_semaphore, #tpu.memory_space<semaphore_mem>> -> memref<1x!tpu.dma_semaphore, #tpu.memory_space<semaphore_mem>>
    %dma_wait3A_536 = tpu.memref_squeeze %dma_wait3A_535 : memref<1x!tpu.dma_semaphore, #tpu.memory_space<semaphore_mem>> -> memref<!tpu.dma_semaphore, #tpu.memory_space<semaphore_mem>>
    %dma_wait3A_537 = arith.constant 0 : i32
    %dma_wait3A_538 = tpu.memref_slice %arg10[%add3A_128, %dma_wait3A_537] : memref<10112x128xf32, #tpu.memory_space<vmem_shared>> -> memref<40x128xf32, #tpu.memory_space<vmem_shared>>
    %dma_wait3A_539 = arith.constant 0 : i32
    %dma_wait3A_540 = arith.constant 0 : i32
    %dma_wait3A_541 = tpu.memref_slice %arg9[%dma_wait3A_527, %dma_wait3A_539, %dma_wait3A_540] : memref<4x40x128xf32, #tpu.memory_space<vmem>> -> memref<1x40x128xf32, #tpu.memory_space<vmem>>
    %dma_wait3A_542 = tpu.memref_squeeze %dma_wait3A_541 : memref<1x40x128xf32, #tpu.memory_space<vmem>> -> memref<40x128xf32, #tpu.memory_space<vmem>>
    tpu.wait_dma2 semaphore(%dma_wait3A_536 : memref<!tpu.dma_semaphore, #tpu.memory_space<semaphore_mem>>) src(%dma_wait3A_542 : memref<40x128xf32, #tpu.memory_space<vmem>>) dst(%dma_wait3A_538 : memref<40x128xf32, #tpu.memory_space<vmem_shared>>)
    %dma_wait3A_543 = arith.constant 0 : i32
    %dma_wait3A_544 = arith.constant 0 : i32
    %dma_wait3A_545 = arith.constant 0 : i32
    %dma_wait3A_546 = arith.constant 0 : i32
    %dma_wait3A_547 = tpu.memref_slice %arg9[%dma_wait3A_543, %dma_wait3A_545, %dma_wait3A_546] : memref<4x40x128xf32, #tpu.memory_space<vmem>> -> memref<1x40x128xf32, #tpu.memory_space<vmem>>
    %dma_wait3A_548 = tpu.memref_squeeze %dma_wait3A_547 : memref<1x40x128xf32, #tpu.memory_space<vmem>> -> memref<40x128xf32, #tpu.memory_space<vmem>>
    %dma_wait3A_549 = arith.constant 0 : i32
    %dma_wait3A_550 = tpu.memref_slice %arg10[%add3A_130, %dma_wait3A_549] : memref<10112x128xf32, #tpu.memory_space<vmem_shared>> -> memref<40x128xf32, #tpu.memory_space<vmem_shared>>
    %dma_wait3A_551 = tpu.memref_slice %arg13[%dma_wait3A_544] : memref<4x!tpu.dma_semaphore, #tpu.memory_space<semaphore_mem>> -> memref<1x!tpu.dma_semaphore, #tpu.memory_space<semaphore_mem>>
    %dma_wait3A_552 = tpu.memref_squeeze %dma_wait3A_551 : memref<1x!tpu.dma_semaphore, #tpu.memory_space<semaphore_mem>> -> memref<!tpu.dma_semaphore, #tpu.memory_space<semaphore_mem>>
    %dma_wait3A_553 = arith.constant 0 : i32
    %dma_wait3A_554 = tpu.memref_slice %arg10[%add3A_130, %dma_wait3A_553] : memref<10112x128xf32, #tpu.memory_space<vmem_shared>> -> memref<40x128xf32, #tpu.memory_space<vmem_shared>>
    %dma_wait3A_555 = arith.constant 0 : i32
    %dma_wait3A_556 = arith.constant 0 : i32
    %dma_wait3A_557 = tpu.memref_slice %arg9[%dma_wait3A_543, %dma_wait3A_555, %dma_wait3A_556] : memref<4x40x128xf32, #tpu.memory_space<vmem>> -> memref<1x40x128xf32, #tpu.memory_space<vmem>>
    %dma_wait3A_558 = tpu.memref_squeeze %dma_wait3A_557 : memref<1x40x128xf32, #tpu.memory_space<vmem>> -> memref<40x128xf32, #tpu.memory_space<vmem>>
    tpu.wait_dma2 semaphore(%dma_wait3A_552 : memref<!tpu.dma_semaphore, #tpu.memory_space<semaphore_mem>>) src(%dma_wait3A_558 : memref<40x128xf32, #tpu.memory_space<vmem>>) dst(%dma_wait3A_554 : memref<40x128xf32, #tpu.memory_space<vmem_shared>>)
    %dma_wait3A_559 = arith.constant 0 : i32
    %dma_wait3A_560 = arith.constant 0 : i32
    %dma_wait3A_561 = arith.constant 0 : i32
    %dma_wait3A_562 = arith.constant 0 : i32
    %dma_wait3A_563 = tpu.memref_slice %arg9[%dma_wait3A_559, %dma_wait3A_561, %dma_wait3A_562] : memref<4x40x128xf32, #tpu.memory_space<vmem>> -> memref<1x40x128xf32, #tpu.memory_space<vmem>>
    %dma_wait3A_564 = tpu.memref_squeeze %dma_wait3A_563 : memref<1x40x128xf32, #tpu.memory_space<vmem>> -> memref<40x128xf32, #tpu.memory_space<vmem>>
    %dma_wait3A_565 = arith.constant 0 : i32
    %dma_wait3A_566 = tpu.memref_slice %arg10[%add3A_132, %dma_wait3A_565] : memref<10112x128xf32, #tpu.memory_space<vmem_shared>> -> memref<40x128xf32, #tpu.memory_space<vmem_shared>>
    %dma_wait3A_567 = tpu.memref_slice %arg13[%dma_wait3A_560] : memref<4x!tpu.dma_semaphore, #tpu.memory_space<semaphore_mem>> -> memref<1x!tpu.dma_semaphore, #tpu.memory_space<semaphore_mem>>
    %dma_wait3A_568 = tpu.memref_squeeze %dma_wait3A_567 : memref<1x!tpu.dma_semaphore, #tpu.memory_space<semaphore_mem>> -> memref<!tpu.dma_semaphore, #tpu.memory_space<semaphore_mem>>
    %dma_wait3A_569 = arith.constant 0 : i32
    %dma_wait3A_570 = tpu.memref_slice %arg10[%add3A_132, %dma_wait3A_569] : memref<10112x128xf32, #tpu.memory_space<vmem_shared>> -> memref<40x128xf32, #tpu.memory_space<vmem_shared>>
    %dma_wait3A_571 = arith.constant 0 : i32
    %dma_wait3A_572 = arith.constant 0 : i32
    %dma_wait3A_573 = tpu.memref_slice %arg9[%dma_wait3A_559, %dma_wait3A_571, %dma_wait3A_572] : memref<4x40x128xf32, #tpu.memory_space<vmem>> -> memref<1x40x128xf32, #tpu.memory_space<vmem>>
    %dma_wait3A_574 = tpu.memref_squeeze %dma_wait3A_573 : memref<1x40x128xf32, #tpu.memory_space<vmem>> -> memref<40x128xf32, #tpu.memory_space<vmem>>
    tpu.wait_dma2 semaphore(%dma_wait3A_568 : memref<!tpu.dma_semaphore, #tpu.memory_space<semaphore_mem>>) src(%dma_wait3A_574 : memref<40x128xf32, #tpu.memory_space<vmem>>) dst(%dma_wait3A_570 : memref<40x128xf32, #tpu.memory_space<vmem_shared>>)
    %dma_wait3A_575 = arith.constant 0 : i32
    %dma_wait3A_576 = arith.constant 0 : i32
    %dma_wait3A_577 = arith.constant 0 : i32
    %dma_wait3A_578 = arith.constant 0 : i32
    %dma_wait3A_579 = tpu.memref_slice %arg9[%dma_wait3A_575, %dma_wait3A_577, %dma_wait3A_578] : memref<4x40x128xf32, #tpu.memory_space<vmem>> -> memref<1x40x128xf32, #tpu.memory_space<vmem>>
    %dma_wait3A_580 = tpu.memref_squeeze %dma_wait3A_579 : memref<1x40x128xf32, #tpu.memory_space<vmem>> -> memref<40x128xf32, #tpu.memory_space<vmem>>
    %dma_wait3A_581 = arith.constant 0 : i32
    %dma_wait3A_582 = tpu.memref_slice %arg10[%add3A_134, %dma_wait3A_581] : memref<10112x128xf32, #tpu.memory_space<vmem_shared>> -> memref<40x128xf32, #tpu.memory_space<vmem_shared>>
    %dma_wait3A_583 = tpu.memref_slice %arg13[%dma_wait3A_576] : memref<4x!tpu.dma_semaphore, #tpu.memory_space<semaphore_mem>> -> memref<1x!tpu.dma_semaphore, #tpu.memory_space<semaphore_mem>>
    %dma_wait3A_584 = tpu.memref_squeeze %dma_wait3A_583 : memref<1x!tpu.dma_semaphore, #tpu.memory_space<semaphore_mem>> -> memref<!tpu.dma_semaphore, #tpu.memory_space<semaphore_mem>>
    %dma_wait3A_585 = arith.constant 0 : i32
    %dma_wait3A_586 = tpu.memref_slice %arg10[%add3A_134, %dma_wait3A_585] : memref<10112x128xf32, #tpu.memory_space<vmem_shared>> -> memref<40x128xf32, #tpu.memory_space<vmem_shared>>
    %dma_wait3A_587 = arith.constant 0 : i32
    %dma_wait3A_588 = arith.constant 0 : i32
    %dma_wait3A_589 = tpu.memref_slice %arg9[%dma_wait3A_575, %dma_wait3A_587, %dma_wait3A_588] : memref<4x40x128xf32, #tpu.memory_space<vmem>> -> memref<1x40x128xf32, #tpu.memory_space<vmem>>
    %dma_wait3A_590 = tpu.memref_squeeze %dma_wait3A_589 : memref<1x40x128xf32, #tpu.memory_space<vmem>> -> memref<40x128xf32, #tpu.memory_space<vmem>>
    tpu.wait_dma2 semaphore(%dma_wait3A_584 : memref<!tpu.dma_semaphore, #tpu.memory_space<semaphore_mem>>) src(%dma_wait3A_590 : memref<40x128xf32, #tpu.memory_space<vmem>>) dst(%dma_wait3A_586 : memref<40x128xf32, #tpu.memory_space<vmem_shared>>)
    %dma_wait3A_591 = arith.constant 0 : i32
    %dma_wait3A_592 = arith.constant 0 : i32
    %dma_wait3A_593 = arith.constant 0 : i32
    %dma_wait3A_594 = arith.constant 0 : i32
    %dma_wait3A_595 = tpu.memref_slice %arg9[%dma_wait3A_591, %dma_wait3A_593, %dma_wait3A_594] : memref<4x40x128xf32, #tpu.memory_space<vmem>> -> memref<1x40x128xf32, #tpu.memory_space<vmem>>
    %dma_wait3A_596 = tpu.memref_squeeze %dma_wait3A_595 : memref<1x40x128xf32, #tpu.memory_space<vmem>> -> memref<40x128xf32, #tpu.memory_space<vmem>>
    %dma_wait3A_597 = arith.constant 0 : i32
    %dma_wait3A_598 = tpu.memref_slice %arg10[%add3A_136, %dma_wait3A_597] : memref<10112x128xf32, #tpu.memory_space<vmem_shared>> -> memref<40x128xf32, #tpu.memory_space<vmem_shared>>
    %dma_wait3A_599 = tpu.memref_slice %arg13[%dma_wait3A_592] : memref<4x!tpu.dma_semaphore, #tpu.memory_space<semaphore_mem>> -> memref<1x!tpu.dma_semaphore, #tpu.memory_space<semaphore_mem>>
    %dma_wait3A_600 = tpu.memref_squeeze %dma_wait3A_599 : memref<1x!tpu.dma_semaphore, #tpu.memory_space<semaphore_mem>> -> memref<!tpu.dma_semaphore, #tpu.memory_space<semaphore_mem>>
    %dma_wait3A_601 = arith.constant 0 : i32
    %dma_wait3A_602 = tpu.memref_slice %arg10[%add3A_136, %dma_wait3A_601] : memref<10112x128xf32, #tpu.memory_space<vmem_shared>> -> memref<40x128xf32, #tpu.memory_space<vmem_shared>>
    %dma_wait3A_603 = arith.constant 0 : i32
    %dma_wait3A_604 = arith.constant 0 : i32
    %dma_wait3A_605 = tpu.memref_slice %arg9[%dma_wait3A_591, %dma_wait3A_603, %dma_wait3A_604] : memref<4x40x128xf32, #tpu.memory_space<vmem>> -> memref<1x40x128xf32, #tpu.memory_space<vmem>>
    %dma_wait3A_606 = tpu.memref_squeeze %dma_wait3A_605 : memref<1x40x128xf32, #tpu.memory_space<vmem>> -> memref<40x128xf32, #tpu.memory_space<vmem>>
    tpu.wait_dma2 semaphore(%dma_wait3A_600 : memref<!tpu.dma_semaphore, #tpu.memory_space<semaphore_mem>>) src(%dma_wait3A_606 : memref<40x128xf32, #tpu.memory_space<vmem>>) dst(%dma_wait3A_602 : memref<40x128xf32, #tpu.memory_space<vmem_shared>>)
    %dma_wait3A_607 = arith.constant 0 : i32
    %dma_wait3A_608 = arith.constant 0 : i32
    %dma_wait3A_609 = arith.constant 0 : i32
    %dma_wait3A_610 = arith.constant 0 : i32
    %dma_wait3A_611 = tpu.memref_slice %arg9[%dma_wait3A_607, %dma_wait3A_609, %dma_wait3A_610] : memref<4x40x128xf32, #tpu.memory_space<vmem>> -> memref<1x40x128xf32, #tpu.memory_space<vmem>>
    %dma_wait3A_612 = tpu.memref_squeeze %dma_wait3A_611 : memref<1x40x128xf32, #tpu.memory_space<vmem>> -> memref<40x128xf32, #tpu.memory_space<vmem>>
    %dma_wait3A_613 = arith.constant 0 : i32
    %dma_wait3A_614 = tpu.memref_slice %arg10[%add3A_138, %dma_wait3A_613] : memref<10112x128xf32, #tpu.memory_space<vmem_shared>> -> memref<40x128xf32, #tpu.memory_space<vmem_shared>>
    %dma_wait3A_615 = tpu.memref_slice %arg13[%dma_wait3A_608] : memref<4x!tpu.dma_semaphore, #tpu.memory_space<semaphore_mem>> -> memref<1x!tpu.dma_semaphore, #tpu.memory_space<semaphore_mem>>
    %dma_wait3A_616 = tpu.memref_squeeze %dma_wait3A_615 : memref<1x!tpu.dma_semaphore, #tpu.memory_space<semaphore_mem>> -> memref<!tpu.dma_semaphore, #tpu.memory_space<semaphore_mem>>
    %dma_wait3A_617 = arith.constant 0 : i32
    %dma_wait3A_618 = tpu.memref_slice %arg10[%add3A_138, %dma_wait3A_617] : memref<10112x128xf32, #tpu.memory_space<vmem_shared>> -> memref<40x128xf32, #tpu.memory_space<vmem_shared>>
    %dma_wait3A_619 = arith.constant 0 : i32
    %dma_wait3A_620 = arith.constant 0 : i32
    %dma_wait3A_621 = tpu.memref_slice %arg9[%dma_wait3A_607, %dma_wait3A_619, %dma_wait3A_620] : memref<4x40x128xf32, #tpu.memory_space<vmem>> -> memref<1x40x128xf32, #tpu.memory_space<vmem>>
    %dma_wait3A_622 = tpu.memref_squeeze %dma_wait3A_621 : memref<1x40x128xf32, #tpu.memory_space<vmem>> -> memref<40x128xf32, #tpu.memory_space<vmem>>
    tpu.wait_dma2 semaphore(%dma_wait3A_616 : memref<!tpu.dma_semaphore, #tpu.memory_space<semaphore_mem>>) src(%dma_wait3A_622 : memref<40x128xf32, #tpu.memory_space<vmem>>) dst(%dma_wait3A_618 : memref<40x128xf32, #tpu.memory_space<vmem_shared>>)
    %dma_wait3A_623 = arith.constant 0 : i32
    %dma_wait3A_624 = arith.constant 0 : i32
    %dma_wait3A_625 = arith.constant 0 : i32
    %dma_wait3A_626 = arith.constant 0 : i32
    %dma_wait3A_627 = tpu.memref_slice %arg9[%dma_wait3A_623, %dma_wait3A_625, %dma_wait3A_626] : memref<4x40x128xf32, #tpu.memory_space<vmem>> -> memref<1x40x128xf32, #tpu.memory_space<vmem>>
    %dma_wait3A_628 = tpu.memref_squeeze %dma_wait3A_627 : memref<1x40x128xf32, #tpu.memory_space<vmem>> -> memref<40x128xf32, #tpu.memory_space<vmem>>
    %dma_wait3A_629 = arith.constant 0 : i32
    %dma_wait3A_630 = tpu.memref_slice %arg10[%add3A_140, %dma_wait3A_629] : memref<10112x128xf32, #tpu.memory_space<vmem_shared>> -> memref<40x128xf32, #tpu.memory_space<vmem_shared>>
    %dma_wait3A_631 = tpu.memref_slice %arg13[%dma_wait3A_624] : memref<4x!tpu.dma_semaphore, #tpu.memory_space<semaphore_mem>> -> memref<1x!tpu.dma_semaphore, #tpu.memory_space<semaphore_mem>>
    %dma_wait3A_632 = tpu.memref_squeeze %dma_wait3A_631 : memref<1x!tpu.dma_semaphore, #tpu.memory_space<semaphore_mem>> -> memref<!tpu.dma_semaphore, #tpu.memory_space<semaphore_mem>>
    %dma_wait3A_633 = arith.constant 0 : i32
    %dma_wait3A_634 = tpu.memref_slice %arg10[%add3A_140, %dma_wait3A_633] : memref<10112x128xf32, #tpu.memory_space<vmem_shared>> -> memref<40x128xf32, #tpu.memory_space<vmem_shared>>
    %dma_wait3A_635 = arith.constant 0 : i32
    %dma_wait3A_636 = arith.constant 0 : i32
    %dma_wait3A_637 = tpu.memref_slice %arg9[%dma_wait3A_623, %dma_wait3A_635, %dma_wait3A_636] : memref<4x40x128xf32, #tpu.memory_space<vmem>> -> memref<1x40x128xf32, #tpu.memory_space<vmem>>
    %dma_wait3A_638 = tpu.memref_squeeze %dma_wait3A_637 : memref<1x40x128xf32, #tpu.memory_space<vmem>> -> memref<40x128xf32, #tpu.memory_space<vmem>>
    tpu.wait_dma2 semaphore(%dma_wait3A_632 : memref<!tpu.dma_semaphore, #tpu.memory_space<semaphore_mem>>) src(%dma_wait3A_638 : memref<40x128xf32, #tpu.memory_space<vmem>>) dst(%dma_wait3A_634 : memref<40x128xf32, #tpu.memory_space<vmem_shared>>)
    %dma_wait3A_639 = arith.constant 0 : i32
    %dma_wait3A_640 = arith.constant 0 : i32
    %dma_wait3A_641 = arith.constant 0 : i32
    %dma_wait3A_642 = arith.constant 0 : i32
    %dma_wait3A_643 = tpu.memref_slice %arg9[%dma_wait3A_639, %dma_wait3A_641, %dma_wait3A_642] : memref<4x40x128xf32, #tpu.memory_space<vmem>> -> memref<1x32x128xf32, #tpu.memory_space<vmem>>
    %dma_wait3A_644 = tpu.memref_squeeze %dma_wait3A_643 : memref<1x32x128xf32, #tpu.memory_space<vmem>> -> memref<32x128xf32, #tpu.memory_space<vmem>>
    %dma_wait3A_645 = arith.constant 0 : i32
    %dma_wait3A_646 = tpu.memref_slice %arg10[%sub3A_143, %dma_wait3A_645] : memref<10112x128xf32, #tpu.memory_space<vmem_shared>> -> memref<32x128xf32, #tpu.memory_space<vmem_shared>>
    %dma_wait3A_647 = tpu.memref_slice %arg13[%dma_wait3A_640] : memref<4x!tpu.dma_semaphore, #tpu.memory_space<semaphore_mem>> -> memref<1x!tpu.dma_semaphore, #tpu.memory_space<semaphore_mem>>
    %dma_wait3A_648 = tpu.memref_squeeze %dma_wait3A_647 : memref<1x!tpu.dma_semaphore, #tpu.memory_space<semaphore_mem>> -> memref<!tpu.dma_semaphore, #tpu.memory_space<semaphore_mem>>
    %dma_wait3A_649 = arith.constant 0 : i32
    %dma_wait3A_650 = tpu.memref_slice %arg10[%sub3A_143, %dma_wait3A_649] : memref<10112x128xf32, #tpu.memory_space<vmem_shared>> -> memref<32x128xf32, #tpu.memory_space<vmem_shared>>
    %dma_wait3A_651 = arith.constant 0 : i32
    %dma_wait3A_652 = arith.constant 0 : i32
    %dma_wait3A_653 = tpu.memref_slice %arg9[%dma_wait3A_639, %dma_wait3A_651, %dma_wait3A_652] : memref<4x40x128xf32, #tpu.memory_space<vmem>> -> memref<1x32x128xf32, #tpu.memory_space<vmem>>
    %dma_wait3A_654 = tpu.memref_squeeze %dma_wait3A_653 : memref<1x32x128xf32, #tpu.memory_space<vmem>> -> memref<32x128xf32, #tpu.memory_space<vmem>>
    tpu.wait_dma2 semaphore(%dma_wait3A_648 : memref<!tpu.dma_semaphore, #tpu.memory_space<semaphore_mem>>) src(%dma_wait3A_654 : memref<32x128xf32, #tpu.memory_space<vmem>>) dst(%dma_wait3A_650 : memref<32x128xf32, #tpu.memory_space<vmem_shared>>)
    %barrier3A = arith.constant 0 : index
    tpu.barrier barrier_id(%barrier3A)
    %scan3A = arith.constant 0 : i32
    %scan3A_655 = arith.constant 0 : i32
    %scan3A_656 = arith.constant 254 : i32
    %scan3A_657 = arith.addi %scan3A_655, %scan3A_656 : i32
    %scan3A_658 = arith.constant 1 : i32
    scf.for %scan3A_664 = %scan3A_655 to %scan3A_657 step %scan3A_658  : i32 {
      %ge3A = arith.constant 4 : i32
      %ge3A_665 = arith.cmpi sge, %scan3A_664, %ge3A : i32
      %convert_element_type3A = arith.extui %ge3A_665 : i1 to i32
      %cond3A = arith.constant 0 : i32
      %cond3A_666 = arith.cmpi ne, %convert_element_type3A, %cond3A : i32
      scf.if %cond3A_666 {
        %sub3A_685 = arith.constant 4 : i32
        %sub3A_686 = arith.subi %scan3A_664, %sub3A_685 : i32
        %rem3A_687 = arith.constant 8 : i32
        %rem3A_688 = arith.remsi %sub3A_686, %rem3A_687 : i32
        %rem3A_689 = arith.constant 4 : i32
        %rem3A_690 = arith.remsi %sub3A_686, %rem3A_689 : i32
        %dma_wait3A_691 = arith.constant 0 : i32
        %dma_wait3A_692 = arith.constant 0 : i32
        %dma_wait3A_693 = tpu.memref_slice %arg9[%rem3A_690, %dma_wait3A_691, %dma_wait3A_692] : memref<4x40x128xf32, #tpu.memory_space<vmem>> -> memref<1x40x128xf32, #tpu.memory_space<vmem>>
        %dma_wait3A_694 = tpu.memref_squeeze %dma_wait3A_693 : memref<1x40x128xf32, #tpu.memory_space<vmem>> -> memref<40x128xf32, #tpu.memory_space<vmem>>
        %dma_wait3A_695 = arith.constant 0 : i32
        %dma_wait3A_696 = tpu.memref_slice %arg8[%rem3A_688, %dma_wait3A_695] : memref<8x40xi32, #tpu.memory_space<vmem>> -> memref<1x40xi32, #tpu.memory_space<vmem>>
        %dma_wait3A_697 = tpu.memref_squeeze %dma_wait3A_696 : memref<1x40xi32, #tpu.memory_space<vmem>> -> memref<40xi32, #tpu.memory_space<vmem>>
        %dma_wait3A_698 = arith.constant 0 : i32
        %dma_wait3A_699 = arith.constant 0 : i32
        %dma_wait3A_700 = tpu.memref_slice %arg10[%dma_wait3A_698, %dma_wait3A_699] : memref<10112x128xf32, #tpu.memory_space<vmem_shared>> -> memref<10112x128xf32, #tpu.memory_space<vmem_shared>>
        %dma_wait3A_701 = tpu.memref_slice %arg13[%rem3A_690] : memref<4x!tpu.dma_semaphore, #tpu.memory_space<semaphore_mem>> -> memref<1x!tpu.dma_semaphore, #tpu.memory_space<semaphore_mem>>
        %dma_wait3A_702 = tpu.memref_squeeze %dma_wait3A_701 : memref<1x!tpu.dma_semaphore, #tpu.memory_space<semaphore_mem>> -> memref<!tpu.dma_semaphore, #tpu.memory_space<semaphore_mem>>
        tpu.wait_indirect_dma semaphore(%dma_wait3A_702 : memref<!tpu.dma_semaphore, #tpu.memory_space<semaphore_mem>>) src(%dma_wait3A_694 : memref<40x128xf32, #tpu.memory_space<vmem>>) dst(%dma_wait3A_700 : memref<10112x128xf32, #tpu.memory_space<vmem_shared>>)
      } else {
      }
      %add3A_667 = arith.constant 4 : i32
      %add3A_668 = arith.addi %scan3A_664, %add3A_667 : i32
      %lt3A = arith.constant 250 : i32
      %lt3A_669 = arith.cmpi slt, %add3A_668, %lt3A : i32
      %convert_element_type3A_670 = arith.extui %lt3A_669 : i1 to i32
      %cond3A_671 = arith.constant 0 : i32
      %cond3A_672 = arith.cmpi ne, %convert_element_type3A_670, %cond3A_671 : i32
      scf.if %cond3A_672 {
        %add3A_685 = arith.constant 4 : i32
        %add3A_686 = arith.addi %scan3A_664, %add3A_685 : i32
        %rem3A_687 = arith.constant 8 : i32
        %rem3A_688 = arith.remsi %add3A_686, %rem3A_687 : i32
        %mul3A_689 = arith.constant 40 : i32
        %mul3A_690 = arith.muli %add3A_686, %mul3A_689 : i32
        %add3A_691 = arith.addi %mul3A_4, %mul3A_690 : i32
        %mul3A_692 = arith.constant 40 : i32
        %mul3A_693 = arith.muli %add3A_686, %mul3A_692 : i32
        %add3A_694 = arith.addi %mul3A_4, %mul3A_693 : i32
        %dma_start3A_695 = arith.constant 0 : i32
        %dma_start3A_696 = tpu.memref_slice %arg7[%rem3A_688, %dma_start3A_695] : memref<8x40xi32, #tpu.memory_space<vmem>> -> memref<1x40xi32, #tpu.memory_space<vmem>>
        %dma_start3A_697 = tpu.memref_squeeze %dma_start3A_696 : memref<1x40xi32, #tpu.memory_space<vmem>> -> memref<40xi32, #tpu.memory_space<vmem>>
        %dma_start3A_698 = tpu.memref_slice %arg3[%add3A_691] : memref<320000xi32, #tpu.memory_space<hbm>> -> memref<40xi32, #tpu.memory_space<hbm>>
        %dma_start3A_699 = tpu.memref_slice %arg11[%rem3A_688] : memref<8x!tpu.dma_semaphore, #tpu.memory_space<semaphore_mem>> -> memref<1x!tpu.dma_semaphore, #tpu.memory_space<semaphore_mem>>
        %dma_start3A_700 = tpu.memref_squeeze %dma_start3A_699 : memref<1x!tpu.dma_semaphore, #tpu.memory_space<semaphore_mem>> -> memref<!tpu.dma_semaphore, #tpu.memory_space<semaphore_mem>>
        %dma_start3A_701 = arith.constant 0 : i32
        %dma_start3A_702 = tpu.memref_slice %arg7[%rem3A_688, %dma_start3A_701] : memref<8x40xi32, #tpu.memory_space<vmem>> -> memref<1x40xi32, #tpu.memory_space<vmem>>
        %dma_start3A_703 = tpu.memref_squeeze %dma_start3A_702 : memref<1x40xi32, #tpu.memory_space<vmem>> -> memref<40xi32, #tpu.memory_space<vmem>>
        %dma_start3A_704 = tpu.memref_slice %arg3[%add3A_691] : memref<320000xi32, #tpu.memory_space<hbm>> -> memref<40xi32, #tpu.memory_space<hbm>>
        tpu.enqueue_dma source(%dma_start3A_704 : memref<40xi32, #tpu.memory_space<hbm>>) target(%dma_start3A_703 : memref<40xi32, #tpu.memory_space<vmem>>) target_semaphore(%dma_start3A_700 : memref<!tpu.dma_semaphore, #tpu.memory_space<semaphore_mem>>)
        %dma_start3A_705 = arith.constant 0 : i32
        %dma_start3A_706 = tpu.memref_slice %arg8[%rem3A_688, %dma_start3A_705] : memref<8x40xi32, #tpu.memory_space<vmem>> -> memref<1x40xi32, #tpu.memory_space<vmem>>
        %dma_start3A_707 = tpu.memref_squeeze %dma_start3A_706 : memref<1x40xi32, #tpu.memory_space<vmem>> -> memref<40xi32, #tpu.memory_space<vmem>>
        %dma_start3A_708 = tpu.memref_slice %arg4[%add3A_694] : memref<320000xi32, #tpu.memory_space<hbm>> -> memref<40xi32, #tpu.memory_space<hbm>>
        %dma_start3A_709 = tpu.memref_slice %arg11[%rem3A_688] : memref<8x!tpu.dma_semaphore, #tpu.memory_space<semaphore_mem>> -> memref<1x!tpu.dma_semaphore, #tpu.memory_space<semaphore_mem>>
        %dma_start3A_710 = tpu.memref_squeeze %dma_start3A_709 : memref<1x!tpu.dma_semaphore, #tpu.memory_space<semaphore_mem>> -> memref<!tpu.dma_semaphore, #tpu.memory_space<semaphore_mem>>
        %dma_start3A_711 = arith.constant 0 : i32
        %dma_start3A_712 = tpu.memref_slice %arg8[%rem3A_688, %dma_start3A_711] : memref<8x40xi32, #tpu.memory_space<vmem>> -> memref<1x40xi32, #tpu.memory_space<vmem>>
        %dma_start3A_713 = tpu.memref_squeeze %dma_start3A_712 : memref<1x40xi32, #tpu.memory_space<vmem>> -> memref<40xi32, #tpu.memory_space<vmem>>
        %dma_start3A_714 = tpu.memref_slice %arg4[%add3A_694] : memref<320000xi32, #tpu.memory_space<hbm>> -> memref<40xi32, #tpu.memory_space<hbm>>
        tpu.enqueue_dma source(%dma_start3A_714 : memref<40xi32, #tpu.memory_space<hbm>>) target(%dma_start3A_713 : memref<40xi32, #tpu.memory_space<vmem>>) target_semaphore(%dma_start3A_710 : memref<!tpu.dma_semaphore, #tpu.memory_space<semaphore_mem>>)
      } else {
      }
      %lt3A_673 = arith.constant 250 : i32
      %lt3A_674 = arith.cmpi slt, %scan3A_664, %lt3A_673 : i32
      %convert_element_type3A_675 = arith.extui %lt3A_674 : i1 to i32
      %cond3A_676 = arith.constant 0 : i32
      %cond3A_677 = arith.cmpi ne, %convert_element_type3A_675, %cond3A_676 : i32
      scf.if %cond3A_677 {
        %rem3A_685 = arith.constant 8 : i32
        %rem3A_686 = arith.remsi %scan3A_664, %rem3A_685 : i32
        %mul3A_687 = arith.constant 40 : i32
        %mul3A_688 = arith.muli %scan3A_664, %mul3A_687 : i32
        %add3A_689 = arith.addi %mul3A_4, %mul3A_688 : i32
        %mul3A_690 = arith.constant 40 : i32
        %mul3A_691 = arith.muli %scan3A_664, %mul3A_690 : i32
        %add3A_692 = arith.addi %mul3A_4, %mul3A_691 : i32
        %dma_wait3A_693 = arith.constant 0 : i32
        %dma_wait3A_694 = tpu.memref_slice %arg7[%rem3A_686, %dma_wait3A_693] : memref<8x40xi32, #tpu.memory_space<vmem>> -> memref<1x40xi32, #tpu.memory_space<vmem>>
        %dma_wait3A_695 = tpu.memref_squeeze %dma_wait3A_694 : memref<1x40xi32, #tpu.memory_space<vmem>> -> memref<40xi32, #tpu.memory_space<vmem>>
        %dma_wait3A_696 = tpu.memref_slice %arg3[%add3A_689] : memref<320000xi32, #tpu.memory_space<hbm>> -> memref<40xi32, #tpu.memory_space<hbm>>
        %dma_wait3A_697 = tpu.memref_slice %arg11[%rem3A_686] : memref<8x!tpu.dma_semaphore, #tpu.memory_space<semaphore_mem>> -> memref<1x!tpu.dma_semaphore, #tpu.memory_space<semaphore_mem>>
        %dma_wait3A_698 = tpu.memref_squeeze %dma_wait3A_697 : memref<1x!tpu.dma_semaphore, #tpu.memory_space<semaphore_mem>> -> memref<!tpu.dma_semaphore, #tpu.memory_space<semaphore_mem>>
        %dma_wait3A_699 = arith.constant 0 : i32
        %dma_wait3A_700 = tpu.memref_slice %arg7[%rem3A_686, %dma_wait3A_699] : memref<8x40xi32, #tpu.memory_space<vmem>> -> memref<1x40xi32, #tpu.memory_space<vmem>>
        %dma_wait3A_701 = tpu.memref_squeeze %dma_wait3A_700 : memref<1x40xi32, #tpu.memory_space<vmem>> -> memref<40xi32, #tpu.memory_space<vmem>>
        %dma_wait3A_702 = tpu.memref_slice %arg3[%add3A_689] : memref<320000xi32, #tpu.memory_space<hbm>> -> memref<40xi32, #tpu.memory_space<hbm>>
        tpu.wait_dma2 semaphore(%dma_wait3A_698 : memref<!tpu.dma_semaphore, #tpu.memory_space<semaphore_mem>>) src(%dma_wait3A_702 : memref<40xi32, #tpu.memory_space<hbm>>) dst(%dma_wait3A_701 : memref<40xi32, #tpu.memory_space<vmem>>)
        %dma_wait3A_703 = arith.constant 0 : i32
        %dma_wait3A_704 = tpu.memref_slice %arg8[%rem3A_686, %dma_wait3A_703] : memref<8x40xi32, #tpu.memory_space<vmem>> -> memref<1x40xi32, #tpu.memory_space<vmem>>
        %dma_wait3A_705 = tpu.memref_squeeze %dma_wait3A_704 : memref<1x40xi32, #tpu.memory_space<vmem>> -> memref<40xi32, #tpu.memory_space<vmem>>
        %dma_wait3A_706 = tpu.memref_slice %arg4[%add3A_692] : memref<320000xi32, #tpu.memory_space<hbm>> -> memref<40xi32, #tpu.memory_space<hbm>>
        %dma_wait3A_707 = tpu.memref_slice %arg11[%rem3A_686] : memref<8x!tpu.dma_semaphore, #tpu.memory_space<semaphore_mem>> -> memref<1x!tpu.dma_semaphore, #tpu.memory_space<semaphore_mem>>
        %dma_wait3A_708 = tpu.memref_squeeze %dma_wait3A_707 : memref<1x!tpu.dma_semaphore, #tpu.memory_space<semaphore_mem>> -> memref<!tpu.dma_semaphore, #tpu.memory_space<semaphore_mem>>
        %dma_wait3A_709 = arith.constant 0 : i32
        %dma_wait3A_710 = tpu.memref_slice %arg8[%rem3A_686, %dma_wait3A_709] : memref<8x40xi32, #tpu.memory_space<vmem>> -> memref<1x40xi32, #tpu.memory_space<vmem>>
        %dma_wait3A_711 = tpu.memref_squeeze %dma_wait3A_710 : memref<1x40xi32, #tpu.memory_space<vmem>> -> memref<40xi32, #tpu.memory_space<vmem>>
        %dma_wait3A_712 = tpu.memref_slice %arg4[%add3A_692] : memref<320000xi32, #tpu.memory_space<hbm>> -> memref<40xi32, #tpu.memory_space<hbm>>
        tpu.wait_dma2 semaphore(%dma_wait3A_708 : memref<!tpu.dma_semaphore, #tpu.memory_space<semaphore_mem>>) src(%dma_wait3A_712 : memref<40xi32, #tpu.memory_space<hbm>>) dst(%dma_wait3A_711 : memref<40xi32, #tpu.memory_space<vmem>>)
        %rem3A_713 = arith.constant 8 : i32
        %rem3A_714 = arith.remsi %scan3A_664, %rem3A_713 : i32
        %rem3A_715 = arith.constant 4 : i32
        %rem3A_716 = arith.remsi %scan3A_664, %rem3A_715 : i32
        %dma_start3A_717 = arith.constant 0 : i32
        %dma_start3A_718 = arith.constant 0 : i32
        %dma_start3A_719 = tpu.memref_slice %arg9[%rem3A_716, %dma_start3A_717, %dma_start3A_718] : memref<4x40x128xf32, #tpu.memory_space<vmem>> -> memref<1x40x128xf32, #tpu.memory_space<vmem>>
        %dma_start3A_720 = tpu.memref_squeeze %dma_start3A_719 : memref<1x40x128xf32, #tpu.memory_space<vmem>> -> memref<40x128xf32, #tpu.memory_space<vmem>>
        %dma_start3A_721 = arith.constant 0 : i32
        %dma_start3A_722 = tpu.memref_slice %arg7[%rem3A_714, %dma_start3A_721] : memref<8x40xi32, #tpu.memory_space<vmem>> -> memref<1x40xi32, #tpu.memory_space<vmem>>
        %dma_start3A_723 = tpu.memref_squeeze %dma_start3A_722 : memref<1x40xi32, #tpu.memory_space<vmem>> -> memref<40xi32, #tpu.memory_space<vmem>>
        %dma_start3A_724 = arith.constant 0 : i32
        %dma_start3A_725 = arith.constant 0 : i32
        %dma_start3A_726 = tpu.memref_slice %arg2[%dma_start3A_724, %dma_start3A_725] : memref<10000x128xf32, #tpu.memory_space<hbm>> -> memref<10000x128xf32, #tpu.memory_space<hbm>>
        %dma_start3A_727 = tpu.memref_slice %arg12[%rem3A_716] : memref<4x!tpu.dma_semaphore, #tpu.memory_space<semaphore_mem>> -> memref<1x!tpu.dma_semaphore, #tpu.memory_space<semaphore_mem>>
        %dma_start3A_728 = tpu.memref_squeeze %dma_start3A_727 : memref<1x!tpu.dma_semaphore, #tpu.memory_space<semaphore_mem>> -> memref<!tpu.dma_semaphore, #tpu.memory_space<semaphore_mem>>
        tpu.enqueue_indirect_dma source(%dma_start3A_726 : memref<10000x128xf32, #tpu.memory_space<hbm>>) target(%dma_start3A_720 : memref<40x128xf32, #tpu.memory_space<vmem>>) offsets(%dma_start3A_723 : memref<40xi32, #tpu.memory_space<vmem>>) semaphore(%dma_start3A_728 : memref<!tpu.dma_semaphore, #tpu.memory_space<semaphore_mem>>)
      } else {
      }
      %ge3A_678 = arith.constant 3 : i32
      %ge3A_679 = arith.cmpi sge, %scan3A_664, %ge3A_678 : i32
      %lt3A_680 = arith.constant 253 : i32
      %lt3A_681 = arith.cmpi slt, %scan3A_664, %lt3A_680 : i32
      %and3A = arith.andi %ge3A_679, %lt3A_681 : i1
      %convert_element_type3A_682 = arith.extui %and3A : i1 to i32
      %cond3A_683 = arith.constant 0 : i32
      %cond3A_684 = arith.cmpi ne, %convert_element_type3A_682, %cond3A_683 : i32
      scf.if %cond3A_684 {
        %sub3A_685 = arith.constant 3 : i32
        %sub3A_686 = arith.subi %scan3A_664, %sub3A_685 : i32
        %rem3A_687 = arith.constant 8 : i32
        %rem3A_688 = arith.remsi %sub3A_686, %rem3A_687 : i32
        %rem3A_689 = arith.constant 4 : i32
        %rem3A_690 = arith.remsi %sub3A_686, %rem3A_689 : i32
        %dma_wait3A_691 = arith.constant 0 : i32
        %dma_wait3A_692 = arith.constant 0 : i32
        %dma_wait3A_693 = tpu.memref_slice %arg9[%rem3A_690, %dma_wait3A_691, %dma_wait3A_692] : memref<4x40x128xf32, #tpu.memory_space<vmem>> -> memref<1x40x128xf32, #tpu.memory_space<vmem>>
        %dma_wait3A_694 = tpu.memref_squeeze %dma_wait3A_693 : memref<1x40x128xf32, #tpu.memory_space<vmem>> -> memref<40x128xf32, #tpu.memory_space<vmem>>
        %dma_wait3A_695 = arith.constant 0 : i32
        %dma_wait3A_696 = tpu.memref_slice %arg7[%rem3A_688, %dma_wait3A_695] : memref<8x40xi32, #tpu.memory_space<vmem>> -> memref<1x40xi32, #tpu.memory_space<vmem>>
        %dma_wait3A_697 = tpu.memref_squeeze %dma_wait3A_696 : memref<1x40xi32, #tpu.memory_space<vmem>> -> memref<40xi32, #tpu.memory_space<vmem>>
        %dma_wait3A_698 = arith.constant 0 : i32
        %dma_wait3A_699 = arith.constant 0 : i32
        %dma_wait3A_700 = tpu.memref_slice %arg2[%dma_wait3A_698, %dma_wait3A_699] : memref<10000x128xf32, #tpu.memory_space<hbm>> -> memref<10000x128xf32, #tpu.memory_space<hbm>>
        %dma_wait3A_701 = tpu.memref_slice %arg12[%rem3A_690] : memref<4x!tpu.dma_semaphore, #tpu.memory_space<semaphore_mem>> -> memref<1x!tpu.dma_semaphore, #tpu.memory_space<semaphore_mem>>
        %dma_wait3A_702 = tpu.memref_squeeze %dma_wait3A_701 : memref<1x!tpu.dma_semaphore, #tpu.memory_space<semaphore_mem>> -> memref<!tpu.dma_semaphore, #tpu.memory_space<semaphore_mem>>
        tpu.wait_indirect_dma semaphore(%dma_wait3A_702 : memref<!tpu.dma_semaphore, #tpu.memory_space<semaphore_mem>>) src(%dma_wait3A_700 : memref<10000x128xf32, #tpu.memory_space<hbm>>) dst(%dma_wait3A_694 : memref<40x128xf32, #tpu.memory_space<vmem>>)
        %sub3A_703 = arith.constant 3 : i32
        %sub3A_704 = arith.subi %scan3A_664, %sub3A_703 : i32
        %rem3A_705 = arith.constant 8 : i32
        %rem3A_706 = arith.remsi %sub3A_704, %rem3A_705 : i32
        %rem3A_707 = arith.constant 4 : i32
        %rem3A_708 = arith.remsi %sub3A_704, %rem3A_707 : i32
        %dma_start3A_709 = arith.constant 0 : i32
        %dma_start3A_710 = arith.constant 0 : i32
        %dma_start3A_711 = tpu.memref_slice %arg9[%rem3A_708, %dma_start3A_709, %dma_start3A_710] : memref<4x40x128xf32, #tpu.memory_space<vmem>> -> memref<1x40x128xf32, #tpu.memory_space<vmem>>
        %dma_start3A_712 = tpu.memref_squeeze %dma_start3A_711 : memref<1x40x128xf32, #tpu.memory_space<vmem>> -> memref<40x128xf32, #tpu.memory_space<vmem>>
        %dma_start3A_713 = arith.constant 0 : i32
        %dma_start3A_714 = tpu.memref_slice %arg8[%rem3A_706, %dma_start3A_713] : memref<8x40xi32, #tpu.memory_space<vmem>> -> memref<1x40xi32, #tpu.memory_space<vmem>>
        %dma_start3A_715 = tpu.memref_squeeze %dma_start3A_714 : memref<1x40xi32, #tpu.memory_space<vmem>> -> memref<40xi32, #tpu.memory_space<vmem>>
        %dma_start3A_716 = arith.constant 0 : i32
        %dma_start3A_717 = arith.constant 0 : i32
        %dma_start3A_718 = tpu.memref_slice %arg10[%dma_start3A_716, %dma_start3A_717] : memref<10112x128xf32, #tpu.memory_space<vmem_shared>> -> memref<10112x128xf32, #tpu.memory_space<vmem_shared>>
        %dma_start3A_719 = tpu.memref_slice %arg13[%rem3A_708] : memref<4x!tpu.dma_semaphore, #tpu.memory_space<semaphore_mem>> -> memref<1x!tpu.dma_semaphore, #tpu.memory_space<semaphore_mem>>
        %dma_start3A_720 = tpu.memref_squeeze %dma_start3A_719 : memref<1x!tpu.dma_semaphore, #tpu.memory_space<semaphore_mem>> -> memref<!tpu.dma_semaphore, #tpu.memory_space<semaphore_mem>>
        tpu.enqueue_indirect_dma source(%dma_start3A_712 : memref<40x128xf32, #tpu.memory_space<vmem>>) target(%dma_start3A_718 : memref<10112x128xf32, #tpu.memory_space<vmem_shared>>) offsets(%dma_start3A_715 : memref<40xi32, #tpu.memory_space<vmem>>) semaphore(%dma_start3A_720 : memref<!tpu.dma_semaphore, #tpu.memory_space<semaphore_mem>>) {add = true}
      } else {
      }
    }
    %scan3A_659 = arith.constant 254 : i32
    %barrier3A_660 = arith.constant 0 : index
    tpu.barrier barrier_id(%barrier3A_660)
    %mul3A_661 = arith.constant 10112 : i32
    %mul3A_662 = arith.muli %arg0, %mul3A_661 : i32
    %add3A_663 = arith.addi %mul3A_662, %mul3A_2 : i32
    "tpu.region"() ({
      %run_scoped3A_664 = tpu.sem_alloc : memref<!tpu.dma_semaphore, #tpu.memory_space<semaphore_mem>>
      %dma_start3A_665 = arith.constant 0 : i32
      %dma_start3A_666 = tpu.memref_slice %arg6[%add3A_663, %dma_start3A_665] : memref<20224x128xf32, #tpu.memory_space<hbm>> -> memref<632x128xf32, #tpu.memory_space<hbm>>
      %dma_start3A_667 = arith.constant 0 : i32
      %dma_start3A_668 = tpu.memref_slice %arg10[%mul3A_2, %dma_start3A_667] : memref<10112x128xf32, #tpu.memory_space<vmem_shared>> -> memref<632x128xf32, #tpu.memory_space<vmem_shared>>
      tpu.enqueue_dma source(%dma_start3A_668 : memref<632x128xf32, #tpu.memory_space<vmem_shared>>) target(%dma_start3A_666 : memref<632x128xf32, #tpu.memory_space<hbm>>) target_semaphore(%run_scoped3A_664 : memref<!tpu.dma_semaphore, #tpu.memory_space<semaphore_mem>>)
      %dma_wait3A_669 = arith.constant 0 : i32
      %dma_wait3A_670 = tpu.memref_slice %arg6[%add3A_663, %dma_wait3A_669] : memref<20224x128xf32, #tpu.memory_space<hbm>> -> memref<632x128xf32, #tpu.memory_space<hbm>>
      %dma_wait3A_671 = arith.constant 0 : i32
      %dma_wait3A_672 = tpu.memref_slice %arg10[%mul3A_2, %dma_wait3A_671] : memref<10112x128xf32, #tpu.memory_space<vmem_shared>> -> memref<632x128xf32, #tpu.memory_space<vmem_shared>>
      tpu.wait_dma2 semaphore(%run_scoped3A_664 : memref<!tpu.dma_semaphore, #tpu.memory_space<semaphore_mem>>) src(%dma_wait3A_672 : memref<632x128xf32, #tpu.memory_space<vmem_shared>>) dst(%dma_wait3A_670 : memref<632x128xf32, #tpu.memory_space<hbm>>)
      tpu.yield
    }) : () -> ()
    return
  }
}

module attributes {stable_mosaic.version = 14 : i64} {
  func.func @_dense_body(%arg0: memref<10000x128xf32, #tpu.memory_space<vmem>>, %arg1: memref<20224x128xf32, #tpu.memory_space<vmem>>, %arg2: memref<128x128xf32, #tpu.memory_space<vmem>>, %arg3: memref<1x128xf32, #tpu.memory_space<vmem>>, %arg4: memref<1x128xf32, #tpu.memory_space<vmem>>, %arg5: memref<1x128xf32, #tpu.memory_space<vmem>>, %arg6: memref<128x128xf32, #tpu.memory_space<vmem>>, %arg7: memref<1x128xf32, #tpu.memory_space<vmem>>, %arg8: memref<10000x128xf32, #tpu.memory_space<vmem>>) attributes {dimension_semantics = [], scalar_prefetch = 0 : i64, scratch_operands = 0 : i64, tpu.core_type = #tpu.core_type<tc>} {
    %get3A = arith.constant 0 : index
    %get3A_0 = arith.constant 0 : index
    %get3A_1 = vector.load %arg0[%get3A, %get3A_0] : memref<10000x128xf32, #tpu.memory_space<vmem>>, vector<10000x128xf32>
    %get3A_2 = arith.constant 0 : index
    %get3A_3 = arith.constant 0 : index
    %get3A_4 = vector.load %arg1[%get3A_2, %get3A_3] : memref<20224x128xf32, #tpu.memory_space<vmem>>, vector<10000x128xf32>
    %add3A = arith.addf %get3A_1, %get3A_4 : vector<10000x128xf32>
    %get3A_5 = arith.constant 10112 : index
    %get3A_6 = arith.constant 0 : index
    %get3A_7 = vector.load %arg1[%get3A_5, %get3A_6] : memref<20224x128xf32, #tpu.memory_space<vmem>>, vector<10000x128xf32>
    %add3A_8 = arith.addf %add3A, %get3A_7 : vector<10000x128xf32>
    %get3A_9 = arith.constant 0 : index
    %get3A_10 = arith.constant 0 : index
    %get3A_11 = vector.load %arg2[%get3A_9, %get3A_10] : memref<128x128xf32, #tpu.memory_space<vmem>>, vector<128x128xf32>
    %dot_general3A = arith.constant dense<0.000000e+00> : vector<10000x128xf32>
    %dot_general3A_12 = tpu.matmul %add3A_8, %get3A_11, %dot_general3A {dimension_numbers = #tpu.dot_dimension_numbers<[1], [0], [0], [1], [0, 0, 1, 1], [], []>, transpose_lhs_hint = false} : vector<10000x128xf32>, vector<128x128xf32>, vector<10000x128xf32> -> vector<10000x128xf32>
    %get3A_13 = arith.constant 0 : index
    %get3A_14 = arith.constant 0 : index
    %get3A_15 = vector.load %arg3[%get3A_13, %get3A_14] : memref<1x128xf32, #tpu.memory_space<vmem>>, vector<1x128xf32>
    %add3A_16 = vector.broadcast %get3A_15 : vector<1x128xf32> to vector<10000x128xf32>
    %add3A_17 = arith.addf %dot_general3A_12, %add3A_16 : vector<10000x128xf32>
    %reduce_sum3A = arith.constant dense<0.000000e+00> : vector<128xf32>
    %reduce_sum3A_18 = vector.multi_reduction <add>, %add3A_17, %reduce_sum3A [0] : vector<10000x128xf32> to vector<128xf32>
    %broadcast_in_dim3A = vector.shape_cast %reduce_sum3A_18 : vector<128xf32> to vector<1x128xf32>
    %div3A = arith.constant 1.000000e+04 : f32
    %div3A_19 = vector.broadcast %div3A : f32 to vector<1x128xf32>
    %div3A_20 = arith.divf %broadcast_in_dim3A, %div3A_19 : vector<1x128xf32>
    %sub3A = vector.broadcast %div3A_20 : vector<1x128xf32> to vector<10000x128xf32>
    %sub3A_21 = arith.subf %add3A_17, %sub3A : vector<10000x128xf32>
    %mul3A = arith.mulf %sub3A_21, %sub3A_21 : vector<10000x128xf32>
    %reduce_sum3A_22 = arith.constant dense<0.000000e+00> : vector<128xf32>
    %reduce_sum3A_23 = vector.multi_reduction <add>, %mul3A, %reduce_sum3A_22 [0] : vector<10000x128xf32> to vector<128xf32>
    %broadcast_in_dim3A_24 = vector.shape_cast %reduce_sum3A_23 : vector<128xf32> to vector<1x128xf32>
    %div3A_25 = arith.constant 1.000000e+04 : f32
    %div3A_26 = vector.broadcast %div3A_25 : f32 to vector<1x128xf32>
    %div3A_27 = arith.divf %broadcast_in_dim3A_24, %div3A_26 : vector<1x128xf32>
    %add3A_28 = arith.constant 9.99999974E-6 : f32
    %add3A_29 = vector.broadcast %add3A_28 : f32 to vector<1x128xf32>
    %add3A_30 = arith.addf %div3A_27, %add3A_29 : vector<1x128xf32>
    %rsqrt3A = math.rsqrt %add3A_30 : vector<1x128xf32>
    %mul3A_31 = vector.broadcast %rsqrt3A : vector<1x128xf32> to vector<10000x128xf32>
    %mul3A_32 = arith.mulf %sub3A_21, %mul3A_31 : vector<10000x128xf32>
    %get3A_33 = arith.constant 0 : index
    %get3A_34 = arith.constant 0 : index
    %get3A_35 = vector.load %arg4[%get3A_33, %get3A_34] : memref<1x128xf32, #tpu.memory_space<vmem>>, vector<1x128xf32>
    %mul3A_36 = vector.broadcast %get3A_35 : vector<1x128xf32> to vector<10000x128xf32>
    %mul3A_37 = arith.mulf %mul3A_32, %mul3A_36 : vector<10000x128xf32>
    %get3A_38 = arith.constant 0 : index
    %get3A_39 = arith.constant 0 : index
    %get3A_40 = vector.load %arg5[%get3A_38, %get3A_39] : memref<1x128xf32, #tpu.memory_space<vmem>>, vector<1x128xf32>
    %add3A_41 = vector.broadcast %get3A_40 : vector<1x128xf32> to vector<10000x128xf32>
    %add3A_42 = arith.addf %mul3A_37, %add3A_41 : vector<10000x128xf32>
    %max3A = arith.constant 0.000000e+00 : f32
    %max3A_43 = vector.broadcast %max3A : f32 to vector<10000x128xf32>
    %max3A_44 = arith.maximumf %add3A_42, %max3A_43 : vector<10000x128xf32>
    %get3A_45 = arith.constant 0 : index
    %get3A_46 = arith.constant 0 : index
    %get3A_47 = vector.load %arg6[%get3A_45, %get3A_46] : memref<128x128xf32, #tpu.memory_space<vmem>>, vector<128x128xf32>
    %dot_general3A_48 = arith.constant dense<0.000000e+00> : vector<10000x128xf32>
    %dot_general3A_49 = tpu.matmul %max3A_44, %get3A_47, %dot_general3A_48 {dimension_numbers = #tpu.dot_dimension_numbers<[1], [0], [0], [1], [0, 0, 1, 1], [], []>, transpose_lhs_hint = false} : vector<10000x128xf32>, vector<128x128xf32>, vector<10000x128xf32> -> vector<10000x128xf32>
    %get3A_50 = arith.constant 0 : index
    %get3A_51 = arith.constant 0 : index
    %get3A_52 = vector.load %arg7[%get3A_50, %get3A_51] : memref<1x128xf32, #tpu.memory_space<vmem>>, vector<1x128xf32>
    %add3A_53 = vector.broadcast %get3A_52 : vector<1x128xf32> to vector<10000x128xf32>
    %add3A_54 = arith.addf %dot_general3A_49, %add3A_53 : vector<10000x128xf32>
    %max3A_55 = arith.constant 0.000000e+00 : f32
    %max3A_56 = vector.broadcast %max3A_55 : f32 to vector<10000x128xf32>
    %max3A_57 = arith.maximumf %add3A_54, %max3A_56 : vector<10000x128xf32>
    %swap3A = arith.constant 0 : index
    %swap3A_58 = arith.constant 0 : index
    %swap3A_59 = vector.load %arg8[%swap3A, %swap3A_58] : memref<10000x128xf32, #tpu.memory_space<vmem>>, vector<10000x128xf32>
    tpu.vector_store %arg8[%swap3A, %swap3A_58], %max3A_57 {strides = array<i32>} : memref<10000x128xf32, #tpu.memory_space<vmem>>, vector<10000x128xf32>,
    return
  }
}

module attributes {stable_mosaic.version = 14 : i64} {
  func.func @_dense_body(%arg0: memref<10000x128xf32, #tpu.memory_space<vmem>>, %arg1: memref<20224x128xf32, #tpu.memory_space<vmem>>, %arg2: memref<128x128xf32, #tpu.memory_space<vmem>>, %arg3: memref<1x128xf32, #tpu.memory_space<vmem>>, %arg4: memref<1x128xf32, #tpu.memory_space<vmem>>, %arg5: memref<1x128xf32, #tpu.memory_space<vmem>>, %arg6: memref<128x128xf32, #tpu.memory_space<vmem>>, %arg7: memref<1x128xf32, #tpu.memory_space<vmem>>, %arg8: memref<10000x128xf32, #tpu.memory_space<vmem>>) attributes {dimension_semantics = [], scalar_prefetch = 0 : i64, scratch_operands = 0 : i64, tpu.core_type = #tpu.core_type<tc>} {
    %get3A = arith.constant 0 : index
    %get3A_0 = arith.constant 0 : index
    %get3A_1 = vector.load %arg0[%get3A, %get3A_0] : memref<10000x128xf32, #tpu.memory_space<vmem>>, vector<10000x128xf32>
    %get3A_2 = arith.constant 0 : index
    %get3A_3 = arith.constant 0 : index
    %get3A_4 = vector.load %arg1[%get3A_2, %get3A_3] : memref<20224x128xf32, #tpu.memory_space<vmem>>, vector<10000x128xf32>
    %add3A = arith.addf %get3A_1, %get3A_4 : vector<10000x128xf32>
    %get3A_5 = arith.constant 10112 : index
    %get3A_6 = arith.constant 0 : index
    %get3A_7 = vector.load %arg1[%get3A_5, %get3A_6] : memref<20224x128xf32, #tpu.memory_space<vmem>>, vector<10000x128xf32>
    %add3A_8 = arith.addf %add3A, %get3A_7 : vector<10000x128xf32>
    %get3A_9 = arith.constant 0 : index
    %get3A_10 = arith.constant 0 : index
    %get3A_11 = vector.load %arg2[%get3A_9, %get3A_10] : memref<128x128xf32, #tpu.memory_space<vmem>>, vector<128x128xf32>
    %dot_general3A = arith.constant dense<0.000000e+00> : vector<10000x128xf32>
    %dot_general3A_12 = tpu.matmul %add3A_8, %get3A_11, %dot_general3A {dimension_numbers = #tpu.dot_dimension_numbers<[1], [0], [0], [1], [0, 0, 1, 1], [], []>, transpose_lhs_hint = false} : vector<10000x128xf32>, vector<128x128xf32>, vector<10000x128xf32> -> vector<10000x128xf32>
    %get3A_13 = arith.constant 0 : index
    %get3A_14 = arith.constant 0 : index
    %get3A_15 = vector.load %arg3[%get3A_13, %get3A_14] : memref<1x128xf32, #tpu.memory_space<vmem>>, vector<1x128xf32>
    %add3A_16 = vector.broadcast %get3A_15 : vector<1x128xf32> to vector<10000x128xf32>
    %add3A_17 = arith.addf %dot_general3A_12, %add3A_16 : vector<10000x128xf32>
    %reduce_sum3A = arith.constant dense<0.000000e+00> : vector<128xf32>
    %reduce_sum3A_18 = vector.multi_reduction <add>, %add3A_17, %reduce_sum3A [0] : vector<10000x128xf32> to vector<128xf32>
    %broadcast_in_dim3A = vector.shape_cast %reduce_sum3A_18 : vector<128xf32> to vector<1x128xf32>
    %div3A = arith.constant 1.000000e+04 : f32
    %div3A_19 = vector.broadcast %div3A : f32 to vector<1x128xf32>
    %div3A_20 = arith.divf %broadcast_in_dim3A, %div3A_19 : vector<1x128xf32>
    %sub3A = vector.broadcast %div3A_20 : vector<1x128xf32> to vector<10000x128xf32>
    %sub3A_21 = arith.subf %add3A_17, %sub3A : vector<10000x128xf32>
    %mul3A = arith.mulf %sub3A_21, %sub3A_21 : vector<10000x128xf32>
    %reduce_sum3A_22 = arith.constant dense<0.000000e+00> : vector<128xf32>
    %reduce_sum3A_23 = vector.multi_reduction <add>, %mul3A, %reduce_sum3A_22 [0] : vector<10000x128xf32> to vector<128xf32>
    %broadcast_in_dim3A_24 = vector.shape_cast %reduce_sum3A_23 : vector<128xf32> to vector<1x128xf32>
    %div3A_25 = arith.constant 1.000000e+04 : f32
    %div3A_26 = vector.broadcast %div3A_25 : f32 to vector<1x128xf32>
    %div3A_27 = arith.divf %broadcast_in_dim3A_24, %div3A_26 : vector<1x128xf32>
    %add3A_28 = arith.constant 9.99999974E-6 : f32
    %add3A_29 = vector.broadcast %add3A_28 : f32 to vector<1x128xf32>
    %add3A_30 = arith.addf %div3A_27, %add3A_29 : vector<1x128xf32>
    %rsqrt3A = math.rsqrt %add3A_30 : vector<1x128xf32>
    %mul3A_31 = vector.broadcast %rsqrt3A : vector<1x128xf32> to vector<10000x128xf32>
    %mul3A_32 = arith.mulf %sub3A_21, %mul3A_31 : vector<10000x128xf32>
    %get3A_33 = arith.constant 0 : index
    %get3A_34 = arith.constant 0 : index
    %get3A_35 = vector.load %arg4[%get3A_33, %get3A_34] : memref<1x128xf32, #tpu.memory_space<vmem>>, vector<1x128xf32>
    %mul3A_36 = vector.broadcast %get3A_35 : vector<1x128xf32> to vector<10000x128xf32>
    %mul3A_37 = arith.mulf %mul3A_32, %mul3A_36 : vector<10000x128xf32>
    %get3A_38 = arith.constant 0 : index
    %get3A_39 = arith.constant 0 : index
    %get3A_40 = vector.load %arg5[%get3A_38, %get3A_39] : memref<1x128xf32, #tpu.memory_space<vmem>>, vector<1x128xf32>
    %add3A_41 = vector.broadcast %get3A_40 : vector<1x128xf32> to vector<10000x128xf32>
    %add3A_42 = arith.addf %mul3A_37, %add3A_41 : vector<10000x128xf32>
    %max3A = arith.constant 0.000000e+00 : f32
    %max3A_43 = vector.broadcast %max3A : f32 to vector<10000x128xf32>
    %max3A_44 = arith.maximumf %add3A_42, %max3A_43 : vector<10000x128xf32>
    %get3A_45 = arith.constant 0 : index
    %get3A_46 = arith.constant 0 : index
    %get3A_47 = vector.load %arg6[%get3A_45, %get3A_46] : memref<128x128xf32, #tpu.memory_space<vmem>>, vector<128x128xf32>
    %dot_general3A_48 = arith.constant dense<0.000000e+00> : vector<10000x128xf32>
    %dot_general3A_49 = tpu.matmul %max3A_44, %get3A_47, %dot_general3A_48 {dimension_numbers = #tpu.dot_dimension_numbers<[1], [0], [0], [1], [0, 0, 1, 1], [], []>, transpose_lhs_hint = false} : vector<10000x128xf32>, vector<128x128xf32>, vector<10000x128xf32> -> vector<10000x128xf32>
    %get3A_50 = arith.constant 0 : index
    %get3A_51 = arith.constant 0 : index
    %get3A_52 = vector.load %arg7[%get3A_50, %get3A_51] : memref<1x128xf32, #tpu.memory_space<vmem>>, vector<1x128xf32>
    %add3A_53 = vector.broadcast %get3A_52 : vector<1x128xf32> to vector<10000x128xf32>
    %add3A_54 = arith.addf %dot_general3A_49, %add3A_53 : vector<10000x128xf32>
    %swap3A = arith.constant 0 : index
    %swap3A_55 = arith.constant 0 : index
    %swap3A_56 = vector.load %arg8[%swap3A, %swap3A_55] : memref<10000x128xf32, #tpu.memory_space<vmem>>, vector<10000x128xf32>
    tpu.vector_store %arg8[%swap3A, %swap3A_55], %add3A_54 {strides = array<i32>} : memref<10000x128xf32, #tpu.memory_space<vmem>>, vector<10000x128xf32>,
    return
  }
}

</mosaic_0001>

<sc_bundles>
// kernel: kernel.6.cloned.1.call-start
scs
__scs_entry_jumppad:
0x0: {  	(pc) =	sbr.rel $0x88, $3  }
0x1: {  	(tag) =	ssettag $0x0;
	lr =	simm.s32 $0x1  }
0x2: {  	[smem:$0x3F93] =	sst lr;
	_ =	strace $0xD0000000  }
0x3: {  	_ = 	snop  }
0x4: {  	_ = 	snop  }
0x5: {  	_ = 	snop  }
0x6: {  	_ = 	snop  }
0x7: {  	_ = 	snop  }
__scs_overlays_trampoline_lowered:
0x8: {  	[smem:$0x3FA2] =	sst s0  }
0x9: {  	[smem:$0x3FA3] =	sst s1  }
0xa: {  	[smem:$0x3FA4] =	sst s2  }
0xb: {  	[smem:$0x3FA5] =	sst s3  }
0xc: {  	[smem:$0x3FA6] =	sst s4  }
0xd: {  	[smem:$0x3FA7] =	sst s5  }
0xe: {  	[smem:$0x3FA8] =	sst s6  }
0xf: {  	[smem:$0x3FA9] =	sst s7  }
0x10: {  	[smem:$0x3FAA] =	sst s8  }
0x11: {  	[smem:$0x3FAB] =	sst s9;
	s0 =	simm.s32 @!p0 $0x0  }
0x12: {  	s1 =	sld [smem:$0x3F91];
	s0 =	simm.s32 @p0 $0x1  }
0x13: {  	[smem:$0x3FAC] =	sst s0;
	s0 =	simm.s32 @!p1 $0x0  }
0x14: {  	s2 =	sld [smem:$0x3F90];
	s0 =	simm.s32 @p1 $0x1  }
0x15: {  	[smem:$0x3FAD] =	sst s0;
	s0 =	simm.s32 @!p2 $0x0  }
0x16: {  	s3 =	sld [smem:$0x3FDB];
	s0 =	simm.s32 @p2 $0x1  }
0x17: {  	s4 =	simm.s32 $0x1BF5;
	[smem:$0x3FAF] =	sst s0  }
0x18: {  	s0 =	sld [smem:$0x3F92];
	_ =	swait.ge [sflag:s4], $0x0  }
0x19: {  	s7 =	sld [smem:$0x3F93]  }
0x1a: {  	s8 =	sadd.s32 $0xFFFFE003, lr  }
0x1b: {  	s9 =	sadd.s32 $0xFFFFFEF7, lr;
	s5 =	simm.s32 $0xFFFFFFFF;
	p2 =	slt.u32 s8, $0xFFFFF086  }
0x1c: {  	p1 =	slt.u32 s9, $0xF7A;
	s5 =	simm.s32 @!p2 $0x0  }
0x1d: {  	s5 =	simm.s32 @p1 $0x1;
	p0 =	seq.s32 s7, s2  }
0x1e: {  	s7 =	smul.u32 @!p0 $0xF7A, s2;
	p2 =	seq.s32 @!p0 s5, $0x0  }
0x1f: {  	s9 =	smul.u32 $0xF7A, s1;
	s8 =	simm.s32 @!p0 $0x1BF5;
	p2 =	por !p2, p0  }
0x20: {  	[sflag:s8] =	ssyncset.s32 @!p0 $0xFFFFF086;
	s6 =	sadd.s32 @!p0 s3, s7;
	s7 =	simm.s32 @!p0 $0x108  }
0x21: {  	s3 =	sadd.s32 s3, s9;
	s6 =	sadd.s32 @!p0 $0x88, s6;
	s7 =	simm.s32 @p2 $0x1082  }
0x22: {  	[simem:s7], [sflag:s8] =	dma.local @!p0 [hbm:s6], $0xF7A  }
0x23: {  	s9 =	sor.u32 $0xD0000000, s2;
	s6 =	simm.s32 $0x108;
	_ =	swait.ge @!p0 [sflag:s8], $0x0  }
0x24: {  	s3 =	sadd.s32 $0x88, s3;
	s6 =	simm.s32 @!p1 $0x1082;
	[sflag:s4] =	ssyncset.s32 $0xFFFFF086  }
0x25: {  	[simem:s6], [sflag:s4] =	dma.local [hbm:s3], $0xF7A  }
0x26: {  	[smem:$0x3F93] =	sst s1;
	(tag) =	ssettag s2;
	_ =	strace s9  }
0x27: {  	s1 =	sld [smem:$0x3FA3]  }
0x28: {  	s2 =	sld [smem:$0x3FA4]  }
0x29: {  	s4 =	sld [smem:$0x3FA6]  }
0x2a: {  	p0 =	seq.s32 s5, $0x0;
	s5 =	sld [smem:$0x3FA7]  }
0x2b: {  	s6 =	sld [smem:$0x3FA8]  }
0x2c: {  	s7 =	sld [smem:$0x3FA9]  }
0x2d: {  	s3 =	simm.s32 $0x108;
	s8 =	sld [smem:$0x3FAA]  }
0x2e: {  	s3 =	simm.s32 @!p0 $0x1082;
	s9 =	sld [smem:$0x3FAB]  }
0x2f: {  	lr =	sadd.s32 s0, s3;
	s0 =	sld [smem:$0x3FA2]  }
0x30: {  	s3 =	sld [smem:$0x3FA5]  }
0x31: {  	[smem:$0x3FAE] =	sst s10  }
0x32: {  	s10 =	sld [smem:$0x3FAC];
	_ =	sdelay $0x3  }
0x33: {  	p0 =	seq.s32 s10, $0x1;
	s10 =	sld [smem:$0x3FAE];
	_ =	sdelay $0x3  }
0x34: {  	[smem:$0x3FAE] =	sst s10  }
0x35: {  	s10 =	sld [smem:$0x3FAD];
	_ =	sdelay $0x3  }
0x36: {  	p1 =	seq.s32 s10, $0x1;
	s10 =	sld [smem:$0x3FAE];
	_ =	sdelay $0x3  }
0x37: {  	[smem:$0x3FAE] =	sst s10  }
0x38: {  	s10 =	sld [smem:$0x3FAF]  }
0x39: {  	_ = 	snop;
	(pc) =	sbr.ind lr, $3  }
0x3a: {  	_ = 	snop  }
0x3b: {  	_ = 	snop  }
0x3c: {  	p2 =	seq.s32 s10, $0x1;
	s10 =	sld [smem:$0x3FAE]  }
0x3d: {  	_ =	shalt  }
0x3e: {  	_ =	shalt  }
0x3f: {  	_ =	shalt  }
0x40: {  	_ =	shalt  }
0x41: {  	_ =	shalt  }
0x42: {  	_ =	shalt  }
0x43: {  	_ =	shalt  }
0x44: {  	_ =	shalt  }
0x45: {  	_ =	shalt  }
0x46: {  	_ =	shalt  }
0x47: {  	_ =	shalt  }
0x48: {  	_ =	shalt  }
0x49: {  	_ =	shalt  }
0x4a: {  	_ =	shalt  }
0x4b: {  	_ =	shalt  }
0x4c: {  	_ =	shalt  }
0x4d: {  	_ =	shalt  }
0x4e: {  	_ =	shalt  }
0x4f: {  	_ =	shalt  }
0x50: {  	_ =	shalt  }
0x51: {  	_ =	shalt  }
0x52: {  	_ =	shalt  }
0x53: {  	_ =	shalt  }
0x54: {  	_ =	shalt  }
0x55: {  	_ =	shalt  }
0x56: {  	_ =	shalt  }
0x57: {  	_ =	shalt  }
0x58: {  	_ =	shalt  }
0x59: {  	_ =	shalt  }
0x5a: {  	_ =	shalt  }
0x5b: {  	_ =	shalt  }
0x5c: {  	_ =	shalt  }
0x5d: {  	_ =	shalt  }
0x5e: {  	_ =	shalt  }
0x5f: {  	_ =	shalt  }
0x60: {  	_ =	shalt  }
0x61: {  	_ =	shalt  }
0x62: {  	_ =	shalt  }
0x63: {  	_ =	shalt  }
0x64: {  	_ =	shalt  }
0x65: {  	_ =	shalt  }
0x66: {  	_ =	shalt  }
0x67: {  	_ =	shalt  }
0x68: {  	_ =	shalt  }
0x69: {  	_ =	shalt  }
0x6a: {  	_ =	shalt  }
0x6b: {  	_ =	shalt  }
0x6c: {  	_ =	shalt  }
0x6d: {  	_ =	shalt  }
0x6e: {  	_ =	shalt  }
0x6f: {  	_ =	shalt  }
0x70: {  	_ =	shalt  }
0x71: {  	_ =	shalt  }
0x72: {  	_ =	shalt  }
0x73: {  	_ =	shalt  }
0x74: {  	_ =	shalt  }
0x75: {  	_ =	shalt  }
0x76: {  	_ =	shalt  }
0x77: {  	_ =	shalt  }
0x78: {  	_ =	shalt  }
0x79: {  	_ =	shalt  }
0x7a: {  	_ =	shalt  }
0x7b: {  	_ =	shalt  }
0x7c: {  	_ =	shalt  }
0x7d: {  	_ =	shalt  }
0x7e: {  	_ =	shalt  }
0x7f: {  	_ =	shalt  }
0x80: {  	_ =	shalt  }
0x81: {  	_ =	shalt  }
0x82: {  	_ =	shalt  }
0x83: {  	_ =	shalt  }
0x84: {  	_ =	shalt  }
0x85: {  	_ =	shalt  }
0x86: {  	_ =	shalt  }
0x87: {  	_ =	shalt  }
.Lfunc_end0:
.L_simem_size_0:
called_computation_lowered:
.L_overlay_start_0:
0x88: {  	s2 =	sld [smem:$0x3FD9]  }
0x89: {  	s3 =	sld [smem:$0x3FFE];
	_ =	sdelay $0x1  }
0x8a: {  	s1 =	srdreg.scid  }
0x8b: {  	s0 =	sand.u32 $0x1, s1  }
0x8c: {  	s17 =	sshll.u32 s0, $0xA;
	s2 =	sadd.s32 s3, s2  }
0x8d: {  	s2 =	sadd.s32 s2, s17  }
0x8e: {  	[smem:$0x3FBA] =	sst s2  }
0x8f: {  	_ = 	snop  }
0x90: {  	s2 =	sld [smem:$0x3FC9];
	(tm) =	ssettm $0x1  }
0x91: {  	s18 =	sld [smem:$0x3FFB];
	_ =	sdelay $0x3  }
0x92: {  	_ =	strace s18  }
0x93: {  	s3 =	sld [smem:$0x3FFC];
	_ =	sdelay $0x3  }
0x94: {  	_ =	strace s3  }
0x95: {  	s3 =	sld [smem:$0x3FFD];
	_ =	sdelay $0x3  }
0x96: {  	_ =	strace s3  }
0x97: {  	_ =	strace $0x8FFFFFFF  }
0x98: {  	s19 =	sld [smem:$0x3FDB];
	_ =	sdelay $0x1  }
0x99: {  	s4 =	simm.s32 $_scs_section_size  }
0x9a: {  	s5 =	simm.s32 $_size__tile_overlayer_lowered;
	s6 =	simm.s32 $_tile_overlayer_lowered  }
0x9b: {  	s22 =	simm.s32 $0x1BFF;
	s21 =	sshll.u32 s6, $0x1;
	s3 =	sadd.s32 s4, s19  }
0x9c: {  	s7 =	simm.s32 $0x0;
	s20 =	sshll.u32 s5, $0x1;
	s5 =	sadd.s32 s21, s3  }
0x9d: {  	[timem:s7], [sflag:s22] =	dma.local [hbm:s5], s20  }
0x9e: {  	_ =	swait.ge [sflag:s22], s20  }
0x9f: {  	s4 =	ssub.s32 $0x0, s20;
	[sflag:s22] =	ssyncset.done $0x0  }
0xa0: {  	[sflag:s22] =	ssyncadd.s32 s4;
	_ =	sdelay $0x1  }
0xa1: {  	s23 =	simm.s32 $0x1B8B  }
0xa2: {  	_ =	swait.ge [sflag:s23], $0x1  }
0xa3: {  	[sflag:s23] =	ssyncset.done $0x0  }
0xa4: {  	s25 =	simm.s32 $0x1B8E;
	s24 =	sld [smem:$0x3FFE];
	[sflag:s23] =	ssyncadd.s32 $0xFFFFFFFF  }
0xa5: {  	s26 =	simm.s32 $execute0_lowered;
	[smem:$0x3FD2] =	sst s25  }
0xa6: {  	s5 =	sshll.u32 s26, $0x1;
	_ =	strace $0x80000046;
	[dreg:$0x1] =	wrdreg $0xFFFFFFFF  }
0xa7: {  	s28 =	simm.s32 $_size_execute0_lowered;
	s3 =	sadd.s32 s3, s5;
	[dreg:$0x0] =	wrdreg $0x0  }
0xa8: {  	s5 =	sshll.u32 s28, $0x1;
	[dreg:$0x2] =	wrdreg s3  }
0xa9: {  	[dreg:$0x3] =	wrdreg s5  }
0xaa: {  	[dreg:$0x4] =	wrdreg $0xC0  }
0xab: {  	_ =	task [dreg:s7], $0x5FFFF  }
0xac: {  	[dreg:$0x1] =	wrdreg $0xFFFFFFFF  }
0xad: {  	[dreg:$0x0] =	wrdreg $0x60  }
0xae: {  	[dreg:$0x2] =	wrdreg s2  }
0xaf: {  	[dreg:$0x3] =	wrdreg s24  }
0xb0: {  	[dreg:$0x4] =	wrdreg $0x58000  }
0xb1: {  	[dreg:$0x5] =	wrdreg $0x9  }
0xb2: {  	_ =	task.clear_ibuf [dreg:s7], $0x6FFFF;
	_ =	strace $0x90000046  }
0xb3: {  	s29 =	simm.s32 $0x9;
	_ =	strace $0x80000048  }
0xb4: {  	_ =	swait.ge [sflag:s29], $0x1  }
0xb5: {  	[sflag:s29] =	ssyncadd.s32 $0xFFFFFFFF  }
0xb6: {  	_ =	strace $0x90000048  }
0xb7: {  	_ =	sfence  }
0xb8: {  	s30 =	sld [smem:$0x0];
	_ =	sdelay $0x2  }
0xb9: {  	s31 =	sshll.u32 s1, $0xD;
	s1 =	sshrl.u32 s1, $0x2  }
0xba: {  	s3 =	sand.u32 $0x4000, s31;
	s1 =	sadd.s32 s1, s30  }
0xbb: {  	s0 =	sor.u32 s3, s0;
	s1 =	sshll.u32 s1, $0x11  }
0xbc: {  	s0 =	sor.u32 s1, s0  }
0xbd: {  	s0 =	sadd.s32 $0x8F2B, s0  }
0xbe: {  	[sflag:s0] =	ssyncadd.remote.s32 $0x1  }
0xbf: {  	_ =	sfence.sel $0xFFFF  }
0xc0: {  	[dreg:$0x0] =	wrdreg $0xFFFFFFFF;
	(pc) =	sbr.abs _section_cstart, $3  }
0xc1: {  	[dreg:$0x1] =	wrdreg $0xFFFFFFFF  }
0xc2: {  	_ =	task.clear_ibuf [dreg:s7], $0x2FFFF;
	_ =	strace $0x9FFFFFFF  }
0xc3: {  	(tm) =	ssettm $0x7FFFFFFF  }
tec
execute0_lowered:
.L_overlay_start_1:
0x0: {  	(tag) =	ssettag $0x1  }
0x1: {  	s1 =	rddreg [dreg:$0x0]  }
0x2: {  	s0 =	rddreg [dreg:$0x1]  }
0x3: {  	s3 =	rddreg [dreg:$0x2];
	s4 =	simm.s32 $0x0;
	s2 =	srdreg.scid  }
0x4: {  	s11 =	stileid.u32;
	[smem:$0x7FF] =	sst s4;
	s2 =	sand.u32 $0x1, s2  }
0x5: {  	s5 =	smul.u32 $0x2780, s11;
	s8 =	sadd.s32 $0xC600, s0;
	s9 =	sadd.s32 $0x2800, s0  }
0x6: {  	s10 =	sadd.s32 $0x16400, s0;
	s19 =	smul.u32 $0x4F000, s11;
	_ =	strace $0x80000047  }
0x7: {  	s6 =	smul.u32 $0x27800, s2;
	s7 =	sshll.u32 s2, $0x4;
	s13 =	ssub.s32 $0x2, s2  }
0x8: {  	[dreg:$0x4] =	wrdreg s10;
	s2 =	smul.u32 $0x27100, s2;
	s7 =	sor.u32 s11, s7  }
0x9: {  	s14 =	sshrl.u32 s13, $0x1;
	s11 =	smul.u32 $0x2710, s11;
	s5 =	sadd.s32 s5, s6  }
0xa: {  	s22 =	sshrl.u32 s19, $0x2;
	s7 =	smul.u32 $0x2710, s7;
	s0 =	sadd.s32 s5, s0  }
0xb: {  	s5 =	ssub.s32 s13, s14;
	s14 =	sadd.s32 s22, s3;
	s2 =	sadd.s32 s11, s2  }
0xc: {  	s15 =	sshrl.u32 s7, $0x3;
	s16 =	sadd.s32 $0x28, s7;
	s7 =	sadd.s32 $0x78, s7  }
0xd: {  	s23 =	sadd.s32 $0x2800, s14;
	s2 =	sadd.s32 $0xA0, s2;
	s24 =	sadd.s32 $0x3C00, s14  }
0xe: {  	s25 =	sadd.s32 $0x5000, s14;
	s26 =	sadd.s32 $0x6400, s14;
	s28 =	sadd.s32 $0xB400, s14  }
0xf: {  	s29 =	sadd.s32 $0xC800, s14;
	s30 =	sadd.s32 $0xDC00, s14;
	s31 =	sadd.s32 $0xF000, s14  }
0x10: {  	s12 =	sadd.s32 s8, s15;
	s17 =	sadd.s32 s9, s15;
	[dreg:$0xe] =	wrdreg s23  }
0x11: {  	s10 =	sshrl.u32 s16, $0x3;
	s6 =	sadd.s32 $0xA, s15;
	[dreg:$0xf] =	wrdreg s24  }
0x12: {  	s7 =	sshrl.u32 s7, $0x3;
	[dreg:$0x10] =	wrdreg s25;
	s2 =	sshrl.u32 s2, $0x3  }
0x13: {  	[dreg:$0x11] =	wrdreg s26;
	s23 =	sadd.s32 $0x8C00, s14;
	s24 =	sadd.s32 $0x16800, s0  }
0x14: {  	s25 =	smax.u32 s5, $0x1;
	s26 =	sadd.s32 $0xA000, s14;
	[dreg:$0x5] =	wrdreg s12  }
0x15: {  	s0 =	sadd.s32 $0x10400, s14;
	[dreg:$0x6] =	wrdreg s17;
	s18 =	sadd.s32 s8, s10  }
0x16: {  	s5 =	sadd.s32 $0x12C00, s14;
	s10 =	sadd.s32 s9, s10;
	[dreg:$0x7] =	wrdreg s18  }
0x17: {  	s20 =	sadd.s32 s8, s6;
	s6 =	sadd.s32 s9, s6;
	[dreg:$0x8] =	wrdreg s10  }
0x18: {  	s21 =	sadd.s32 s8, s7;
	s7 =	sadd.s32 s9, s7;
	[dreg:$0x9] =	wrdreg s20  }
.Ltmp0:
0x19: {  	s13 =	sadd.s32 s2, s9;
	[dreg:$0xa] =	wrdreg s6;
	(pc) =	sbr.rel .LBB2_1-.Ltmp0, $4  }
0x1a: {  	s12 =	sadd.s32 s2, s8;
	s2 =	sadd.s32 $0x11800, s14;
	[dreg:$0xb] =	wrdreg s21  }
0x1b: {  	s8 =	simm.s32 $0xD;
	s9 =	simm.s32 $0x28;
	[dreg:$0xc] =	wrdreg s7  }
0x1c: {  	s6 =	sadd.s32 $0x1400, s14;
	s20 =	sadd.s32 $0x7800, s14;
	s7 =	simm.s32 $0x11  }
0x1d: {  	s10 =	simm.s32 $0x0;
	[dreg:$0xd] =	wrdreg s6;
	s6 =	simm.s32 $0x800  }
.LBB2_7:
0x1e: {  	s11 =	stileid.u32;
	s10 =	sadd.s32 $0x1, s10  }
0x1f: {  	[bflag:$0x0] =	sbarrier.arrive $0xFFFF;
	s11 =	sshll.u32 s11, $0x6;
	p0 =	sne.s32 s10, s25  }
.Ltmp1:
0x20: {  	s15 =	sshrl.u32 s14, $0x3;
	s11 =	sor.u32 $0x1C11, s11;
	(pc) =	sbr.rel @!p0 .LBB2_8-.Ltmp1, $4  }
0x21: {  	[hbm:s24], [sflag:s11] =	dma.local [spmem:s15], $0x2780  }
0x22: {  	_ =	swait.ge [sflag:s7], $0x2780  }
0x23: {  	[sflag:s7] =	ssyncset.done $0x0  }
0x24: {  	[sflag:s7] =	ssyncadd.s32 $0xFFFFD880  }
.LBB2_1:
0x25: {  	s11 =	rddreg [dreg:$0x5]  }
0x26: {  	[tilespmem:s4], [sflag:$0x1] =	stream.linear.gather [hbm4b:s11+s4], $0x28, $0x38;
	[tilespmem:$0x19400] =	vst v63  }
0x27: {  	s22 =	rddreg [dreg:$0x6];
	s15 =	simm.s32 $0x400  }
0x28: {  	[tilespmem:s15], [sflag:$0x1] =	stream.linear.gather [hbm4b:s22+s4], $0x28, $0x38;
	[tilespmem:$0x19400] =	vst v63  }
0x29: {  	s16 =	rddreg [dreg:$0x7];
	s17 =	simm.s32 $0x80  }
0x2a: {  	[tilespmem:s17], [sflag:$0x2] =	stream.linear.gather [hbm4b:s16+s4], $0x28, $0x38;
	[tilespmem:$0x19400] =	vst v63  }
0x2b: {  	s18 =	rddreg [dreg:$0x8];
	s19 =	simm.s32 $0x480  }
0x2c: {  	[tilespmem:s19], [sflag:$0x2] =	stream.linear.gather [hbm4b:s18+s4], $0x28, $0x38;
	[tilespmem:$0x19400] =	vst v63  }
0x2d: {  	s21 =	rddreg [dreg:$0x9];
	s22 =	simm.s32 $0x100  }
0x2e: {  	[tilespmem:s22], [sflag:$0x3] =	stream.linear.gather [hbm4b:s21+s4], $0x28, $0x38;
	[tilespmem:$0x19400] =	vst v63  }
0x2f: {  	s16 =	rddreg [dreg:$0xa];
	s17 =	simm.s32 $0x500  }
0x30: {  	[tilespmem:s17], [sflag:$0x3] =	stream.linear.gather [hbm4b:s16+s4], $0x28, $0x38;
	[tilespmem:$0x19400] =	vst v63  }
0x31: {  	s18 =	rddreg [dreg:$0xb];
	s19 =	simm.s32 $0x180  }
0x32: {  	[tilespmem:s19], [sflag:$0x4] =	stream.linear.gather [hbm4b:s18+s4], $0x28, $0x38;
	[tilespmem:$0x19400] =	vst v63  }
0x33: {  	s21 =	rddreg [dreg:$0xc];
	s22 =	simm.s32 $0x580  }
0x34: {  	[tilespmem:s22], [sflag:$0x4] =	stream.linear.gather [hbm4b:s21+s4], $0x28, $0x38;
	[tilespmem:$0x19400] =	vst v63  }
0x35: {  	s16 =	rddreg [dreg:$0x4]  }
0x36: {  	[tilespmem:s6], [sflag:$0x11] =	stream.linear.gather [hbm4b:s16+s4], $0x1400, $0x38;
	[tilespmem:$0x19400] =	vst v63  }
0x37: {  	_ =	swait.ge [sflag:s7], $0x1400  }
0x38: {  	[sflag:s7] =	ssyncset.done $0x0  }
0x39: {  	[sflag:s7] =	ssyncadd.s32 $0xFFFFEC00  }
0x3a: {  	[spmem:s14] =	stream.linear.scatter [tilespmem:s6], [sflag:$0xD], $0x1400, $0x38;
	[tilespmem:$0x19400] =	vst v63  }
0x3b: {  	s17 =	rddreg [dreg:$0xd]  }
0x3c: {  	[spmem:s17] =	stream.linear.scatter [tilespmem:s6], [sflag:$0xD], $0x1400, $0x38;
	[tilespmem:$0x19400] =	vst v63  }
0x3d: {  	s18 =	rddreg [dreg:$0xe]  }
0x3e: {  	[spmem:s18] =	stream.linear.scatter [tilespmem:s6], [sflag:$0xD], $0x1400, $0x38;
	[tilespmem:$0x19400] =	vst v63  }
0x3f: {  	s19 =	rddreg [dreg:$0xf]  }
0x40: {  	[spmem:s19] =	stream.linear.scatter [tilespmem:s6], [sflag:$0xD], $0x1400, $0x38;
	[tilespmem:$0x19400] =	vst v63  }
0x41: {  	s21 =	rddreg [dreg:$0x10]  }
0x42: {  	[spmem:s21] =	stream.linear.scatter [tilespmem:s6], [sflag:$0xD], $0x1400, $0x38;
	[tilespmem:$0x19400] =	vst v63  }
0x43: {  	s22 =	rddreg [dreg:$0x11]  }
0x44: {  	[spmem:s22] =	stream.linear.scatter [tilespmem:s6], [sflag:$0xD], $0x1400, $0x38;
	[tilespmem:$0x19400] =	vst v63  }
0x45: {  	_ = 	snop  }
0x46: {  	[spmem:s20] =	stream.linear.scatter [tilespmem:s6], [sflag:$0xD], $0x1400, $0x38;
	[tilespmem:$0x19400] =	vst v63  }
0x47: {  	_ = 	snop  }
0x48: {  	[spmem:s23] =	stream.linear.scatter [tilespmem:s6], [sflag:$0xD], $0x1400, $0x38;
	[tilespmem:$0x19400] =	vst v63  }
0x49: {  	_ = 	snop  }
0x4a: {  	[spmem:s26] =	stream.linear.scatter [tilespmem:s6], [sflag:$0xD], $0x1400, $0x38;
	[tilespmem:$0x19400] =	vst v63  }
0x4b: {  	_ = 	snop  }
0x4c: {  	[spmem:s28] =	stream.linear.scatter [tilespmem:s6], [sflag:$0xD], $0x1400, $0x38;
	[tilespmem:$0x19400] =	vst v63  }
0x4d: {  	_ = 	snop  }
0x4e: {  	[spmem:s29] =	stream.linear.scatter [tilespmem:s6], [sflag:$0xD], $0x1400, $0x38;
	[tilespmem:$0x19400] =	vst v63  }
0x4f: {  	_ = 	snop  }
0x50: {  	[spmem:s30] =	stream.linear.scatter [tilespmem:s6], [sflag:$0xD], $0x1400, $0x38;
	[tilespmem:$0x19400] =	vst v63  }
0x51: {  	_ = 	snop  }
0x52: {  	[spmem:s31] =	stream.linear.scatter [tilespmem:s6], [sflag:$0xD], $0x1400, $0x38;
	[tilespmem:$0x19400] =	vst v63  }
0x53: {  	_ = 	snop  }
0x54: {  	[spmem:s0] =	stream.linear.scatter [tilespmem:s6], [sflag:$0xD], $0x1400, $0x38;
	[tilespmem:$0x19400] =	vst v63  }
0x55: {  	_ = 	snop  }
0x56: {  	[spmem:s2] =	stream.linear.scatter [tilespmem:s6], [sflag:$0xD], $0x1400, $0x38;
	[tilespmem:$0x19400] =	vst v63  }
0x57: {  	_ = 	snop  }
0x58: {  	[spmem:s5] =	stream.linear.scatter [tilespmem:s6], [sflag:$0xD], $0x1000, $0x38;
	[tilespmem:$0x19400] =	vst v63  }
0x59: {  	_ =	swait.ge [sflag:s8], $0x1400  }
0x5a: {  	[sflag:s8] =	ssyncset.done $0x0  }
0x5b: {  	[sflag:s8] =	ssyncadd.s32 $0xFFFFEC00  }
0x5c: {  	_ =	swait.ge [sflag:s8], $0x1400  }
0x5d: {  	[sflag:s8] =	ssyncset.done $0x0  }
0x5e: {  	[sflag:s8] =	ssyncadd.s32 $0xFFFFEC00  }
0x5f: {  	_ =	swait.ge [sflag:s8], $0x1400  }
0x60: {  	[sflag:s8] =	ssyncset.done $0x0  }
0x61: {  	[sflag:s8] =	ssyncadd.s32 $0xFFFFEC00  }
0x62: {  	_ =	swait.ge [sflag:s8], $0x1400  }
0x63: {  	[sflag:s8] =	ssyncset.done $0x0  }
0x64: {  	[sflag:s8] =	ssyncadd.s32 $0xFFFFEC00  }
0x65: {  	_ =	swait.ge [sflag:s8], $0x1400  }
0x66: {  	[sflag:s8] =	ssyncset.done $0x0  }
0x67: {  	[sflag:s8] =	ssyncadd.s32 $0xFFFFEC00  }
0x68: {  	_ =	swait.ge [sflag:s8], $0x1400  }
0x69: {  	[sflag:s8] =	ssyncset.done $0x0  }
0x6a: {  	[sflag:s8] =	ssyncadd.s32 $0xFFFFEC00  }
0x6b: {  	_ =	swait.ge [sflag:s8], $0x1400  }
0x6c: {  	[sflag:s8] =	ssyncset.done $0x0  }
0x6d: {  	[sflag:s8] =	ssyncadd.s32 $0xFFFFEC00  }
0x6e: {  	_ =	swait.ge [sflag:s8], $0x1400  }
0x6f: {  	[sflag:s8] =	ssyncset.done $0x0  }
0x70: {  	[sflag:s8] =	ssyncadd.s32 $0xFFFFEC00  }
0x71: {  	_ =	swait.ge [sflag:s8], $0x1400  }
0x72: {  	[sflag:s8] =	ssyncset.done $0x0  }
0x73: {  	[sflag:s8] =	ssyncadd.s32 $0xFFFFEC00  }
0x74: {  	_ =	swait.ge [sflag:s8], $0x1400  }
0x75: {  	[sflag:s8] =	ssyncset.done $0x0  }
0x76: {  	[sflag:s8] =	ssyncadd.s32 $0xFFFFEC00  }
0x77: {  	_ =	swait.ge [sflag:s8], $0x1400  }
0x78: {  	[sflag:s8] =	ssyncset.done $0x0  }
0x79: {  	[sflag:s8] =	ssyncadd.s32 $0xFFFFEC00  }
0x7a: {  	_ =	swait.ge [sflag:s8], $0x1400  }
0x7b: {  	[sflag:s8] =	ssyncset.done $0x0  }
0x7c: {  	[sflag:s8] =	ssyncadd.s32 $0xFFFFEC00  }
0x7d: {  	_ =	swait.ge [sflag:s8], $0x1400  }
0x7e: {  	[sflag:s8] =	ssyncset.done $0x0  }
0x7f: {  	[sflag:s8] =	ssyncadd.s32 $0xFFFFEC00  }
0x80: {  	_ =	swait.ge [sflag:s8], $0x1400  }
0x81: {  	[sflag:s8] =	ssyncset.done $0x0  }
0x82: {  	[sflag:s8] =	ssyncadd.s32 $0xFFFFEC00  }
0x83: {  	_ =	swait.ge [sflag:s8], $0x1400  }
0x84: {  	[sflag:s8] =	ssyncset.done $0x0  }
0x85: {  	[sflag:s8] =	ssyncadd.s32 $0xFFFFEC00  }
.Ltmp2:
0x86: {  	_ =	swait.ge [sflag:s8], $0x1000;
	(pc) =	sbr.rel .LBB2_2-.Ltmp2, $4  }
0x87: {  	[sflag:s8] =	ssyncset.done $0x0  }
0x88: {  	[sflag:s8] =	ssyncadd.s32 $0xFFFFF000  }
0x89: {  	s11 =	simm.s32 $0xFFFFFA00;
	[bflag:$0x0] =	sbarrier.arrive $0xFFFF  }
0x8a: {  	s15 =	simm.s32 $0x0;
	s21 =	smov.u32 s13;
	s22 =	smov.u32 s12  }
.LBB2_3:
0x8b: {  	s17 =	sadd.s32 $0x4, s15  }
0x8c: {  	s17 =	sand.u32 $0x7, s17  }
0x8d: {  	s18 =	sadd.s32 $0x1, s17;
	s17 =	sshll.u32 s17, $0x7  }
0x8e: {  	[tilespmem:s17], [sflag:s18] =	stream.linear.gather [hbm4b:s22+s4], $0x28, $0x38;
	[tilespmem:$0x19400] =	vst v63  }
0x8f: {  	s16 =	smov.u32 @p0 s15;
	s17 =	sor.u32 $0x400, s17  }
0x90: {  	[tilespmem:s17], [sflag:s18] =	stream.linear.gather [hbm4b:s21+s4], $0x28, $0x38;
	[tilespmem:$0x19400] =	vst v63  }
.LBB2_5:
0x91: {  	s17 =	sand.u32 $0x7, s15  }
0x92: {  	s18 =	sadd.s32 $0x1, s17  }
0x93: {  	_ =	swait.ge [sflag:s18], $0x28  }
0x94: {  	[sflag:s18] =	ssyncset.done $0x0  }
0x95: {  	s19 =	smul.u32 $0x5000, s16;
	[sflag:s18] =	ssyncadd.s32 $0xFFFFFFD8  }
0x96: {  	_ =	swait.ge [sflag:s18], $0x28  }
0x97: {  	s17 =	sshll.u32 s17, $0x7;
	s19 =	sshra.s32 s19, $0x2;
	[sflag:s18] =	ssyncset.done $0x0  }
0x98: {  	[sflag:s18] =	ssyncadd.s32 $0xFFFFFFD8;
	s18 =	sadd.s32 $0x800, s19;
	s19 =	sadd.s32 $0x9, s16  }
0x99: {  	[tilespmem:s18], [sflag:s19] =	stream.indirect.gather [hbm4b:s1+s9], $0x80, s17, s9, $0xb8;
	[tilespmem:$0x19400] =	vst v63  }
.LBB2_6:
0x9a: {  	p0 =	slt.u32 s15, $0x3  }
0x9b: {  	p1 =	seq.s32 @!p0 s15, $0xFD  }
0x9c: {  	p0 =	por p1, p0  }
0x9d: {  	s16 =	sadd.s32 @!p0 $0xFFFFFFFD, s15  }
0x9e: {  	s16 =	sand.u32 @!p0 $0x3, s16  }
0x9f: {  	s18 =	sadd.s32 @!p0 $0x9, s16  }
0xa0: {  	s19 =	sand.u32 @!p0 $0xE00, s11;
	s17 =	smul.u32 @!p0 $0x5000, s16;
	_ =	swait.ge @!p0 [sflag:s18], $0x1400  }
0xa1: {  	s15 =	sadd.s32 $0x1, s15;
	s16 =	sadd.s32 @!p0 $0xD, s16;
	[sflag:s18] =	ssyncset.done @!p0 $0x0  }
0xa2: {  	s17 =	sshrl.u32 @!p0 s17, $0x2;
	[sflag:s18] =	ssyncadd.s32 @!p0 $0xFFFFEC00;
	s18 =	sshrl.u32 @!p0 s19, $0x2  }
0xa3: {  	s17 =	sadd.s32 @!p0 $0x800, s17;
	s19 =	simm.s32 @!p0 $0x28;
	s18 =	sor.u32 @!p0 $0x400, s18  }
0xa4: {  	[spmem:s3] =	stream.indirect.scatter.add.f32 @!p0 [tilespmem:s17], [sflag:s16], $0x80, s18, s19, $0xb8;
	[tilespmem:$0x19400] =	vst v63  }
0xa5: {  	p0 =	sne.s32 s15, $0xFE  }
.Ltmp3:
0xa6: {  	_ = 	snop;
	(pc) =	sbr.rel @!p0 .LBB2_7-.Ltmp3, $2  }
0xa7: {  	_ =	sdelay $0x2  }
0xa8: {  	s21 =	sadd.s32 $0x5, s21;
	s22 =	sadd.s32 $0x5, s22;
	s11 =	sadd.s32 $0x200, s11  }
.LBB2_2:
0xa9: {  	p0 =	slt.u32 s15, $0x4  }
0xaa: {  	p1 =	sgt.u32 @!p0 s15, $0xF5  }
0xab: {  	p1 =	por p0, !p1  }
.Ltmp4:
0xac: {  	s16 =	sand.u32 @!p0 $0x3, s15;
	(pc) =	sbr.rel @p1 .LBB2_3-.Ltmp4, $4  }
0xad: {  	s17 =	sadd.s32 @!p0 $0xD, s16  }
0xae: {  	_ =	swait.ge @!p0 [sflag:s17], $0x1400  }
0xaf: {  	[sflag:s17] =	ssyncset.done @!p0 $0x0  }
0xb0: {  	[sflag:s17] =	ssyncadd.s32 @!p0 $0xFFFFEC00  }
0xb1: {  	p0 =	sgt.u32 s15, $0xF9  }
.Ltmp5:
0xb2: {  	_ = 	snop;
	(pc) =	sbr.rel @p0 .LBB2_6-.Ltmp5, $4  }
.Ltmp6:
0xb3: {  	_ = 	snop;
	(pc) =	sbr.rel @!p0 .LBB2_5-.Ltmp6, $4  }
0xb4: {  	_ = 	snop  }
0xb5: {  	_ = 	snop  }
0xb6: {  	_ = 	snop  }
0xb7: {  	_ = 	snop  }
.LBB2_8:
0xb8: {  	_ =	sfence.sel $0x180000  }
0xb9: {  	[bflag:$0x0] =	sbarrier.arrive $0xFFFF  }
0xba: {  	_ =	strace $0x90000047  }
0xbb: {  	s0 =	stileid.u32;
	[bflag:$0x2] =	sbarrier.arrive $0xFFFF  }
0xbc: {  	p0 =	sne.s32 s0, $0x0;
	s0 =	rddreg [dreg:$0x3]  }
0xbd: {  	s0 =	sadd.s32 @!p0 $0x100000, s0  }
0xbe: {  	[sflag:s0] =	ssyncadd.tile.s32 @!p0 $0x1;
	_ =	shalt  }
.Lfunc_end2:
_tile_overlayer_lowered:
.L_overlay_start_2:
0xbf: {  	(tag) =	ssettag $0x2  }
0xc0: {  	s0 =	rddreg [dreg:$0x0];
	s2 =	stileid.u32  }
0xc1: {  	s1 =	rddreg [dreg:$0x1];
	p0 =	sne.s32 s2, $0x0  }
0xc2: {  	s3 =	rddreg [dreg:$0x2];
	[bflag:$0x3] =	sbarrier.arrive $0xFFFF;
	s2 =	simm.s32 @!p0 $0x1C11  }
0xc3: {  	[timem:s3], [sflag:s2] =	dma.local @!p0 [hbm:s0], s1  }
0xc4: {  	s0 =	simm.s32 @!p0 $0x11  }
0xc5: {  	_ =	swait.ge @!p0 [sflag:s0], s1  }
0xc6: {  	s1 =	ssub.s32 @!p0 $0x0, s1;
	[sflag:s0] =	ssyncset.done @!p0 $0x0  }
0xc7: {  	[sflag:s0] =	ssyncadd.s32 @!p0 s1  }
0xc8: {  	[bflag:$0x3] =	sbarrier.arrive $0xFFFF  }
0xc9: {  	_ =	shalt  }

// kernel: kernel.9.cloned.1.call-start
scs
__scs_entry_jumppad:
0x0: {  	(pc) =	sbr.rel $0x88, $3  }
0x1: {  	(tag) =	ssettag $0x0;
	lr =	simm.s32 $0x1  }
0x2: {  	[smem:$0x3F93] =	sst lr;
	_ =	strace $0xD0000000  }
0x3: {  	_ = 	snop  }
0x4: {  	_ = 	snop  }
0x5: {  	_ = 	snop  }
0x6: {  	_ = 	snop  }
0x7: {  	_ = 	snop  }
__scs_overlays_trampoline_lowered:
0x8: {  	[smem:$0x3FA2] =	sst s0  }
0x9: {  	[smem:$0x3FA3] =	sst s1  }
0xa: {  	[smem:$0x3FA4] =	sst s2  }
0xb: {  	[smem:$0x3FA5] =	sst s3  }
0xc: {  	[smem:$0x3FA6] =	sst s4  }
0xd: {  	[smem:$0x3FA7] =	sst s5  }
0xe: {  	[smem:$0x3FA8] =	sst s6  }
0xf: {  	[smem:$0x3FA9] =	sst s7  }
0x10: {  	[smem:$0x3FAA] =	sst s8  }
0x11: {  	[smem:$0x3FAB] =	sst s9;
	s0 =	simm.s32 @!p0 $0x0  }
0x12: {  	s1 =	sld [smem:$0x3F91];
	s0 =	simm.s32 @p0 $0x1  }
0x13: {  	[smem:$0x3FAC] =	sst s0;
	s0 =	simm.s32 @!p1 $0x0  }
0x14: {  	s2 =	sld [smem:$0x3F90];
	s0 =	simm.s32 @p1 $0x1  }
0x15: {  	[smem:$0x3FAD] =	sst s0;
	s0 =	simm.s32 @!p2 $0x0  }
0x16: {  	s3 =	sld [smem:$0x3FDB];
	s0 =	simm.s32 @p2 $0x1  }
0x17: {  	s4 =	simm.s32 $0x1BF5;
	[smem:$0x3FAF] =	sst s0  }
0x18: {  	s0 =	sld [smem:$0x3F92];
	_ =	swait.ge [sflag:s4], $0x0  }
0x19: {  	s7 =	sld [smem:$0x3F93]  }
0x1a: {  	s8 =	sadd.s32 $0xFFFFE003, lr  }
0x1b: {  	s9 =	sadd.s32 $0xFFFFFEF7, lr;
	s5 =	simm.s32 $0xFFFFFFFF;
	p2 =	slt.u32 s8, $0xFFFFF086  }
0x1c: {  	p1 =	slt.u32 s9, $0xF7A;
	s5 =	simm.s32 @!p2 $0x0  }
0x1d: {  	s5 =	simm.s32 @p1 $0x1;
	p0 =	seq.s32 s7, s2  }
0x1e: {  	s7 =	smul.u32 @!p0 $0xF7A, s2;
	p2 =	seq.s32 @!p0 s5, $0x0  }
0x1f: {  	s9 =	smul.u32 $0xF7A, s1;
	s8 =	simm.s32 @!p0 $0x1BF5;
	p2 =	por !p2, p0  }
0x20: {  	[sflag:s8] =	ssyncset.s32 @!p0 $0xFFFFF086;
	s6 =	sadd.s32 @!p0 s3, s7;
	s7 =	simm.s32 @!p0 $0x108  }
0x21: {  	s3 =	sadd.s32 s3, s9;
	s6 =	sadd.s32 @!p0 $0x88, s6;
	s7 =	simm.s32 @p2 $0x1082  }
0x22: {  	[simem:s7], [sflag:s8] =	dma.local @!p0 [hbm:s6], $0xF7A  }
0x23: {  	s9 =	sor.u32 $0xD0000000, s2;
	s6 =	simm.s32 $0x108;
	_ =	swait.ge @!p0 [sflag:s8], $0x0  }
0x24: {  	s3 =	sadd.s32 $0x88, s3;
	s6 =	simm.s32 @!p1 $0x1082;
	[sflag:s4] =	ssyncset.s32 $0xFFFFF086  }
0x25: {  	[simem:s6], [sflag:s4] =	dma.local [hbm:s3], $0xF7A  }
0x26: {  	[smem:$0x3F93] =	sst s1;
	(tag) =	ssettag s2;
	_ =	strace s9  }
0x27: {  	s1 =	sld [smem:$0x3FA3]  }
0x28: {  	s2 =	sld [smem:$0x3FA4]  }
0x29: {  	s4 =	sld [smem:$0x3FA6]  }
0x2a: {  	p0 =	seq.s32 s5, $0x0;
	s5 =	sld [smem:$0x3FA7]  }
0x2b: {  	s6 =	sld [smem:$0x3FA8]  }
0x2c: {  	s7 =	sld [smem:$0x3FA9]  }
0x2d: {  	s3 =	simm.s32 $0x108;
	s8 =	sld [smem:$0x3FAA]  }
0x2e: {  	s3 =	simm.s32 @!p0 $0x1082;
	s9 =	sld [smem:$0x3FAB]  }
0x2f: {  	lr =	sadd.s32 s0, s3;
	s0 =	sld [smem:$0x3FA2]  }
0x30: {  	s3 =	sld [smem:$0x3FA5]  }
0x31: {  	[smem:$0x3FAE] =	sst s10  }
0x32: {  	s10 =	sld [smem:$0x3FAC];
	_ =	sdelay $0x3  }
0x33: {  	p0 =	seq.s32 s10, $0x1;
	s10 =	sld [smem:$0x3FAE];
	_ =	sdelay $0x3  }
0x34: {  	[smem:$0x3FAE] =	sst s10  }
0x35: {  	s10 =	sld [smem:$0x3FAD];
	_ =	sdelay $0x3  }
0x36: {  	p1 =	seq.s32 s10, $0x1;
	s10 =	sld [smem:$0x3FAE];
	_ =	sdelay $0x3  }
0x37: {  	[smem:$0x3FAE] =	sst s10  }
0x38: {  	s10 =	sld [smem:$0x3FAF]  }
0x39: {  	_ = 	snop;
	(pc) =	sbr.ind lr, $3  }
0x3a: {  	_ = 	snop  }
0x3b: {  	_ = 	snop  }
0x3c: {  	p2 =	seq.s32 s10, $0x1;
	s10 =	sld [smem:$0x3FAE]  }
0x3d: {  	_ =	shalt  }
0x3e: {  	_ =	shalt  }
0x3f: {  	_ =	shalt  }
0x40: {  	_ =	shalt  }
0x41: {  	_ =	shalt  }
0x42: {  	_ =	shalt  }
0x43: {  	_ =	shalt  }
0x44: {  	_ =	shalt  }
0x45: {  	_ =	shalt  }
0x46: {  	_ =	shalt  }
0x47: {  	_ =	shalt  }
0x48: {  	_ =	shalt  }
0x49: {  	_ =	shalt  }
0x4a: {  	_ =	shalt  }
0x4b: {  	_ =	shalt  }
0x4c: {  	_ =	shalt  }
0x4d: {  	_ =	shalt  }
0x4e: {  	_ =	shalt  }
0x4f: {  	_ =	shalt  }
0x50: {  	_ =	shalt  }
0x51: {  	_ =	shalt  }
0x52: {  	_ =	shalt  }
0x53: {  	_ =	shalt  }
0x54: {  	_ =	shalt  }
0x55: {  	_ =	shalt  }
0x56: {  	_ =	shalt  }
0x57: {  	_ =	shalt  }
0x58: {  	_ =	shalt  }
0x59: {  	_ =	shalt  }
0x5a: {  	_ =	shalt  }
0x5b: {  	_ =	shalt  }
0x5c: {  	_ =	shalt  }
0x5d: {  	_ =	shalt  }
0x5e: {  	_ =	shalt  }
0x5f: {  	_ =	shalt  }
0x60: {  	_ =	shalt  }
0x61: {  	_ =	shalt  }
0x62: {  	_ =	shalt  }
0x63: {  	_ =	shalt  }
0x64: {  	_ =	shalt  }
0x65: {  	_ =	shalt  }
0x66: {  	_ =	shalt  }
0x67: {  	_ =	shalt  }
0x68: {  	_ =	shalt  }
0x69: {  	_ =	shalt  }
0x6a: {  	_ =	shalt  }
0x6b: {  	_ =	shalt  }
0x6c: {  	_ =	shalt  }
0x6d: {  	_ =	shalt  }
0x6e: {  	_ =	shalt  }
0x6f: {  	_ =	shalt  }
0x70: {  	_ =	shalt  }
0x71: {  	_ =	shalt  }
0x72: {  	_ =	shalt  }
0x73: {  	_ =	shalt  }
0x74: {  	_ =	shalt  }
0x75: {  	_ =	shalt  }
0x76: {  	_ =	shalt  }
0x77: {  	_ =	shalt  }
0x78: {  	_ =	shalt  }
0x79: {  	_ =	shalt  }
0x7a: {  	_ =	shalt  }
0x7b: {  	_ =	shalt  }
0x7c: {  	_ =	shalt  }
0x7d: {  	_ =	shalt  }
0x7e: {  	_ =	shalt  }
0x7f: {  	_ =	shalt  }
0x80: {  	_ =	shalt  }
0x81: {  	_ =	shalt  }
0x82: {  	_ =	shalt  }
0x83: {  	_ =	shalt  }
0x84: {  	_ =	shalt  }
0x85: {  	_ =	shalt  }
0x86: {  	_ =	shalt  }
0x87: {  	_ =	shalt  }
.Lfunc_end0:
.L_simem_size_0:
called_computation.1_lowered:
.L_overlay_start_0:
0x88: {  	s2 =	sld [smem:$0x3FD9]  }
0x89: {  	s3 =	sld [smem:$0x3FFE];
	_ =	sdelay $0x1  }
0x8a: {  	s1 =	srdreg.scid  }
0x8b: {  	s0 =	sand.u32 $0x1, s1  }
0x8c: {  	s17 =	sshll.u32 s0, $0xA;
	s2 =	sadd.s32 s3, s2  }
0x8d: {  	s2 =	sadd.s32 s2, s17  }
0x8e: {  	[smem:$0x3FBA] =	sst s2  }
0x8f: {  	_ = 	snop  }
0x90: {  	s2 =	sld [smem:$0x3FD0];
	(tm) =	ssettm $0x1  }
0x91: {  	s18 =	sld [smem:$0x3FFB];
	_ =	sdelay $0x3  }
0x92: {  	_ =	strace s18  }
0x93: {  	s3 =	sld [smem:$0x3FFC];
	_ =	sdelay $0x3  }
0x94: {  	_ =	strace s3  }
0x95: {  	s3 =	sld [smem:$0x3FFD];
	_ =	sdelay $0x3  }
0x96: {  	_ =	strace s3  }
0x97: {  	_ =	strace $0x8FFFFFFF  }
0x98: {  	s19 =	sld [smem:$0x3FDB];
	_ =	sdelay $0x1  }
0x99: {  	s4 =	simm.s32 $_scs_section_size  }
0x9a: {  	s5 =	simm.s32 $_size__tile_overlayer_lowered;
	s6 =	simm.s32 $_tile_overlayer_lowered  }
0x9b: {  	s22 =	simm.s32 $0x1BFF;
	s21 =	sshll.u32 s6, $0x1;
	s3 =	sadd.s32 s4, s19  }
0x9c: {  	s7 =	simm.s32 $0x0;
	s20 =	sshll.u32 s5, $0x1;
	s5 =	sadd.s32 s21, s3  }
0x9d: {  	[timem:s7], [sflag:s22] =	dma.local [hbm:s5], s20  }
0x9e: {  	_ =	swait.ge [sflag:s22], s20  }
0x9f: {  	s4 =	ssub.s32 $0x0, s20;
	[sflag:s22] =	ssyncset.done $0x0  }
0xa0: {  	[sflag:s22] =	ssyncadd.s32 s4;
	_ =	sdelay $0x1  }
0xa1: {  	s23 =	simm.s32 $0x1B8B  }
0xa2: {  	_ =	swait.ge [sflag:s23], $0x1  }
0xa3: {  	[sflag:s23] =	ssyncset.done $0x0  }
0xa4: {  	s25 =	simm.s32 $0x1B8E;
	s24 =	sld [smem:$0x3FFE];
	[sflag:s23] =	ssyncadd.s32 $0xFFFFFFFF  }
0xa5: {  	s26 =	simm.s32 $execute0_lowered;
	[smem:$0x3FD2] =	sst s25  }
0xa6: {  	s5 =	sshll.u32 s26, $0x1;
	_ =	strace $0x80000049;
	[dreg:$0x1] =	wrdreg $0xFFFFFFFF  }
0xa7: {  	s28 =	simm.s32 $_size_execute0_lowered;
	s3 =	sadd.s32 s3, s5;
	[dreg:$0x0] =	wrdreg $0x0  }
0xa8: {  	s5 =	sshll.u32 s28, $0x1;
	[dreg:$0x2] =	wrdreg s3  }
0xa9: {  	[dreg:$0x3] =	wrdreg s5  }
0xaa: {  	[dreg:$0x4] =	wrdreg $0xC0  }
0xab: {  	_ =	task [dreg:s7], $0x5FFFF  }
0xac: {  	[dreg:$0x1] =	wrdreg $0xFFFFFFFF  }
0xad: {  	[dreg:$0x0] =	wrdreg $0x60  }
0xae: {  	[dreg:$0x2] =	wrdreg s2  }
0xaf: {  	[dreg:$0x3] =	wrdreg s24  }
0xb0: {  	[dreg:$0x4] =	wrdreg $0x58000  }
0xb1: {  	[dreg:$0x5] =	wrdreg $0x9  }
0xb2: {  	_ =	task.clear_ibuf [dreg:s7], $0x6FFFF;
	_ =	strace $0x90000049  }
0xb3: {  	s29 =	simm.s32 $0x9;
	_ =	strace $0x8000004B  }
0xb4: {  	_ =	swait.ge [sflag:s29], $0x1  }
0xb5: {  	[sflag:s29] =	ssyncadd.s32 $0xFFFFFFFF  }
0xb6: {  	_ =	strace $0x9000004B  }
0xb7: {  	_ =	sfence  }
0xb8: {  	s30 =	sld [smem:$0x0];
	_ =	sdelay $0x2  }
0xb9: {  	s31 =	sshll.u32 s1, $0xD;
	s1 =	sshrl.u32 s1, $0x2  }
0xba: {  	s3 =	sand.u32 $0x4000, s31;
	s1 =	sadd.s32 s1, s30  }
0xbb: {  	s0 =	sor.u32 s3, s0;
	s1 =	sshll.u32 s1, $0x11  }
0xbc: {  	s0 =	sor.u32 s1, s0  }
0xbd: {  	s0 =	sadd.s32 $0x8F2B, s0  }
0xbe: {  	[sflag:s0] =	ssyncadd.remote.s32 $0x1  }
0xbf: {  	_ =	sfence.sel $0xFFFF  }
0xc0: {  	[dreg:$0x0] =	wrdreg $0xFFFFFFFF;
	(pc) =	sbr.abs _section_cstart, $3  }
0xc1: {  	[dreg:$0x1] =	wrdreg $0xFFFFFFFF  }
0xc2: {  	_ =	task.clear_ibuf [dreg:s7], $0x2FFFF;
	_ =	strace $0x9FFFFFFF  }
0xc3: {  	(tm) =	ssettm $0x7FFFFFFF  }
tec
execute0_lowered:
.L_overlay_start_1:
0x0: {  	(tag) =	ssettag $0x1  }
0x1: {  	s1 =	rddreg [dreg:$0x0]  }
0x2: {  	s0 =	rddreg [dreg:$0x1]  }
0x3: {  	s3 =	rddreg [dreg:$0x2];
	s4 =	simm.s32 $0x0;
	s2 =	srdreg.scid  }
0x4: {  	s11 =	stileid.u32;
	[smem:$0x7FF] =	sst s4;
	s2 =	sand.u32 $0x1, s2  }
0x5: {  	s5 =	smul.u32 $0x2780, s11;
	s8 =	sadd.s32 $0xC600, s0;
	s9 =	sadd.s32 $0x2800, s0  }
0x6: {  	s10 =	sadd.s32 $0x16400, s0;
	s19 =	smul.u32 $0x4F000, s11;
	_ =	strace $0x8000004A  }
0x7: {  	s6 =	smul.u32 $0x27800, s2;
	s7 =	sshll.u32 s2, $0x4;
	s13 =	ssub.s32 $0x2, s2  }
0x8: {  	[dreg:$0x4] =	wrdreg s10;
	s2 =	smul.u32 $0x27100, s2;
	s7 =	sor.u32 s11, s7  }
0x9: {  	s14 =	sshrl.u32 s13, $0x1;
	s11 =	smul.u32 $0x2710, s11;
	s5 =	sadd.s32 s5, s6  }
0xa: {  	s22 =	sshrl.u32 s19, $0x2;
	s7 =	smul.u32 $0x2710, s7;
	s0 =	sadd.s32 s5, s0  }
0xb: {  	s5 =	ssub.s32 s13, s14;
	s14 =	sadd.s32 s22, s3;
	s2 =	sadd.s32 s11, s2  }
0xc: {  	s15 =	sshrl.u32 s7, $0x3;
	s16 =	sadd.s32 $0x28, s7;
	s7 =	sadd.s32 $0x78, s7  }
0xd: {  	s23 =	sadd.s32 $0x2800, s14;
	s2 =	sadd.s32 $0xA0, s2;
	s24 =	sadd.s32 $0x3C00, s14  }
0xe: {  	s25 =	sadd.s32 $0x5000, s14;
	s26 =	sadd.s32 $0x6400, s14;
	s28 =	sadd.s32 $0xB400, s14  }
0xf: {  	s29 =	sadd.s32 $0xC800, s14;
	s30 =	sadd.s32 $0xDC00, s14;
	s31 =	sadd.s32 $0xF000, s14  }
0x10: {  	s12 =	sadd.s32 s8, s15;
	s17 =	sadd.s32 s9, s15;
	[dreg:$0xe] =	wrdreg s23  }
0x11: {  	s10 =	sshrl.u32 s16, $0x3;
	s6 =	sadd.s32 $0xA, s15;
	[dreg:$0xf] =	wrdreg s24  }
0x12: {  	s7 =	sshrl.u32 s7, $0x3;
	[dreg:$0x10] =	wrdreg s25;
	s2 =	sshrl.u32 s2, $0x3  }
0x13: {  	[dreg:$0x11] =	wrdreg s26;
	s23 =	sadd.s32 $0x8C00, s14;
	s24 =	sadd.s32 $0x16800, s0  }
0x14: {  	s25 =	smax.u32 s5, $0x1;
	s26 =	sadd.s32 $0xA000, s14;
	[dreg:$0x5] =	wrdreg s12  }
0x15: {  	s0 =	sadd.s32 $0x10400, s14;
	[dreg:$0x6] =	wrdreg s17;
	s18 =	sadd.s32 s8, s10  }
0x16: {  	s5 =	sadd.s32 $0x12C00, s14;
	s10 =	sadd.s32 s9, s10;
	[dreg:$0x7] =	wrdreg s18  }
0x17: {  	s20 =	sadd.s32 s8, s6;
	s6 =	sadd.s32 s9, s6;
	[dreg:$0x8] =	wrdreg s10  }
0x18: {  	s21 =	sadd.s32 s8, s7;
	s7 =	sadd.s32 s9, s7;
	[dreg:$0x9] =	wrdreg s20  }
.Ltmp0:
0x19: {  	s13 =	sadd.s32 s2, s9;
	[dreg:$0xa] =	wrdreg s6;
	(pc) =	sbr.rel .LBB2_1-.Ltmp0, $4  }
0x1a: {  	s12 =	sadd.s32 s2, s8;
	s2 =	sadd.s32 $0x11800, s14;
	[dreg:$0xb] =	wrdreg s21  }
0x1b: {  	s8 =	simm.s32 $0xD;
	s9 =	simm.s32 $0x28;
	[dreg:$0xc] =	wrdreg s7  }
0x1c: {  	s6 =	sadd.s32 $0x1400, s14;
	s20 =	sadd.s32 $0x7800, s14;
	s7 =	simm.s32 $0x11  }
0x1d: {  	s10 =	simm.s32 $0x0;
	[dreg:$0xd] =	wrdreg s6;
	s6 =	simm.s32 $0x800  }
.LBB2_7:
0x1e: {  	s11 =	stileid.u32;
	s10 =	sadd.s32 $0x1, s10  }
0x1f: {  	[bflag:$0x0] =	sbarrier.arrive $0xFFFF;
	s11 =	sshll.u32 s11, $0x6;
	p0 =	sne.s32 s10, s25  }
.Ltmp1:
0x20: {  	s15 =	sshrl.u32 s14, $0x3;
	s11 =	sor.u32 $0x1C11, s11;
	(pc) =	sbr.rel @!p0 .LBB2_8-.Ltmp1, $4  }
0x21: {  	[hbm:s24], [sflag:s11] =	dma.local [spmem:s15], $0x2780  }
0x22: {  	_ =	swait.ge [sflag:s7], $0x2780  }
0x23: {  	[sflag:s7] =	ssyncset.done $0x0  }
0x24: {  	[sflag:s7] =	ssyncadd.s32 $0xFFFFD880  }
.LBB2_1:
0x25: {  	s11 =	rddreg [dreg:$0x5]  }
0x26: {  	[tilespmem:s4], [sflag:$0x1] =	stream.linear.gather [hbm4b:s11+s4], $0x28, $0x38;
	[tilespmem:$0x19400] =	vst v63  }
0x27: {  	s22 =	rddreg [dreg:$0x6];
	s15 =	simm.s32 $0x400  }
0x28: {  	[tilespmem:s15], [sflag:$0x1] =	stream.linear.gather [hbm4b:s22+s4], $0x28, $0x38;
	[tilespmem:$0x19400] =	vst v63  }
0x29: {  	s16 =	rddreg [dreg:$0x7];
	s17 =	simm.s32 $0x80  }
0x2a: {  	[tilespmem:s17], [sflag:$0x2] =	stream.linear.gather [hbm4b:s16+s4], $0x28, $0x38;
	[tilespmem:$0x19400] =	vst v63  }
0x2b: {  	s18 =	rddreg [dreg:$0x8];
	s19 =	simm.s32 $0x480  }
0x2c: {  	[tilespmem:s19], [sflag:$0x2] =	stream.linear.gather [hbm4b:s18+s4], $0x28, $0x38;
	[tilespmem:$0x19400] =	vst v63  }
0x2d: {  	s21 =	rddreg [dreg:$0x9];
	s22 =	simm.s32 $0x100  }
0x2e: {  	[tilespmem:s22], [sflag:$0x3] =	stream.linear.gather [hbm4b:s21+s4], $0x28, $0x38;
	[tilespmem:$0x19400] =	vst v63  }
0x2f: {  	s16 =	rddreg [dreg:$0xa];
	s17 =	simm.s32 $0x500  }
0x30: {  	[tilespmem:s17], [sflag:$0x3] =	stream.linear.gather [hbm4b:s16+s4], $0x28, $0x38;
	[tilespmem:$0x19400] =	vst v63  }
0x31: {  	s18 =	rddreg [dreg:$0xb];
	s19 =	simm.s32 $0x180  }
0x32: {  	[tilespmem:s19], [sflag:$0x4] =	stream.linear.gather [hbm4b:s18+s4], $0x28, $0x38;
	[tilespmem:$0x19400] =	vst v63  }
0x33: {  	s21 =	rddreg [dreg:$0xc];
	s22 =	simm.s32 $0x580  }
0x34: {  	[tilespmem:s22], [sflag:$0x4] =	stream.linear.gather [hbm4b:s21+s4], $0x28, $0x38;
	[tilespmem:$0x19400] =	vst v63  }
0x35: {  	s16 =	rddreg [dreg:$0x4]  }
0x36: {  	[tilespmem:s6], [sflag:$0x11] =	stream.linear.gather [hbm4b:s16+s4], $0x1400, $0x38;
	[tilespmem:$0x19400] =	vst v63  }
0x37: {  	_ =	swait.ge [sflag:s7], $0x1400  }
0x38: {  	[sflag:s7] =	ssyncset.done $0x0  }
0x39: {  	[sflag:s7] =	ssyncadd.s32 $0xFFFFEC00  }
0x3a: {  	[spmem:s14] =	stream.linear.scatter [tilespmem:s6], [sflag:$0xD], $0x1400, $0x38;
	[tilespmem:$0x19400] =	vst v63  }
0x3b: {  	s17 =	rddreg [dreg:$0xd]  }
0x3c: {  	[spmem:s17] =	stream.linear.scatter [tilespmem:s6], [sflag:$0xD], $0x1400, $0x38;
	[tilespmem:$0x19400] =	vst v63  }
0x3d: {  	s18 =	rddreg [dreg:$0xe]  }
0x3e: {  	[spmem:s18] =	stream.linear.scatter [tilespmem:s6], [sflag:$0xD], $0x1400, $0x38;
	[tilespmem:$0x19400] =	vst v63  }
0x3f: {  	s19 =	rddreg [dreg:$0xf]  }
0x40: {  	[spmem:s19] =	stream.linear.scatter [tilespmem:s6], [sflag:$0xD], $0x1400, $0x38;
	[tilespmem:$0x19400] =	vst v63  }
0x41: {  	s21 =	rddreg [dreg:$0x10]  }
0x42: {  	[spmem:s21] =	stream.linear.scatter [tilespmem:s6], [sflag:$0xD], $0x1400, $0x38;
	[tilespmem:$0x19400] =	vst v63  }
0x43: {  	s22 =	rddreg [dreg:$0x11]  }
0x44: {  	[spmem:s22] =	stream.linear.scatter [tilespmem:s6], [sflag:$0xD], $0x1400, $0x38;
	[tilespmem:$0x19400] =	vst v63  }
0x45: {  	_ = 	snop  }
0x46: {  	[spmem:s20] =	stream.linear.scatter [tilespmem:s6], [sflag:$0xD], $0x1400, $0x38;
	[tilespmem:$0x19400] =	vst v63  }
0x47: {  	_ = 	snop  }
0x48: {  	[spmem:s23] =	stream.linear.scatter [tilespmem:s6], [sflag:$0xD], $0x1400, $0x38;
	[tilespmem:$0x19400] =	vst v63  }
0x49: {  	_ = 	snop  }
0x4a: {  	[spmem:s26] =	stream.linear.scatter [tilespmem:s6], [sflag:$0xD], $0x1400, $0x38;
	[tilespmem:$0x19400] =	vst v63  }
0x4b: {  	_ = 	snop  }
0x4c: {  	[spmem:s28] =	stream.linear.scatter [tilespmem:s6], [sflag:$0xD], $0x1400, $0x38;
	[tilespmem:$0x19400] =	vst v63  }
0x4d: {  	_ = 	snop  }
0x4e: {  	[spmem:s29] =	stream.linear.scatter [tilespmem:s6], [sflag:$0xD], $0x1400, $0x38;
	[tilespmem:$0x19400] =	vst v63  }
0x4f: {  	_ = 	snop  }
0x50: {  	[spmem:s30] =	stream.linear.scatter [tilespmem:s6], [sflag:$0xD], $0x1400, $0x38;
	[tilespmem:$0x19400] =	vst v63  }
0x51: {  	_ = 	snop  }
0x52: {  	[spmem:s31] =	stream.linear.scatter [tilespmem:s6], [sflag:$0xD], $0x1400, $0x38;
	[tilespmem:$0x19400] =	vst v63  }
0x53: {  	_ = 	snop  }
0x54: {  	[spmem:s0] =	stream.linear.scatter [tilespmem:s6], [sflag:$0xD], $0x1400, $0x38;
	[tilespmem:$0x19400] =	vst v63  }
0x55: {  	_ = 	snop  }
0x56: {  	[spmem:s2] =	stream.linear.scatter [tilespmem:s6], [sflag:$0xD], $0x1400, $0x38;
	[tilespmem:$0x19400] =	vst v63  }
0x57: {  	_ = 	snop  }
0x58: {  	[spmem:s5] =	stream.linear.scatter [tilespmem:s6], [sflag:$0xD], $0x1000, $0x38;
	[tilespmem:$0x19400] =	vst v63  }
0x59: {  	_ =	swait.ge [sflag:s8], $0x1400  }
0x5a: {  	[sflag:s8] =	ssyncset.done $0x0  }
0x5b: {  	[sflag:s8] =	ssyncadd.s32 $0xFFFFEC00  }
0x5c: {  	_ =	swait.ge [sflag:s8], $0x1400  }
0x5d: {  	[sflag:s8] =	ssyncset.done $0x0  }
0x5e: {  	[sflag:s8] =	ssyncadd.s32 $0xFFFFEC00  }
0x5f: {  	_ =	swait.ge [sflag:s8], $0x1400  }
0x60: {  	[sflag:s8] =	ssyncset.done $0x0  }
0x61: {  	[sflag:s8] =	ssyncadd.s32 $0xFFFFEC00  }
0x62: {  	_ =	swait.ge [sflag:s8], $0x1400  }
0x63: {  	[sflag:s8] =	ssyncset.done $0x0  }
0x64: {  	[sflag:s8] =	ssyncadd.s32 $0xFFFFEC00  }
0x65: {  	_ =	swait.ge [sflag:s8], $0x1400  }
0x66: {  	[sflag:s8] =	ssyncset.done $0x0  }
0x67: {  	[sflag:s8] =	ssyncadd.s32 $0xFFFFEC00  }
0x68: {  	_ =	swait.ge [sflag:s8], $0x1400  }
0x69: {  	[sflag:s8] =	ssyncset.done $0x0  }
0x6a: {  	[sflag:s8] =	ssyncadd.s32 $0xFFFFEC00  }
0x6b: {  	_ =	swait.ge [sflag:s8], $0x1400  }
0x6c: {  	[sflag:s8] =	ssyncset.done $0x0  }
0x6d: {  	[sflag:s8] =	ssyncadd.s32 $0xFFFFEC00  }
0x6e: {  	_ =	swait.ge [sflag:s8], $0x1400  }
0x6f: {  	[sflag:s8] =	ssyncset.done $0x0  }
0x70: {  	[sflag:s8] =	ssyncadd.s32 $0xFFFFEC00  }
0x71: {  	_ =	swait.ge [sflag:s8], $0x1400  }
0x72: {  	[sflag:s8] =	ssyncset.done $0x0  }
0x73: {  	[sflag:s8] =	ssyncadd.s32 $0xFFFFEC00  }
0x74: {  	_ =	swait.ge [sflag:s8], $0x1400  }
0x75: {  	[sflag:s8] =	ssyncset.done $0x0  }
0x76: {  	[sflag:s8] =	ssyncadd.s32 $0xFFFFEC00  }
0x77: {  	_ =	swait.ge [sflag:s8], $0x1400  }
0x78: {  	[sflag:s8] =	ssyncset.done $0x0  }
0x79: {  	[sflag:s8] =	ssyncadd.s32 $0xFFFFEC00  }
0x7a: {  	_ =	swait.ge [sflag:s8], $0x1400  }
0x7b: {  	[sflag:s8] =	ssyncset.done $0x0  }
0x7c: {  	[sflag:s8] =	ssyncadd.s32 $0xFFFFEC00  }
0x7d: {  	_ =	swait.ge [sflag:s8], $0x1400  }
0x7e: {  	[sflag:s8] =	ssyncset.done $0x0  }
0x7f: {  	[sflag:s8] =	ssyncadd.s32 $0xFFFFEC00  }
0x80: {  	_ =	swait.ge [sflag:s8], $0x1400  }
0x81: {  	[sflag:s8] =	ssyncset.done $0x0  }
0x82: {  	[sflag:s8] =	ssyncadd.s32 $0xFFFFEC00  }
0x83: {  	_ =	swait.ge [sflag:s8], $0x1400  }
0x84: {  	[sflag:s8] =	ssyncset.done $0x0  }
0x85: {  	[sflag:s8] =	ssyncadd.s32 $0xFFFFEC00  }
.Ltmp2:
0x86: {  	_ =	swait.ge [sflag:s8], $0x1000;
	(pc) =	sbr.rel .LBB2_2-.Ltmp2, $4  }
0x87: {  	[sflag:s8] =	ssyncset.done $0x0  }
0x88: {  	[sflag:s8] =	ssyncadd.s32 $0xFFFFF000  }
0x89: {  	s11 =	simm.s32 $0xFFFFFA00;
	[bflag:$0x0] =	sbarrier.arrive $0xFFFF  }
0x8a: {  	s15 =	simm.s32 $0x0;
	s21 =	smov.u32 s13;
	s22 =	smov.u32 s12  }
.LBB2_3:
0x8b: {  	s17 =	sadd.s32 $0x4, s15  }
0x8c: {  	s17 =	sand.u32 $0x7, s17  }
0x8d: {  	s18 =	sadd.s32 $0x1, s17;
	s17 =	sshll.u32 s17, $0x7  }
0x8e: {  	[tilespmem:s17], [sflag:s18] =	stream.linear.gather [hbm4b:s22+s4], $0x28, $0x38;
	[tilespmem:$0x19400] =	vst v63  }
0x8f: {  	s16 =	smov.u32 @p0 s15;
	s17 =	sor.u32 $0x400, s17  }
0x90: {  	[tilespmem:s17], [sflag:s18] =	stream.linear.gather [hbm4b:s21+s4], $0x28, $0x38;
	[tilespmem:$0x19400] =	vst v63  }
.LBB2_5:
0x91: {  	s17 =	sand.u32 $0x7, s15  }
0x92: {  	s18 =	sadd.s32 $0x1, s17  }
0x93: {  	_ =	swait.ge [sflag:s18], $0x28  }
0x94: {  	[sflag:s18] =	ssyncset.done $0x0  }
0x95: {  	s19 =	smul.u32 $0x5000, s16;
	[sflag:s18] =	ssyncadd.s32 $0xFFFFFFD8  }
0x96: {  	_ =	swait.ge [sflag:s18], $0x28  }
0x97: {  	s17 =	sshll.u32 s17, $0x7;
	s19 =	sshra.s32 s19, $0x2;
	[sflag:s18] =	ssyncset.done $0x0  }
0x98: {  	[sflag:s18] =	ssyncadd.s32 $0xFFFFFFD8;
	s18 =	sadd.s32 $0x800, s19;
	s19 =	sadd.s32 $0x9, s16  }
0x99: {  	[tilespmem:s18], [sflag:s19] =	stream.indirect.gather [hbm4b:s1+s9], $0x80, s17, s9, $0xb8;
	[tilespmem:$0x19400] =	vst v63  }
.LBB2_6:
0x9a: {  	p0 =	slt.u32 s15, $0x3  }
0x9b: {  	p1 =	seq.s32 @!p0 s15, $0xFD  }
0x9c: {  	p0 =	por p1, p0  }
0x9d: {  	s16 =	sadd.s32 @!p0 $0xFFFFFFFD, s15  }
0x9e: {  	s16 =	sand.u32 @!p0 $0x3, s16  }
0x9f: {  	s18 =	sadd.s32 @!p0 $0x9, s16  }
0xa0: {  	s19 =	sand.u32 @!p0 $0xE00, s11;
	s17 =	smul.u32 @!p0 $0x5000, s16;
	_ =	swait.ge @!p0 [sflag:s18], $0x1400  }
0xa1: {  	s15 =	sadd.s32 $0x1, s15;
	s16 =	sadd.s32 @!p0 $0xD, s16;
	[sflag:s18] =	ssyncset.done @!p0 $0x0  }
0xa2: {  	s17 =	sshrl.u32 @!p0 s17, $0x2;
	[sflag:s18] =	ssyncadd.s32 @!p0 $0xFFFFEC00;
	s18 =	sshrl.u32 @!p0 s19, $0x2  }
0xa3: {  	s17 =	sadd.s32 @!p0 $0x800, s17;
	s19 =	simm.s32 @!p0 $0x28;
	s18 =	sor.u32 @!p0 $0x400, s18  }
0xa4: {  	[spmem:s3] =	stream.indirect.scatter.add.f32 @!p0 [tilespmem:s17], [sflag:s16], $0x80, s18, s19, $0xb8;
	[tilespmem:$0x19400] =	vst v63  }
0xa5: {  	p0 =	sne.s32 s15, $0xFE  }
.Ltmp3:
0xa6: {  	_ = 	snop;
	(pc) =	sbr.rel @!p0 .LBB2_7-.Ltmp3, $2  }
0xa7: {  	_ =	sdelay $0x2  }
0xa8: {  	s21 =	sadd.s32 $0x5, s21;
	s22 =	sadd.s32 $0x5, s22;
	s11 =	sadd.s32 $0x200, s11  }
.LBB2_2:
0xa9: {  	p0 =	slt.u32 s15, $0x4  }
0xaa: {  	p1 =	sgt.u32 @!p0 s15, $0xF5  }
0xab: {  	p1 =	por p0, !p1  }
.Ltmp4:
0xac: {  	s16 =	sand.u32 @!p0 $0x3, s15;
	(pc) =	sbr.rel @p1 .LBB2_3-.Ltmp4, $4  }
0xad: {  	s17 =	sadd.s32 @!p0 $0xD, s16  }
0xae: {  	_ =	swait.ge @!p0 [sflag:s17], $0x1400  }
0xaf: {  	[sflag:s17] =	ssyncset.done @!p0 $0x0  }
0xb0: {  	[sflag:s17] =	ssyncadd.s32 @!p0 $0xFFFFEC00  }
0xb1: {  	p0 =	sgt.u32 s15, $0xF9  }
.Ltmp5:
0xb2: {  	_ = 	snop;
	(pc) =	sbr.rel @p0 .LBB2_6-.Ltmp5, $4  }
.Ltmp6:
0xb3: {  	_ = 	snop;
	(pc) =	sbr.rel @!p0 .LBB2_5-.Ltmp6, $4  }
0xb4: {  	_ = 	snop  }
0xb5: {  	_ = 	snop  }
0xb6: {  	_ = 	snop  }
0xb7: {  	_ = 	snop  }
.LBB2_8:
0xb8: {  	_ =	sfence.sel $0x180000  }
0xb9: {  	[bflag:$0x0] =	sbarrier.arrive $0xFFFF  }
0xba: {  	_ =	strace $0x9000004A  }
0xbb: {  	s0 =	stileid.u32;
	[bflag:$0x2] =	sbarrier.arrive $0xFFFF  }
0xbc: {  	p0 =	sne.s32 s0, $0x0;
	s0 =	rddreg [dreg:$0x3]  }
0xbd: {  	s0 =	sadd.s32 @!p0 $0x100000, s0  }
0xbe: {  	[sflag:s0] =	ssyncadd.tile.s32 @!p0 $0x1;
	_ =	shalt  }
.Lfunc_end2:
_tile_overlayer_lowered:
.L_overlay_start_2:
0xbf: {  	(tag) =	ssettag $0x2  }
0xc0: {  	s0 =	rddreg [dreg:$0x0];
	s2 =	stileid.u32  }
0xc1: {  	s1 =	rddreg [dreg:$0x1];
	p0 =	sne.s32 s2, $0x0  }
0xc2: {  	s3 =	rddreg [dreg:$0x2];
	[bflag:$0x3] =	sbarrier.arrive $0xFFFF;
	s2 =	simm.s32 @!p0 $0x1C11  }
0xc3: {  	[timem:s3], [sflag:s2] =	dma.local @!p0 [hbm:s0], s1  }
0xc4: {  	s0 =	simm.s32 @!p0 $0x11  }
0xc5: {  	_ =	swait.ge @!p0 [sflag:s0], s1  }
0xc6: {  	s1 =	ssub.s32 @!p0 $0x0, s1;
	[sflag:s0] =	ssyncset.done @!p0 $0x0  }
0xc7: {  	[sflag:s0] =	ssyncadd.s32 @!p0 s1  }
0xc8: {  	[bflag:$0x3] =	sbarrier.arrive $0xFFFF  }
0xc9: {  	_ =	shalt  }

</sc_bundles>
